<compile_context>
chip_gen: v7x
topology: tpu7x:2x2x1
jax: 0.10.2.dev20260603
libtpu: 0.0.44.dev20260713+nightly
codegen_flags: <defaults>
</compile_context>

<pallas_src>
import functools

import jax
import jax.numpy as jnp
from jax import lax
from jax.experimental import pallas as pl
from jax.experimental.pallas import tpu as pltpu
from jax.experimental.pallas import tpu_sc as plsc

NC = 2
NS = 16
NW = NC * NS

NSAMP = 16384
NCOL = 26
D = 128
S_PER_W = NSAMP // NW
GR = 64
KPC = S_PER_W // GR
NCHUNK = NCOL * KPC
NBUF = 8
LA = 4
NROUND = NCHUNK // NBUF


def _body(idx_hbm, table_hbm, out_hbm, idx_v, rows_v, *sems):
    sems_g, sems_w = sems[:NBUF], sems[NBUF:]
    wid = lax.axis_index("s") * NC + lax.axis_index("c")
    sample_base = wid * S_PER_W
    pltpu.sync_copy(idx_hbm.at[:, pl.ds(sample_base, S_PER_W)], idx_v)

    def idx_vec(g):
        return idx_v.at[g // KPC].at[pl.ds((g % KPC) * GR, GR)]

    def start_gather(g, b):
        pltpu.async_copy(table_hbm.at[idx_vec(g)], rows_v.at[b], sems_g[b])

    def wait_gather(b):
        pltpu.make_async_copy(
            table_hbm.at[idx_vec(0)], rows_v.at[b], sems_g[b]).wait()

    def wait_write(b):
        pltpu.make_async_copy(
            rows_v.at[b], out_hbm.at[0].at[pl.ds(0, GR)], sems_w[b]).wait()

    def visit(g, b, do_wait_w, do_gather):
        bw = (b + LA) % NBUF
        if do_wait_w:
            wait_write(bw)
        if do_gather:
            start_gather(g + LA, bw)
        wait_gather(b)
        c = g // KPC
        j0 = sample_base + (g % KPC) * GR
        pltpu.async_copy(rows_v.at[b], out_hbm.at[c].at[pl.ds(j0, GR)],
                         sems_w[b])

    for k in range(LA):
        start_gather(k, k)

    for b in range(NBUF):
        visit(b, b, b >= NBUF - LA, True)

    def round_body(r, carry):
        g0 = r * NBUF
        for b in range(NBUF):
            visit(g0 + b, b, True, True)
        return carry

    lax.fori_loop(1, NROUND - 1, round_body, 0)

    g0 = (NROUND - 1) * NBUF
    for b in range(NBUF):
        visit(g0 + b, b, True, g0 + b + LA < NCHUNK)

    for b in range(LA, NBUF):
        wait_write(b)


_gather_call = functools.partial(
    pl.kernel,
    out_type=jax.ShapeDtypeStruct((NCOL, NSAMP, D), jnp.float32),
    mesh=plsc.VectorSubcoreMesh(core_axis_name="c", subcore_axis_name="s"),
    scratch_types=[
        pltpu.VMEM((NCOL, S_PER_W), jnp.int32),
        pltpu.VMEM((NBUF, GR, D), jnp.float32),
    ] + [pltpu.SemaphoreType.DMA] * (2 * NBUF),
    compiler_params=pltpu.CompilerParams(use_tc_tiling_on_sc=True),
)(_body)


@jax.jit
def kernel(indices, embedding_table):
    idx = indices.astype(jnp.int32).T
    out = _gather_call(idx, embedding_table)
    return out.transpose(1, 0, 2)

# --- scband reference (transcript-rebuilt; emitter-appended) ---
"""Pipeline reference for scband-embedding-18425409700525 (READ-ONLY COPY).

The authoritative reference and input builder live on the scoring server;
editing this copy changes nothing except your own understanding.
"""

import jax, jax.numpy as jnp
import numpy as np

INPUT_DIM = 100000
OUTPUT_DIM = 128

def setup_inputs(seed: int = 0) -> dict:
    key = jax.random.key(seed)
    k_idx, k_tab = jax.random.split(key)
    indices = jax.random.randint(k_idx, (16384, 26), 0, INPUT_DIM, dtype=jnp.int64 if jax.config.jax_enable_x64 else jnp.int32)
    maxval = np.sqrt(1.0 / INPUT_DIM)
    embedding_table = jax.random.uniform(k_tab, (INPUT_DIM, OUTPUT_DIM), minval=-maxval, maxval=maxval, dtype=jnp.float32)
    return {"indices": indices, "embedding_table": embedding_table}

def reference(indices, embedding_table):
    # tf.gather(params=embedding_table, indices=indices) along axis 0
    return jnp.take(embedding_table, indices, axis=0)

if __name__ == "__main__":
    import jax
    _d = setup_inputs()
    print(jax.jit(kernel)(*tuple(_d.values())))

</pallas_src>

<mosaic_0001>
#map = affine_map<(d0, d1) -> (0, 0)>
#map1 = affine_map<(d0, d1) -> (0, 0, 0)>
module attributes {stable_mosaic.version = 14 : i64} {
  func.func @_body(%arg0: i32, %arg1: i32, %arg2: memref<26x16384xi32, #tpu.memory_space<hbm>>, %arg3: memref<100000x128xf32, #tpu.memory_space<hbm>>, %arg4: memref<26x16384x128xf32, #tpu.memory_space<hbm>>, %arg5: memref<26x512xi32, #tpu.memory_space<vmem>>, %arg6: memref<8x64x128xf32, #tpu.memory_space<vmem>>, %arg7: memref<!tpu.dma_semaphore, #tpu.memory_space<semaphore_mem>>, %arg8: memref<!tpu.dma_semaphore, #tpu.memory_space<semaphore_mem>>, %arg9: memref<!tpu.dma_semaphore, #tpu.memory_space<semaphore_mem>>, %arg10: memref<!tpu.dma_semaphore, #tpu.memory_space<semaphore_mem>>, %arg11: memref<!tpu.dma_semaphore, #tpu.memory_space<semaphore_mem>>, %arg12: memref<!tpu.dma_semaphore, #tpu.memory_space<semaphore_mem>>, %arg13: memref<!tpu.dma_semaphore, #tpu.memory_space<semaphore_mem>>, %arg14: memref<!tpu.dma_semaphore, #tpu.memory_space<semaphore_mem>>, %arg15: memref<!tpu.dma_semaphore, #tpu.memory_space<semaphore_mem>>, %arg16: memref<!tpu.dma_semaphore, #tpu.memory_space<semaphore_mem>>, %arg17: memref<!tpu.dma_semaphore, #tpu.memory_space<semaphore_mem>>, %arg18: memref<!tpu.dma_semaphore, #tpu.memory_space<semaphore_mem>>, %arg19: memref<!tpu.dma_semaphore, #tpu.memory_space<semaphore_mem>>, %arg20: memref<!tpu.dma_semaphore, #tpu.memory_space<semaphore_mem>>, %arg21: memref<!tpu.dma_semaphore, #tpu.memory_space<semaphore_mem>>, %arg22: memref<!tpu.dma_semaphore, #tpu.memory_space<semaphore_mem>>) attributes {dimension_semantics = [#tpu.dimension_semantics<core_parallel>, #tpu.dimension_semantics<subcore_parallel>], iteration_bounds = array<i64: 2, 16>, scalar_prefetch = 0 : i64, scratch_operands = 18 : i64, tpu.core_type = #tpu.core_type<sc_vector_subcore>, window_params = [{transform_indices = #map}, {transform_indices = #map}, {transform_indices = #map1}]} {
    %mul3A = arith.constant 2 : i32
    %mul3A_0 = arith.muli %arg1, %mul3A : i32
    %add3A = arith.addi %mul3A_0, %arg0 : i32
    %mul3A_1 = arith.constant 512 : i32
    %mul3A_2 = arith.muli %add3A, %mul3A_1 : i32
    "tpu.region"() ({
      %run_scoped3A = tpu.sem_alloc : memref<!tpu.dma_semaphore, #tpu.memory_space<semaphore_mem>>
      %dma_start3A_1222 = arith.constant 0 : i32
      %dma_start3A_1223 = tpu.memref_slice %arg2[%dma_start3A_1222, %mul3A_2] : memref<26x16384xi32, #tpu.memory_space<hbm>> -> memref<26x512xi32, #tpu.memory_space<hbm>>
      %dma_start3A_1224 = arith.constant 0 : i32
      %dma_start3A_1225 = tpu.memref_slice %arg2[%dma_start3A_1224, %mul3A_2] : memref<26x16384xi32, #tpu.memory_space<hbm>> -> memref<26x512xi32, #tpu.memory_space<hbm>>
      tpu.enqueue_dma source(%dma_start3A_1225 : memref<26x512xi32, #tpu.memory_space<hbm>>) target(%arg5 : memref<26x512xi32, #tpu.memory_space<vmem>>) target_semaphore(%run_scoped3A : memref<!tpu.dma_semaphore, #tpu.memory_space<semaphore_mem>>)
      %dma_wait3A_1226 = arith.constant 0 : i32
      %dma_wait3A_1227 = tpu.memref_slice %arg2[%dma_wait3A_1226, %mul3A_2] : memref<26x16384xi32, #tpu.memory_space<hbm>> -> memref<26x512xi32, #tpu.memory_space<hbm>>
      %dma_wait3A_1228 = arith.constant 0 : i32
      %dma_wait3A_1229 = tpu.memref_slice %arg2[%dma_wait3A_1228, %mul3A_2] : memref<26x16384xi32, #tpu.memory_space<hbm>> -> memref<26x512xi32, #tpu.memory_space<hbm>>
      tpu.wait_dma2 semaphore(%run_scoped3A : memref<!tpu.dma_semaphore, #tpu.memory_space<semaphore_mem>>) src(%dma_wait3A_1229 : memref<26x512xi32, #tpu.memory_space<hbm>>) dst(%arg5 : memref<26x512xi32, #tpu.memory_space<vmem>>)
      tpu.yield
    }) : () -> ()
    %dma_start3A = arith.constant 0 : i32
    %dma_start3A_3 = arith.constant 0 : i32
    %dma_start3A_4 = arith.constant 0 : i32
    %dma_start3A_5 = arith.constant 0 : i32
    %dma_start3A_6 = tpu.memref_slice %arg6[%dma_start3A_3, %dma_start3A_4, %dma_start3A_5] : memref<8x64x128xf32, #tpu.memory_space<vmem>> -> memref<1x64x128xf32, #tpu.memory_space<vmem>>
    %dma_start3A_7 = tpu.memref_squeeze %dma_start3A_6 : memref<1x64x128xf32, #tpu.memory_space<vmem>> -> memref<64x128xf32, #tpu.memory_space<vmem>>
    %dma_start3A_8 = arith.constant 0 : i32
    %dma_start3A_9 = tpu.memref_slice %arg5[%dma_start3A, %dma_start3A_8] : memref<26x512xi32, #tpu.memory_space<vmem>> -> memref<1x512xi32, #tpu.memory_space<vmem>>
    %dma_start3A_10 = tpu.memref_squeeze %dma_start3A_9 : memref<1x512xi32, #tpu.memory_space<vmem>> -> memref<512xi32, #tpu.memory_space<vmem>>
    %dma_start3A_11 = arith.constant 0 : i32
    %dma_start3A_12 = tpu.memref_slice %dma_start3A_10[%dma_start3A_11] : memref<512xi32, #tpu.memory_space<vmem>> -> memref<64xi32, #tpu.memory_space<vmem>>
    %dma_start3A_13 = arith.constant 0 : i32
    %dma_start3A_14 = arith.constant 0 : i32
    %dma_start3A_15 = tpu.memref_slice %arg3[%dma_start3A_13, %dma_start3A_14] : memref<100000x128xf32, #tpu.memory_space<hbm>> -> memref<100000x128xf32, #tpu.memory_space<hbm>>
    tpu.enqueue_indirect_dma source(%dma_start3A_15 : memref<100000x128xf32, #tpu.memory_space<hbm>>) target(%dma_start3A_7 : memref<64x128xf32, #tpu.memory_space<vmem>>) offsets(%dma_start3A_12 : memref<64xi32, #tpu.memory_space<vmem>>) semaphore(%arg7 : memref<!tpu.dma_semaphore, #tpu.memory_space<semaphore_mem>>)
    %dma_start3A_16 = arith.constant 0 : i32
    %dma_start3A_17 = arith.constant 1 : i32
    %dma_start3A_18 = arith.constant 0 : i32
    %dma_start3A_19 = arith.constant 0 : i32
    %dma_start3A_20 = tpu.memref_slice %arg6[%dma_start3A_17, %dma_start3A_18, %dma_start3A_19] : memref<8x64x128xf32, #tpu.memory_space<vmem>> -> memref<1x64x128xf32, #tpu.memory_space<vmem>>
    %dma_start3A_21 = tpu.memref_squeeze %dma_start3A_20 : memref<1x64x128xf32, #tpu.memory_space<vmem>> -> memref<64x128xf32, #tpu.memory_space<vmem>>
    %dma_start3A_22 = arith.constant 0 : i32
    %dma_start3A_23 = tpu.memref_slice %arg5[%dma_start3A_16, %dma_start3A_22] : memref<26x512xi32, #tpu.memory_space<vmem>> -> memref<1x512xi32, #tpu.memory_space<vmem>>
    %dma_start3A_24 = tpu.memref_squeeze %dma_start3A_23 : memref<1x512xi32, #tpu.memory_space<vmem>> -> memref<512xi32, #tpu.memory_space<vmem>>
    %dma_start3A_25 = arith.constant 64 : i32
    %dma_start3A_26 = tpu.memref_slice %dma_start3A_24[%dma_start3A_25] : memref<512xi32, #tpu.memory_space<vmem>> -> memref<64xi32, #tpu.memory_space<vmem>>
    %dma_start3A_27 = arith.constant 0 : i32
    %dma_start3A_28 = arith.constant 0 : i32
    %dma_start3A_29 = tpu.memref_slice %arg3[%dma_start3A_27, %dma_start3A_28] : memref<100000x128xf32, #tpu.memory_space<hbm>> -> memref<100000x128xf32, #tpu.memory_space<hbm>>
    tpu.enqueue_indirect_dma source(%dma_start3A_29 : memref<100000x128xf32, #tpu.memory_space<hbm>>) target(%dma_start3A_21 : memref<64x128xf32, #tpu.memory_space<vmem>>) offsets(%dma_start3A_26 : memref<64xi32, #tpu.memory_space<vmem>>) semaphore(%arg8 : memref<!tpu.dma_semaphore, #tpu.memory_space<semaphore_mem>>)
    %dma_start3A_30 = arith.constant 0 : i32
    %dma_start3A_31 = arith.constant 2 : i32
    %dma_start3A_32 = arith.constant 0 : i32
    %dma_start3A_33 = arith.constant 0 : i32
    %dma_start3A_34 = tpu.memref_slice %arg6[%dma_start3A_31, %dma_start3A_32, %dma_start3A_33] : memref<8x64x128xf32, #tpu.memory_space<vmem>> -> memref<1x64x128xf32, #tpu.memory_space<vmem>>
    %dma_start3A_35 = tpu.memref_squeeze %dma_start3A_34 : memref<1x64x128xf32, #tpu.memory_space<vmem>> -> memref<64x128xf32, #tpu.memory_space<vmem>>
    %dma_start3A_36 = arith.constant 0 : i32
    %dma_start3A_37 = tpu.memref_slice %arg5[%dma_start3A_30, %dma_start3A_36] : memref<26x512xi32, #tpu.memory_space<vmem>> -> memref<1x512xi32, #tpu.memory_space<vmem>>
    %dma_start3A_38 = tpu.memref_squeeze %dma_start3A_37 : memref<1x512xi32, #tpu.memory_space<vmem>> -> memref<512xi32, #tpu.memory_space<vmem>>
    %dma_start3A_39 = arith.constant 128 : i32
    %dma_start3A_40 = tpu.memref_slice %dma_start3A_38[%dma_start3A_39] : memref<512xi32, #tpu.memory_space<vmem>> -> memref<64xi32, #tpu.memory_space<vmem>>
    %dma_start3A_41 = arith.constant 0 : i32
    %dma_start3A_42 = arith.constant 0 : i32
    %dma_start3A_43 = tpu.memref_slice %arg3[%dma_start3A_41, %dma_start3A_42] : memref<100000x128xf32, #tpu.memory_space<hbm>> -> memref<100000x128xf32, #tpu.memory_space<hbm>>
    tpu.enqueue_indirect_dma source(%dma_start3A_43 : memref<100000x128xf32, #tpu.memory_space<hbm>>) target(%dma_start3A_35 : memref<64x128xf32, #tpu.memory_space<vmem>>) offsets(%dma_start3A_40 : memref<64xi32, #tpu.memory_space<vmem>>) semaphore(%arg9 : memref<!tpu.dma_semaphore, #tpu.memory_space<semaphore_mem>>)
    %dma_start3A_44 = arith.constant 0 : i32
    %dma_start3A_45 = arith.constant 3 : i32
    %dma_start3A_46 = arith.constant 0 : i32
    %dma_start3A_47 = arith.constant 0 : i32
    %dma_start3A_48 = tpu.memref_slice %arg6[%dma_start3A_45, %dma_start3A_46, %dma_start3A_47] : memref<8x64x128xf32, #tpu.memory_space<vmem>> -> memref<1x64x128xf32, #tpu.memory_space<vmem>>
    %dma_start3A_49 = tpu.memref_squeeze %dma_start3A_48 : memref<1x64x128xf32, #tpu.memory_space<vmem>> -> memref<64x128xf32, #tpu.memory_space<vmem>>
    %dma_start3A_50 = arith.constant 0 : i32
    %dma_start3A_51 = tpu.memref_slice %arg5[%dma_start3A_44, %dma_start3A_50] : memref<26x512xi32, #tpu.memory_space<vmem>> -> memref<1x512xi32, #tpu.memory_space<vmem>>
    %dma_start3A_52 = tpu.memref_squeeze %dma_start3A_51 : memref<1x512xi32, #tpu.memory_space<vmem>> -> memref<512xi32, #tpu.memory_space<vmem>>
    %dma_start3A_53 = arith.constant 192 : i32
    %dma_start3A_54 = tpu.memref_slice %dma_start3A_52[%dma_start3A_53] : memref<512xi32, #tpu.memory_space<vmem>> -> memref<64xi32, #tpu.memory_space<vmem>>
    %dma_start3A_55 = arith.constant 0 : i32
    %dma_start3A_56 = arith.constant 0 : i32
    %dma_start3A_57 = tpu.memref_slice %arg3[%dma_start3A_55, %dma_start3A_56] : memref<100000x128xf32, #tpu.memory_space<hbm>> -> memref<100000x128xf32, #tpu.memory_space<hbm>>
    tpu.enqueue_indirect_dma source(%dma_start3A_57 : memref<100000x128xf32, #tpu.memory_space<hbm>>) target(%dma_start3A_49 : memref<64x128xf32, #tpu.memory_space<vmem>>) offsets(%dma_start3A_54 : memref<64xi32, #tpu.memory_space<vmem>>) semaphore(%arg10 : memref<!tpu.dma_semaphore, #tpu.memory_space<semaphore_mem>>)
    %dma_start3A_58 = arith.constant 0 : i32
    %dma_start3A_59 = arith.constant 4 : i32
    %dma_start3A_60 = arith.constant 0 : i32
    %dma_start3A_61 = arith.constant 0 : i32
    %dma_start3A_62 = tpu.memref_slice %arg6[%dma_start3A_59, %dma_start3A_60, %dma_start3A_61] : memref<8x64x128xf32, #tpu.memory_space<vmem>> -> memref<1x64x128xf32, #tpu.memory_space<vmem>>
    %dma_start3A_63 = tpu.memref_squeeze %dma_start3A_62 : memref<1x64x128xf32, #tpu.memory_space<vmem>> -> memref<64x128xf32, #tpu.memory_space<vmem>>
    %dma_start3A_64 = arith.constant 0 : i32
    %dma_start3A_65 = tpu.memref_slice %arg5[%dma_start3A_58, %dma_start3A_64] : memref<26x512xi32, #tpu.memory_space<vmem>> -> memref<1x512xi32, #tpu.memory_space<vmem>>
    %dma_start3A_66 = tpu.memref_squeeze %dma_start3A_65 : memref<1x512xi32, #tpu.memory_space<vmem>> -> memref<512xi32, #tpu.memory_space<vmem>>
    %dma_start3A_67 = arith.constant 256 : i32
    %dma_start3A_68 = tpu.memref_slice %dma_start3A_66[%dma_start3A_67] : memref<512xi32, #tpu.memory_space<vmem>> -> memref<64xi32, #tpu.memory_space<vmem>>
    %dma_start3A_69 = arith.constant 0 : i32
    %dma_start3A_70 = arith.constant 0 : i32
    %dma_start3A_71 = tpu.memref_slice %arg3[%dma_start3A_69, %dma_start3A_70] : memref<100000x128xf32, #tpu.memory_space<hbm>> -> memref<100000x128xf32, #tpu.memory_space<hbm>>
    tpu.enqueue_indirect_dma source(%dma_start3A_71 : memref<100000x128xf32, #tpu.memory_space<hbm>>) target(%dma_start3A_63 : memref<64x128xf32, #tpu.memory_space<vmem>>) offsets(%dma_start3A_68 : memref<64xi32, #tpu.memory_space<vmem>>) semaphore(%arg11 : memref<!tpu.dma_semaphore, #tpu.memory_space<semaphore_mem>>)
    %dma_wait3A = arith.constant 0 : i32
    %dma_wait3A_72 = arith.constant 0 : i32
    %dma_wait3A_73 = arith.constant 0 : i32
    %dma_wait3A_74 = arith.constant 0 : i32
    %dma_wait3A_75 = tpu.memref_slice %arg6[%dma_wait3A_72, %dma_wait3A_73, %dma_wait3A_74] : memref<8x64x128xf32, #tpu.memory_space<vmem>> -> memref<1x64x128xf32, #tpu.memory_space<vmem>>
    %dma_wait3A_76 = tpu.memref_squeeze %dma_wait3A_75 : memref<1x64x128xf32, #tpu.memory_space<vmem>> -> memref<64x128xf32, #tpu.memory_space<vmem>>
    %dma_wait3A_77 = arith.constant 0 : i32
    %dma_wait3A_78 = tpu.memref_slice %arg5[%dma_wait3A, %dma_wait3A_77] : memref<26x512xi32, #tpu.memory_space<vmem>> -> memref<1x512xi32, #tpu.memory_space<vmem>>
    %dma_wait3A_79 = tpu.memref_squeeze %dma_wait3A_78 : memref<1x512xi32, #tpu.memory_space<vmem>> -> memref<512xi32, #tpu.memory_space<vmem>>
    %dma_wait3A_80 = arith.constant 0 : i32
    %dma_wait3A_81 = tpu.memref_slice %dma_wait3A_79[%dma_wait3A_80] : memref<512xi32, #tpu.memory_space<vmem>> -> memref<64xi32, #tpu.memory_space<vmem>>
    %dma_wait3A_82 = arith.constant 0 : i32
    %dma_wait3A_83 = arith.constant 0 : i32
    %dma_wait3A_84 = tpu.memref_slice %arg3[%dma_wait3A_82, %dma_wait3A_83] : memref<100000x128xf32, #tpu.memory_space<hbm>> -> memref<100000x128xf32, #tpu.memory_space<hbm>>
    tpu.wait_indirect_dma semaphore(%arg7 : memref<!tpu.dma_semaphore, #tpu.memory_space<semaphore_mem>>) src(%dma_wait3A_84 : memref<100000x128xf32, #tpu.memory_space<hbm>>) dst(%dma_wait3A_76 : memref<64x128xf32, #tpu.memory_space<vmem>>)
    %add3A_85 = arith.constant 0 : i32
    %add3A_86 = arith.addi %mul3A_2, %add3A_85 : i32
    %dma_start3A_87 = arith.constant 0 : i32
    %dma_start3A_88 = arith.constant 0 : i32
    %dma_start3A_89 = arith.constant 0 : i32
    %dma_start3A_90 = arith.constant 0 : i32
    %dma_start3A_91 = tpu.memref_slice %arg6[%dma_start3A_87, %dma_start3A_89, %dma_start3A_90] : memref<8x64x128xf32, #tpu.memory_space<vmem>> -> memref<1x64x128xf32, #tpu.memory_space<vmem>>
    %dma_start3A_92 = tpu.memref_squeeze %dma_start3A_91 : memref<1x64x128xf32, #tpu.memory_space<vmem>> -> memref<64x128xf32, #tpu.memory_space<vmem>>
    %dma_start3A_93 = arith.constant 0 : i32
    %dma_start3A_94 = arith.constant 0 : i32
    %dma_start3A_95 = tpu.memref_slice %arg4[%dma_start3A_88, %dma_start3A_93, %dma_start3A_94] : memref<26x16384x128xf32, #tpu.memory_space<hbm>> -> memref<1x16384x128xf32, #tpu.memory_space<hbm>>
    %dma_start3A_96 = tpu.memref_squeeze %dma_start3A_95 : memref<1x16384x128xf32, #tpu.memory_space<hbm>> -> memref<16384x128xf32, #tpu.memory_space<hbm>>
    %dma_start3A_97 = arith.constant 0 : i32
    %dma_start3A_98 = tpu.memref_slice %dma_start3A_96[%add3A_86, %dma_start3A_97] : memref<16384x128xf32, #tpu.memory_space<hbm>> -> memref<64x128xf32, #tpu.memory_space<hbm>>
    %dma_start3A_99 = arith.constant 0 : i32
    %dma_start3A_100 = arith.constant 0 : i32
    %dma_start3A_101 = tpu.memref_slice %arg4[%dma_start3A_88, %dma_start3A_99, %dma_start3A_100] : memref<26x16384x128xf32, #tpu.memory_space<hbm>> -> memref<1x16384x128xf32, #tpu.memory_space<hbm>>
    %dma_start3A_102 = tpu.memref_squeeze %dma_start3A_101 : memref<1x16384x128xf32, #tpu.memory_space<hbm>> -> memref<16384x128xf32, #tpu.memory_space<hbm>>
    %dma_start3A_103 = arith.constant 0 : i32
    %dma_start3A_104 = tpu.memref_slice %dma_start3A_102[%add3A_86, %dma_start3A_103] : memref<16384x128xf32, #tpu.memory_space<hbm>> -> memref<64x128xf32, #tpu.memory_space<hbm>>
    %dma_start3A_105 = arith.constant 0 : i32
    %dma_start3A_106 = arith.constant 0 : i32
    %dma_start3A_107 = tpu.memref_slice %arg6[%dma_start3A_87, %dma_start3A_105, %dma_start3A_106] : memref<8x64x128xf32, #tpu.memory_space<vmem>> -> memref<1x64x128xf32, #tpu.memory_space<vmem>>
    %dma_start3A_108 = tpu.memref_squeeze %dma_start3A_107 : memref<1x64x128xf32, #tpu.memory_space<vmem>> -> memref<64x128xf32, #tpu.memory_space<vmem>>
    tpu.enqueue_dma source(%dma_start3A_108 : memref<64x128xf32, #tpu.memory_space<vmem>>) target(%dma_start3A_104 : memref<64x128xf32, #tpu.memory_space<hbm>>) target_semaphore(%arg15 : memref<!tpu.dma_semaphore, #tpu.memory_space<semaphore_mem>>)
    %dma_start3A_109 = arith.constant 0 : i32
    %dma_start3A_110 = arith.constant 5 : i32
    %dma_start3A_111 = arith.constant 0 : i32
    %dma_start3A_112 = arith.constant 0 : i32
    %dma_start3A_113 = tpu.memref_slice %arg6[%dma_start3A_110, %dma_start3A_111, %dma_start3A_112] : memref<8x64x128xf32, #tpu.memory_space<vmem>> -> memref<1x64x128xf32, #tpu.memory_space<vmem>>
    %dma_start3A_114 = tpu.memref_squeeze %dma_start3A_113 : memref<1x64x128xf32, #tpu.memory_space<vmem>> -> memref<64x128xf32, #tpu.memory_space<vmem>>
    %dma_start3A_115 = arith.constant 0 : i32
    %dma_start3A_116 = tpu.memref_slice %arg5[%dma_start3A_109, %dma_start3A_115] : memref<26x512xi32, #tpu.memory_space<vmem>> -> memref<1x512xi32, #tpu.memory_space<vmem>>
    %dma_start3A_117 = tpu.memref_squeeze %dma_start3A_116 : memref<1x512xi32, #tpu.memory_space<vmem>> -> memref<512xi32, #tpu.memory_space<vmem>>
    %dma_start3A_118 = arith.constant 320 : i32
    %dma_start3A_119 = tpu.memref_slice %dma_start3A_117[%dma_start3A_118] : memref<512xi32, #tpu.memory_space<vmem>> -> memref<64xi32, #tpu.memory_space<vmem>>
    %dma_start3A_120 = arith.constant 0 : i32
    %dma_start3A_121 = arith.constant 0 : i32
    %dma_start3A_122 = tpu.memref_slice %arg3[%dma_start3A_120, %dma_start3A_121] : memref<100000x128xf32, #tpu.memory_space<hbm>> -> memref<100000x128xf32, #tpu.memory_space<hbm>>
    tpu.enqueue_indirect_dma source(%dma_start3A_122 : memref<100000x128xf32, #tpu.memory_space<hbm>>) target(%dma_start3A_114 : memref<64x128xf32, #tpu.memory_space<vmem>>) offsets(%dma_start3A_119 : memref<64xi32, #tpu.memory_space<vmem>>) semaphore(%arg12 : memref<!tpu.dma_semaphore, #tpu.memory_space<semaphore_mem>>)
    %dma_wait3A_123 = arith.constant 0 : i32
    %dma_wait3A_124 = arith.constant 1 : i32
    %dma_wait3A_125 = arith.constant 0 : i32
    %dma_wait3A_126 = arith.constant 0 : i32
    %dma_wait3A_127 = tpu.memref_slice %arg6[%dma_wait3A_124, %dma_wait3A_125, %dma_wait3A_126] : memref<8x64x128xf32, #tpu.memory_space<vmem>> -> memref<1x64x128xf32, #tpu.memory_space<vmem>>
    %dma_wait3A_128 = tpu.memref_squeeze %dma_wait3A_127 : memref<1x64x128xf32, #tpu.memory_space<vmem>> -> memref<64x128xf32, #tpu.memory_space<vmem>>
    %dma_wait3A_129 = arith.constant 0 : i32
    %dma_wait3A_130 = tpu.memref_slice %arg5[%dma_wait3A_123, %dma_wait3A_129] : memref<26x512xi32, #tpu.memory_space<vmem>> -> memref<1x512xi32, #tpu.memory_space<vmem>>
    %dma_wait3A_131 = tpu.memref_squeeze %dma_wait3A_130 : memref<1x512xi32, #tpu.memory_space<vmem>> -> memref<512xi32, #tpu.memory_space<vmem>>
    %dma_wait3A_132 = arith.constant 0 : i32
    %dma_wait3A_133 = tpu.memref_slice %dma_wait3A_131[%dma_wait3A_132] : memref<512xi32, #tpu.memory_space<vmem>> -> memref<64xi32, #tpu.memory_space<vmem>>
    %dma_wait3A_134 = arith.constant 0 : i32
    %dma_wait3A_135 = arith.constant 0 : i32
    %dma_wait3A_136 = tpu.memref_slice %arg3[%dma_wait3A_134, %dma_wait3A_135] : memref<100000x128xf32, #tpu.memory_space<hbm>> -> memref<100000x128xf32, #tpu.memory_space<hbm>>
    tpu.wait_indirect_dma semaphore(%arg8 : memref<!tpu.dma_semaphore, #tpu.memory_space<semaphore_mem>>) src(%dma_wait3A_136 : memref<100000x128xf32, #tpu.memory_space<hbm>>) dst(%dma_wait3A_128 : memref<64x128xf32, #tpu.memory_space<vmem>>)
    %add3A_137 = arith.constant 64 : i32
    %add3A_138 = arith.addi %mul3A_2, %add3A_137 : i32
    %dma_start3A_139 = arith.constant 1 : i32
    %dma_start3A_140 = arith.constant 0 : i32
    %dma_start3A_141 = arith.constant 0 : i32
    %dma_start3A_142 = arith.constant 0 : i32
    %dma_start3A_143 = tpu.memref_slice %arg6[%dma_start3A_139, %dma_start3A_141, %dma_start3A_142] : memref<8x64x128xf32, #tpu.memory_space<vmem>> -> memref<1x64x128xf32, #tpu.memory_space<vmem>>
    %dma_start3A_144 = tpu.memref_squeeze %dma_start3A_143 : memref<1x64x128xf32, #tpu.memory_space<vmem>> -> memref<64x128xf32, #tpu.memory_space<vmem>>
    %dma_start3A_145 = arith.constant 0 : i32
    %dma_start3A_146 = arith.constant 0 : i32
    %dma_start3A_147 = tpu.memref_slice %arg4[%dma_start3A_140, %dma_start3A_145, %dma_start3A_146] : memref<26x16384x128xf32, #tpu.memory_space<hbm>> -> memref<1x16384x128xf32, #tpu.memory_space<hbm>>
    %dma_start3A_148 = tpu.memref_squeeze %dma_start3A_147 : memref<1x16384x128xf32, #tpu.memory_space<hbm>> -> memref<16384x128xf32, #tpu.memory_space<hbm>>
    %dma_start3A_149 = arith.constant 0 : i32
    %dma_start3A_150 = tpu.memref_slice %dma_start3A_148[%add3A_138, %dma_start3A_149] : memref<16384x128xf32, #tpu.memory_space<hbm>> -> memref<64x128xf32, #tpu.memory_space<hbm>>
    %dma_start3A_151 = arith.constant 0 : i32
    %dma_start3A_152 = arith.constant 0 : i32
    %dma_start3A_153 = tpu.memref_slice %arg4[%dma_start3A_140, %dma_start3A_151, %dma_start3A_152] : memref<26x16384x128xf32, #tpu.memory_space<hbm>> -> memref<1x16384x128xf32, #tpu.memory_space<hbm>>
    %dma_start3A_154 = tpu.memref_squeeze %dma_start3A_153 : memref<1x16384x128xf32, #tpu.memory_space<hbm>> -> memref<16384x128xf32, #tpu.memory_space<hbm>>
    %dma_start3A_155 = arith.constant 0 : i32
    %dma_start3A_156 = tpu.memref_slice %dma_start3A_154[%add3A_138, %dma_start3A_155] : memref<16384x128xf32, #tpu.memory_space<hbm>> -> memref<64x128xf32, #tpu.memory_space<hbm>>
    %dma_start3A_157 = arith.constant 0 : i32
    %dma_start3A_158 = arith.constant 0 : i32
    %dma_start3A_159 = tpu.memref_slice %arg6[%dma_start3A_139, %dma_start3A_157, %dma_start3A_158] : memref<8x64x128xf32, #tpu.memory_space<vmem>> -> memref<1x64x128xf32, #tpu.memory_space<vmem>>
    %dma_start3A_160 = tpu.memref_squeeze %dma_start3A_159 : memref<1x64x128xf32, #tpu.memory_space<vmem>> -> memref<64x128xf32, #tpu.memory_space<vmem>>
    tpu.enqueue_dma source(%dma_start3A_160 : memref<64x128xf32, #tpu.memory_space<vmem>>) target(%dma_start3A_156 : memref<64x128xf32, #tpu.memory_space<hbm>>) target_semaphore(%arg16 : memref<!tpu.dma_semaphore, #tpu.memory_space<semaphore_mem>>)
    %dma_start3A_161 = arith.constant 0 : i32
    %dma_start3A_162 = arith.constant 6 : i32
    %dma_start3A_163 = arith.constant 0 : i32
    %dma_start3A_164 = arith.constant 0 : i32
    %dma_start3A_165 = tpu.memref_slice %arg6[%dma_start3A_162, %dma_start3A_163, %dma_start3A_164] : memref<8x64x128xf32, #tpu.memory_space<vmem>> -> memref<1x64x128xf32, #tpu.memory_space<vmem>>
    %dma_start3A_166 = tpu.memref_squeeze %dma_start3A_165 : memref<1x64x128xf32, #tpu.memory_space<vmem>> -> memref<64x128xf32, #tpu.memory_space<vmem>>
    %dma_start3A_167 = arith.constant 0 : i32
    %dma_start3A_168 = tpu.memref_slice %arg5[%dma_start3A_161, %dma_start3A_167] : memref<26x512xi32, #tpu.memory_space<vmem>> -> memref<1x512xi32, #tpu.memory_space<vmem>>
    %dma_start3A_169 = tpu.memref_squeeze %dma_start3A_168 : memref<1x512xi32, #tpu.memory_space<vmem>> -> memref<512xi32, #tpu.memory_space<vmem>>
    %dma_start3A_170 = arith.constant 384 : i32
    %dma_start3A_171 = tpu.memref_slice %dma_start3A_169[%dma_start3A_170] : memref<512xi32, #tpu.memory_space<vmem>> -> memref<64xi32, #tpu.memory_space<vmem>>
    %dma_start3A_172 = arith.constant 0 : i32
    %dma_start3A_173 = arith.constant 0 : i32
    %dma_start3A_174 = tpu.memref_slice %arg3[%dma_start3A_172, %dma_start3A_173] : memref<100000x128xf32, #tpu.memory_space<hbm>> -> memref<100000x128xf32, #tpu.memory_space<hbm>>
    tpu.enqueue_indirect_dma source(%dma_start3A_174 : memref<100000x128xf32, #tpu.memory_space<hbm>>) target(%dma_start3A_166 : memref<64x128xf32, #tpu.memory_space<vmem>>) offsets(%dma_start3A_171 : memref<64xi32, #tpu.memory_space<vmem>>) semaphore(%arg13 : memref<!tpu.dma_semaphore, #tpu.memory_space<semaphore_mem>>)
    %dma_wait3A_175 = arith.constant 0 : i32
    %dma_wait3A_176 = arith.constant 2 : i32
    %dma_wait3A_177 = arith.constant 0 : i32
    %dma_wait3A_178 = arith.constant 0 : i32
    %dma_wait3A_179 = tpu.memref_slice %arg6[%dma_wait3A_176, %dma_wait3A_177, %dma_wait3A_178] : memref<8x64x128xf32, #tpu.memory_space<vmem>> -> memref<1x64x128xf32, #tpu.memory_space<vmem>>
    %dma_wait3A_180 = tpu.memref_squeeze %dma_wait3A_179 : memref<1x64x128xf32, #tpu.memory_space<vmem>> -> memref<64x128xf32, #tpu.memory_space<vmem>>
    %dma_wait3A_181 = arith.constant 0 : i32
    %dma_wait3A_182 = tpu.memref_slice %arg5[%dma_wait3A_175, %dma_wait3A_181] : memref<26x512xi32, #tpu.memory_space<vmem>> -> memref<1x512xi32, #tpu.memory_space<vmem>>
    %dma_wait3A_183 = tpu.memref_squeeze %dma_wait3A_182 : memref<1x512xi32, #tpu.memory_space<vmem>> -> memref<512xi32, #tpu.memory_space<vmem>>
    %dma_wait3A_184 = arith.constant 0 : i32
    %dma_wait3A_185 = tpu.memref_slice %dma_wait3A_183[%dma_wait3A_184] : memref<512xi32, #tpu.memory_space<vmem>> -> memref<64xi32, #tpu.memory_space<vmem>>
    %dma_wait3A_186 = arith.constant 0 : i32
    %dma_wait3A_187 = arith.constant 0 : i32
    %dma_wait3A_188 = tpu.memref_slice %arg3[%dma_wait3A_186, %dma_wait3A_187] : memref<100000x128xf32, #tpu.memory_space<hbm>> -> memref<100000x128xf32, #tpu.memory_space<hbm>>
    tpu.wait_indirect_dma semaphore(%arg9 : memref<!tpu.dma_semaphore, #tpu.memory_space<semaphore_mem>>) src(%dma_wait3A_188 : memref<100000x128xf32, #tpu.memory_space<hbm>>) dst(%dma_wait3A_180 : memref<64x128xf32, #tpu.memory_space<vmem>>)
    %add3A_189 = arith.constant 128 : i32
    %add3A_190 = arith.addi %mul3A_2, %add3A_189 : i32
    %dma_start3A_191 = arith.constant 2 : i32
    %dma_start3A_192 = arith.constant 0 : i32
    %dma_start3A_193 = arith.constant 0 : i32
    %dma_start3A_194 = arith.constant 0 : i32
    %dma_start3A_195 = tpu.memref_slice %arg6[%dma_start3A_191, %dma_start3A_193, %dma_start3A_194] : memref<8x64x128xf32, #tpu.memory_space<vmem>> -> memref<1x64x128xf32, #tpu.memory_space<vmem>>
    %dma_start3A_196 = tpu.memref_squeeze %dma_start3A_195 : memref<1x64x128xf32, #tpu.memory_space<vmem>> -> memref<64x128xf32, #tpu.memory_space<vmem>>
    %dma_start3A_197 = arith.constant 0 : i32
    %dma_start3A_198 = arith.constant 0 : i32
    %dma_start3A_199 = tpu.memref_slice %arg4[%dma_start3A_192, %dma_start3A_197, %dma_start3A_198] : memref<26x16384x128xf32, #tpu.memory_space<hbm>> -> memref<1x16384x128xf32, #tpu.memory_space<hbm>>
    %dma_start3A_200 = tpu.memref_squeeze %dma_start3A_199 : memref<1x16384x128xf32, #tpu.memory_space<hbm>> -> memref<16384x128xf32, #tpu.memory_space<hbm>>
    %dma_start3A_201 = arith.constant 0 : i32
    %dma_start3A_202 = tpu.memref_slice %dma_start3A_200[%add3A_190, %dma_start3A_201] : memref<16384x128xf32, #tpu.memory_space<hbm>> -> memref<64x128xf32, #tpu.memory_space<hbm>>
    %dma_start3A_203 = arith.constant 0 : i32
    %dma_start3A_204 = arith.constant 0 : i32
    %dma_start3A_205 = tpu.memref_slice %arg4[%dma_start3A_192, %dma_start3A_203, %dma_start3A_204] : memref<26x16384x128xf32, #tpu.memory_space<hbm>> -> memref<1x16384x128xf32, #tpu.memory_space<hbm>>
    %dma_start3A_206 = tpu.memref_squeeze %dma_start3A_205 : memref<1x16384x128xf32, #tpu.memory_space<hbm>> -> memref<16384x128xf32, #tpu.memory_space<hbm>>
    %dma_start3A_207 = arith.constant 0 : i32
    %dma_start3A_208 = tpu.memref_slice %dma_start3A_206[%add3A_190, %dma_start3A_207] : memref<16384x128xf32, #tpu.memory_space<hbm>> -> memref<64x128xf32, #tpu.memory_space<hbm>>
    %dma_start3A_209 = arith.constant 0 : i32
    %dma_start3A_210 = arith.constant 0 : i32
    %dma_start3A_211 = tpu.memref_slice %arg6[%dma_start3A_191, %dma_start3A_209, %dma_start3A_210] : memref<8x64x128xf32, #tpu.memory_space<vmem>> -> memref<1x64x128xf32, #tpu.memory_space<vmem>>
    %dma_start3A_212 = tpu.memref_squeeze %dma_start3A_211 : memref<1x64x128xf32, #tpu.memory_space<vmem>> -> memref<64x128xf32, #tpu.memory_space<vmem>>
    tpu.enqueue_dma source(%dma_start3A_212 : memref<64x128xf32, #tpu.memory_space<vmem>>) target(%dma_start3A_208 : memref<64x128xf32, #tpu.memory_space<hbm>>) target_semaphore(%arg17 : memref<!tpu.dma_semaphore, #tpu.memory_space<semaphore_mem>>)
    %dma_start3A_213 = arith.constant 0 : i32
    %dma_start3A_214 = arith.constant 7 : i32
    %dma_start3A_215 = arith.constant 0 : i32
    %dma_start3A_216 = arith.constant 0 : i32
    %dma_start3A_217 = tpu.memref_slice %arg6[%dma_start3A_214, %dma_start3A_215, %dma_start3A_216] : memref<8x64x128xf32, #tpu.memory_space<vmem>> -> memref<1x64x128xf32, #tpu.memory_space<vmem>>
    %dma_start3A_218 = tpu.memref_squeeze %dma_start3A_217 : memref<1x64x128xf32, #tpu.memory_space<vmem>> -> memref<64x128xf32, #tpu.memory_space<vmem>>
    %dma_start3A_219 = arith.constant 0 : i32
    %dma_start3A_220 = tpu.memref_slice %arg5[%dma_start3A_213, %dma_start3A_219] : memref<26x512xi32, #tpu.memory_space<vmem>> -> memref<1x512xi32, #tpu.memory_space<vmem>>
    %dma_start3A_221 = tpu.memref_squeeze %dma_start3A_220 : memref<1x512xi32, #tpu.memory_space<vmem>> -> memref<512xi32, #tpu.memory_space<vmem>>
    %dma_start3A_222 = arith.constant 448 : i32
    %dma_start3A_223 = tpu.memref_slice %dma_start3A_221[%dma_start3A_222] : memref<512xi32, #tpu.memory_space<vmem>> -> memref<64xi32, #tpu.memory_space<vmem>>
    %dma_start3A_224 = arith.constant 0 : i32
    %dma_start3A_225 = arith.constant 0 : i32
    %dma_start3A_226 = tpu.memref_slice %arg3[%dma_start3A_224, %dma_start3A_225] : memref<100000x128xf32, #tpu.memory_space<hbm>> -> memref<100000x128xf32, #tpu.memory_space<hbm>>
    tpu.enqueue_indirect_dma source(%dma_start3A_226 : memref<100000x128xf32, #tpu.memory_space<hbm>>) target(%dma_start3A_218 : memref<64x128xf32, #tpu.memory_space<vmem>>) offsets(%dma_start3A_223 : memref<64xi32, #tpu.memory_space<vmem>>) semaphore(%arg14 : memref<!tpu.dma_semaphore, #tpu.memory_space<semaphore_mem>>)
    %dma_wait3A_227 = arith.constant 0 : i32
    %dma_wait3A_228 = arith.constant 3 : i32
    %dma_wait3A_229 = arith.constant 0 : i32
    %dma_wait3A_230 = arith.constant 0 : i32
    %dma_wait3A_231 = tpu.memref_slice %arg6[%dma_wait3A_228, %dma_wait3A_229, %dma_wait3A_230] : memref<8x64x128xf32, #tpu.memory_space<vmem>> -> memref<1x64x128xf32, #tpu.memory_space<vmem>>
    %dma_wait3A_232 = tpu.memref_squeeze %dma_wait3A_231 : memref<1x64x128xf32, #tpu.memory_space<vmem>> -> memref<64x128xf32, #tpu.memory_space<vmem>>
    %dma_wait3A_233 = arith.constant 0 : i32
    %dma_wait3A_234 = tpu.memref_slice %arg5[%dma_wait3A_227, %dma_wait3A_233] : memref<26x512xi32, #tpu.memory_space<vmem>> -> memref<1x512xi32, #tpu.memory_space<vmem>>
    %dma_wait3A_235 = tpu.memref_squeeze %dma_wait3A_234 : memref<1x512xi32, #tpu.memory_space<vmem>> -> memref<512xi32, #tpu.memory_space<vmem>>
    %dma_wait3A_236 = arith.constant 0 : i32
    %dma_wait3A_237 = tpu.memref_slice %dma_wait3A_235[%dma_wait3A_236] : memref<512xi32, #tpu.memory_space<vmem>> -> memref<64xi32, #tpu.memory_space<vmem>>
    %dma_wait3A_238 = arith.constant 0 : i32
    %dma_wait3A_239 = arith.constant 0 : i32
    %dma_wait3A_240 = tpu.memref_slice %arg3[%dma_wait3A_238, %dma_wait3A_239] : memref<100000x128xf32, #tpu.memory_space<hbm>> -> memref<100000x128xf32, #tpu.memory_space<hbm>>
    tpu.wait_indirect_dma semaphore(%arg10 : memref<!tpu.dma_semaphore, #tpu.memory_space<semaphore_mem>>) src(%dma_wait3A_240 : memref<100000x128xf32, #tpu.memory_space<hbm>>) dst(%dma_wait3A_232 : memref<64x128xf32, #tpu.memory_space<vmem>>)
    %add3A_241 = arith.constant 192 : i32
    %add3A_242 = arith.addi %mul3A_2, %add3A_241 : i32
    %dma_start3A_243 = arith.constant 3 : i32
    %dma_start3A_244 = arith.constant 0 : i32
    %dma_start3A_245 = arith.constant 0 : i32
    %dma_start3A_246 = arith.constant 0 : i32
    %dma_start3A_247 = tpu.memref_slice %arg6[%dma_start3A_243, %dma_start3A_245, %dma_start3A_246] : memref<8x64x128xf32, #tpu.memory_space<vmem>> -> memref<1x64x128xf32, #tpu.memory_space<vmem>>
    %dma_start3A_248 = tpu.memref_squeeze %dma_start3A_247 : memref<1x64x128xf32, #tpu.memory_space<vmem>> -> memref<64x128xf32, #tpu.memory_space<vmem>>
    %dma_start3A_249 = arith.constant 0 : i32
    %dma_start3A_250 = arith.constant 0 : i32
    %dma_start3A_251 = tpu.memref_slice %arg4[%dma_start3A_244, %dma_start3A_249, %dma_start3A_250] : memref<26x16384x128xf32, #tpu.memory_space<hbm>> -> memref<1x16384x128xf32, #tpu.memory_space<hbm>>
    %dma_start3A_252 = tpu.memref_squeeze %dma_start3A_251 : memref<1x16384x128xf32, #tpu.memory_space<hbm>> -> memref<16384x128xf32, #tpu.memory_space<hbm>>
    %dma_start3A_253 = arith.constant 0 : i32
    %dma_start3A_254 = tpu.memref_slice %dma_start3A_252[%add3A_242, %dma_start3A_253] : memref<16384x128xf32, #tpu.memory_space<hbm>> -> memref<64x128xf32, #tpu.memory_space<hbm>>
    %dma_start3A_255 = arith.constant 0 : i32
    %dma_start3A_256 = arith.constant 0 : i32
    %dma_start3A_257 = tpu.memref_slice %arg4[%dma_start3A_244, %dma_start3A_255, %dma_start3A_256] : memref<26x16384x128xf32, #tpu.memory_space<hbm>> -> memref<1x16384x128xf32, #tpu.memory_space<hbm>>
    %dma_start3A_258 = tpu.memref_squeeze %dma_start3A_257 : memref<1x16384x128xf32, #tpu.memory_space<hbm>> -> memref<16384x128xf32, #tpu.memory_space<hbm>>
    %dma_start3A_259 = arith.constant 0 : i32
    %dma_start3A_260 = tpu.memref_slice %dma_start3A_258[%add3A_242, %dma_start3A_259] : memref<16384x128xf32, #tpu.memory_space<hbm>> -> memref<64x128xf32, #tpu.memory_space<hbm>>
    %dma_start3A_261 = arith.constant 0 : i32
    %dma_start3A_262 = arith.constant 0 : i32
    %dma_start3A_263 = tpu.memref_slice %arg6[%dma_start3A_243, %dma_start3A_261, %dma_start3A_262] : memref<8x64x128xf32, #tpu.memory_space<vmem>> -> memref<1x64x128xf32, #tpu.memory_space<vmem>>
    %dma_start3A_264 = tpu.memref_squeeze %dma_start3A_263 : memref<1x64x128xf32, #tpu.memory_space<vmem>> -> memref<64x128xf32, #tpu.memory_space<vmem>>
    tpu.enqueue_dma source(%dma_start3A_264 : memref<64x128xf32, #tpu.memory_space<vmem>>) target(%dma_start3A_260 : memref<64x128xf32, #tpu.memory_space<hbm>>) target_semaphore(%arg18 : memref<!tpu.dma_semaphore, #tpu.memory_space<semaphore_mem>>)
    %dma_wait3A_265 = arith.constant 0 : i32
    %dma_wait3A_266 = arith.constant 0 : i32
    %dma_wait3A_267 = arith.constant 0 : i32
    %dma_wait3A_268 = arith.constant 0 : i32
    %dma_wait3A_269 = tpu.memref_slice %arg6[%dma_wait3A_265, %dma_wait3A_267, %dma_wait3A_268] : memref<8x64x128xf32, #tpu.memory_space<vmem>> -> memref<1x64x128xf32, #tpu.memory_space<vmem>>
    %dma_wait3A_270 = tpu.memref_squeeze %dma_wait3A_269 : memref<1x64x128xf32, #tpu.memory_space<vmem>> -> memref<64x128xf32, #tpu.memory_space<vmem>>
    %dma_wait3A_271 = arith.constant 0 : i32
    %dma_wait3A_272 = arith.constant 0 : i32
    %dma_wait3A_273 = tpu.memref_slice %arg4[%dma_wait3A_266, %dma_wait3A_271, %dma_wait3A_272] : memref<26x16384x128xf32, #tpu.memory_space<hbm>> -> memref<1x16384x128xf32, #tpu.memory_space<hbm>>
    %dma_wait3A_274 = tpu.memref_squeeze %dma_wait3A_273 : memref<1x16384x128xf32, #tpu.memory_space<hbm>> -> memref<16384x128xf32, #tpu.memory_space<hbm>>
    %dma_wait3A_275 = arith.constant 0 : i32
    %dma_wait3A_276 = arith.constant 0 : i32
    %dma_wait3A_277 = tpu.memref_slice %dma_wait3A_274[%dma_wait3A_275, %dma_wait3A_276] : memref<16384x128xf32, #tpu.memory_space<hbm>> -> memref<64x128xf32, #tpu.memory_space<hbm>>
    %dma_wait3A_278 = arith.constant 0 : i32
    %dma_wait3A_279 = arith.constant 0 : i32
    %dma_wait3A_280 = tpu.memref_slice %arg4[%dma_wait3A_266, %dma_wait3A_278, %dma_wait3A_279] : memref<26x16384x128xf32, #tpu.memory_space<hbm>> -> memref<1x16384x128xf32, #tpu.memory_space<hbm>>
    %dma_wait3A_281 = tpu.memref_squeeze %dma_wait3A_280 : memref<1x16384x128xf32, #tpu.memory_space<hbm>> -> memref<16384x128xf32, #tpu.memory_space<hbm>>
    %dma_wait3A_282 = arith.constant 0 : i32
    %dma_wait3A_283 = arith.constant 0 : i32
    %dma_wait3A_284 = tpu.memref_slice %dma_wait3A_281[%dma_wait3A_282, %dma_wait3A_283] : memref<16384x128xf32, #tpu.memory_space<hbm>> -> memref<64x128xf32, #tpu.memory_space<hbm>>
    %dma_wait3A_285 = arith.constant 0 : i32
    %dma_wait3A_286 = arith.constant 0 : i32
    %dma_wait3A_287 = tpu.memref_slice %arg6[%dma_wait3A_265, %dma_wait3A_285, %dma_wait3A_286] : memref<8x64x128xf32, #tpu.memory_space<vmem>> -> memref<1x64x128xf32, #tpu.memory_space<vmem>>
    %dma_wait3A_288 = tpu.memref_squeeze %dma_wait3A_287 : memref<1x64x128xf32, #tpu.memory_space<vmem>> -> memref<64x128xf32, #tpu.memory_space<vmem>>
    tpu.wait_dma2 semaphore(%arg15 : memref<!tpu.dma_semaphore, #tpu.memory_space<semaphore_mem>>) src(%dma_wait3A_288 : memref<64x128xf32, #tpu.memory_space<vmem>>) dst(%dma_wait3A_284 : memref<64x128xf32, #tpu.memory_space<hbm>>)
    %dma_start3A_289 = arith.constant 1 : i32
    %dma_start3A_290 = arith.constant 0 : i32
    %dma_start3A_291 = arith.constant 0 : i32
    %dma_start3A_292 = arith.constant 0 : i32
    %dma_start3A_293 = tpu.memref_slice %arg6[%dma_start3A_290, %dma_start3A_291, %dma_start3A_292] : memref<8x64x128xf32, #tpu.memory_space<vmem>> -> memref<1x64x128xf32, #tpu.memory_space<vmem>>
    %dma_start3A_294 = tpu.memref_squeeze %dma_start3A_293 : memref<1x64x128xf32, #tpu.memory_space<vmem>> -> memref<64x128xf32, #tpu.memory_space<vmem>>
    %dma_start3A_295 = arith.constant 0 : i32
    %dma_start3A_296 = tpu.memref_slice %arg5[%dma_start3A_289, %dma_start3A_295] : memref<26x512xi32, #tpu.memory_space<vmem>> -> memref<1x512xi32, #tpu.memory_space<vmem>>
    %dma_start3A_297 = tpu.memref_squeeze %dma_start3A_296 : memref<1x512xi32, #tpu.memory_space<vmem>> -> memref<512xi32, #tpu.memory_space<vmem>>
    %dma_start3A_298 = arith.constant 0 : i32
    %dma_start3A_299 = tpu.memref_slice %dma_start3A_297[%dma_start3A_298] : memref<512xi32, #tpu.memory_space<vmem>> -> memref<64xi32, #tpu.memory_space<vmem>>
    %dma_start3A_300 = arith.constant 0 : i32
    %dma_start3A_301 = arith.constant 0 : i32
    %dma_start3A_302 = tpu.memref_slice %arg3[%dma_start3A_300, %dma_start3A_301] : memref<100000x128xf32, #tpu.memory_space<hbm>> -> memref<100000x128xf32, #tpu.memory_space<hbm>>
    tpu.enqueue_indirect_dma source(%dma_start3A_302 : memref<100000x128xf32, #tpu.memory_space<hbm>>) target(%dma_start3A_294 : memref<64x128xf32, #tpu.memory_space<vmem>>) offsets(%dma_start3A_299 : memref<64xi32, #tpu.memory_space<vmem>>) semaphore(%arg7 : memref<!tpu.dma_semaphore, #tpu.memory_space<semaphore_mem>>)
    %dma_wait3A_303 = arith.constant 0 : i32
    %dma_wait3A_304 = arith.constant 4 : i32
    %dma_wait3A_305 = arith.constant 0 : i32
    %dma_wait3A_306 = arith.constant 0 : i32
    %dma_wait3A_307 = tpu.memref_slice %arg6[%dma_wait3A_304, %dma_wait3A_305, %dma_wait3A_306] : memref<8x64x128xf32, #tpu.memory_space<vmem>> -> memref<1x64x128xf32, #tpu.memory_space<vmem>>
    %dma_wait3A_308 = tpu.memref_squeeze %dma_wait3A_307 : memref<1x64x128xf32, #tpu.memory_space<vmem>> -> memref<64x128xf32, #tpu.memory_space<vmem>>
    %dma_wait3A_309 = arith.constant 0 : i32
    %dma_wait3A_310 = tpu.memref_slice %arg5[%dma_wait3A_303, %dma_wait3A_309] : memref<26x512xi32, #tpu.memory_space<vmem>> -> memref<1x512xi32, #tpu.memory_space<vmem>>
    %dma_wait3A_311 = tpu.memref_squeeze %dma_wait3A_310 : memref<1x512xi32, #tpu.memory_space<vmem>> -> memref<512xi32, #tpu.memory_space<vmem>>
    %dma_wait3A_312 = arith.constant 0 : i32
    %dma_wait3A_313 = tpu.memref_slice %dma_wait3A_311[%dma_wait3A_312] : memref<512xi32, #tpu.memory_space<vmem>> -> memref<64xi32, #tpu.memory_space<vmem>>
    %dma_wait3A_314 = arith.constant 0 : i32
    %dma_wait3A_315 = arith.constant 0 : i32
    %dma_wait3A_316 = tpu.memref_slice %arg3[%dma_wait3A_314, %dma_wait3A_315] : memref<100000x128xf32, #tpu.memory_space<hbm>> -> memref<100000x128xf32, #tpu.memory_space<hbm>>
    tpu.wait_indirect_dma semaphore(%arg11 : memref<!tpu.dma_semaphore, #tpu.memory_space<semaphore_mem>>) src(%dma_wait3A_316 : memref<100000x128xf32, #tpu.memory_space<hbm>>) dst(%dma_wait3A_308 : memref<64x128xf32, #tpu.memory_space<vmem>>)
    %add3A_317 = arith.constant 256 : i32
    %add3A_318 = arith.addi %mul3A_2, %add3A_317 : i32
    %dma_start3A_319 = arith.constant 4 : i32
    %dma_start3A_320 = arith.constant 0 : i32
    %dma_start3A_321 = arith.constant 0 : i32
    %dma_start3A_322 = arith.constant 0 : i32
    %dma_start3A_323 = tpu.memref_slice %arg6[%dma_start3A_319, %dma_start3A_321, %dma_start3A_322] : memref<8x64x128xf32, #tpu.memory_space<vmem>> -> memref<1x64x128xf32, #tpu.memory_space<vmem>>
    %dma_start3A_324 = tpu.memref_squeeze %dma_start3A_323 : memref<1x64x128xf32, #tpu.memory_space<vmem>> -> memref<64x128xf32, #tpu.memory_space<vmem>>
    %dma_start3A_325 = arith.constant 0 : i32
    %dma_start3A_326 = arith.constant 0 : i32
    %dma_start3A_327 = tpu.memref_slice %arg4[%dma_start3A_320, %dma_start3A_325, %dma_start3A_326] : memref<26x16384x128xf32, #tpu.memory_space<hbm>> -> memref<1x16384x128xf32, #tpu.memory_space<hbm>>
    %dma_start3A_328 = tpu.memref_squeeze %dma_start3A_327 : memref<1x16384x128xf32, #tpu.memory_space<hbm>> -> memref<16384x128xf32, #tpu.memory_space<hbm>>
    %dma_start3A_329 = arith.constant 0 : i32
    %dma_start3A_330 = tpu.memref_slice %dma_start3A_328[%add3A_318, %dma_start3A_329] : memref<16384x128xf32, #tpu.memory_space<hbm>> -> memref<64x128xf32, #tpu.memory_space<hbm>>
    %dma_start3A_331 = arith.constant 0 : i32
    %dma_start3A_332 = arith.constant 0 : i32
    %dma_start3A_333 = tpu.memref_slice %arg4[%dma_start3A_320, %dma_start3A_331, %dma_start3A_332] : memref<26x16384x128xf32, #tpu.memory_space<hbm>> -> memref<1x16384x128xf32, #tpu.memory_space<hbm>>
    %dma_start3A_334 = tpu.memref_squeeze %dma_start3A_333 : memref<1x16384x128xf32, #tpu.memory_space<hbm>> -> memref<16384x128xf32, #tpu.memory_space<hbm>>
    %dma_start3A_335 = arith.constant 0 : i32
    %dma_start3A_336 = tpu.memref_slice %dma_start3A_334[%add3A_318, %dma_start3A_335] : memref<16384x128xf32, #tpu.memory_space<hbm>> -> memref<64x128xf32, #tpu.memory_space<hbm>>
    %dma_start3A_337 = arith.constant 0 : i32
    %dma_start3A_338 = arith.constant 0 : i32
    %dma_start3A_339 = tpu.memref_slice %arg6[%dma_start3A_319, %dma_start3A_337, %dma_start3A_338] : memref<8x64x128xf32, #tpu.memory_space<vmem>> -> memref<1x64x128xf32, #tpu.memory_space<vmem>>
    %dma_start3A_340 = tpu.memref_squeeze %dma_start3A_339 : memref<1x64x128xf32, #tpu.memory_space<vmem>> -> memref<64x128xf32, #tpu.memory_space<vmem>>
    tpu.enqueue_dma source(%dma_start3A_340 : memref<64x128xf32, #tpu.memory_space<vmem>>) target(%dma_start3A_336 : memref<64x128xf32, #tpu.memory_space<hbm>>) target_semaphore(%arg19 : memref<!tpu.dma_semaphore, #tpu.memory_space<semaphore_mem>>)
    %dma_wait3A_341 = arith.constant 1 : i32
    %dma_wait3A_342 = arith.constant 0 : i32
    %dma_wait3A_343 = arith.constant 0 : i32
    %dma_wait3A_344 = arith.constant 0 : i32
    %dma_wait3A_345 = tpu.memref_slice %arg6[%dma_wait3A_341, %dma_wait3A_343, %dma_wait3A_344] : memref<8x64x128xf32, #tpu.memory_space<vmem>> -> memref<1x64x128xf32, #tpu.memory_space<vmem>>
    %dma_wait3A_346 = tpu.memref_squeeze %dma_wait3A_345 : memref<1x64x128xf32, #tpu.memory_space<vmem>> -> memref<64x128xf32, #tpu.memory_space<vmem>>
    %dma_wait3A_347 = arith.constant 0 : i32
    %dma_wait3A_348 = arith.constant 0 : i32
    %dma_wait3A_349 = tpu.memref_slice %arg4[%dma_wait3A_342, %dma_wait3A_347, %dma_wait3A_348] : memref<26x16384x128xf32, #tpu.memory_space<hbm>> -> memref<1x16384x128xf32, #tpu.memory_space<hbm>>
    %dma_wait3A_350 = tpu.memref_squeeze %dma_wait3A_349 : memref<1x16384x128xf32, #tpu.memory_space<hbm>> -> memref<16384x128xf32, #tpu.memory_space<hbm>>
    %dma_wait3A_351 = arith.constant 0 : i32
    %dma_wait3A_352 = arith.constant 0 : i32
    %dma_wait3A_353 = tpu.memref_slice %dma_wait3A_350[%dma_wait3A_351, %dma_wait3A_352] : memref<16384x128xf32, #tpu.memory_space<hbm>> -> memref<64x128xf32, #tpu.memory_space<hbm>>
    %dma_wait3A_354 = arith.constant 0 : i32
    %dma_wait3A_355 = arith.constant 0 : i32
    %dma_wait3A_356 = tpu.memref_slice %arg4[%dma_wait3A_342, %dma_wait3A_354, %dma_wait3A_355] : memref<26x16384x128xf32, #tpu.memory_space<hbm>> -> memref<1x16384x128xf32, #tpu.memory_space<hbm>>
    %dma_wait3A_357 = tpu.memref_squeeze %dma_wait3A_356 : memref<1x16384x128xf32, #tpu.memory_space<hbm>> -> memref<16384x128xf32, #tpu.memory_space<hbm>>
    %dma_wait3A_358 = arith.constant 0 : i32
    %dma_wait3A_359 = arith.constant 0 : i32
    %dma_wait3A_360 = tpu.memref_slice %dma_wait3A_357[%dma_wait3A_358, %dma_wait3A_359] : memref<16384x128xf32, #tpu.memory_space<hbm>> -> memref<64x128xf32, #tpu.memory_space<hbm>>
    %dma_wait3A_361 = arith.constant 0 : i32
    %dma_wait3A_362 = arith.constant 0 : i32
    %dma_wait3A_363 = tpu.memref_slice %arg6[%dma_wait3A_341, %dma_wait3A_361, %dma_wait3A_362] : memref<8x64x128xf32, #tpu.memory_space<vmem>> -> memref<1x64x128xf32, #tpu.memory_space<vmem>>
    %dma_wait3A_364 = tpu.memref_squeeze %dma_wait3A_363 : memref<1x64x128xf32, #tpu.memory_space<vmem>> -> memref<64x128xf32, #tpu.memory_space<vmem>>
    tpu.wait_dma2 semaphore(%arg16 : memref<!tpu.dma_semaphore, #tpu.memory_space<semaphore_mem>>) src(%dma_wait3A_364 : memref<64x128xf32, #tpu.memory_space<vmem>>) dst(%dma_wait3A_360 : memref<64x128xf32, #tpu.memory_space<hbm>>)
    %dma_start3A_365 = arith.constant 1 : i32
    %dma_start3A_366 = arith.constant 1 : i32
    %dma_start3A_367 = arith.constant 0 : i32
    %dma_start3A_368 = arith.constant 0 : i32
    %dma_start3A_369 = tpu.memref_slice %arg6[%dma_start3A_366, %dma_start3A_367, %dma_start3A_368] : memref<8x64x128xf32, #tpu.memory_space<vmem>> -> memref<1x64x128xf32, #tpu.memory_space<vmem>>
    %dma_start3A_370 = tpu.memref_squeeze %dma_start3A_369 : memref<1x64x128xf32, #tpu.memory_space<vmem>> -> memref<64x128xf32, #tpu.memory_space<vmem>>
    %dma_start3A_371 = arith.constant 0 : i32
    %dma_start3A_372 = tpu.memref_slice %arg5[%dma_start3A_365, %dma_start3A_371] : memref<26x512xi32, #tpu.memory_space<vmem>> -> memref<1x512xi32, #tpu.memory_space<vmem>>
    %dma_start3A_373 = tpu.memref_squeeze %dma_start3A_372 : memref<1x512xi32, #tpu.memory_space<vmem>> -> memref<512xi32, #tpu.memory_space<vmem>>
    %dma_start3A_374 = arith.constant 64 : i32
    %dma_start3A_375 = tpu.memref_slice %dma_start3A_373[%dma_start3A_374] : memref<512xi32, #tpu.memory_space<vmem>> -> memref<64xi32, #tpu.memory_space<vmem>>
    %dma_start3A_376 = arith.constant 0 : i32
    %dma_start3A_377 = arith.constant 0 : i32
    %dma_start3A_378 = tpu.memref_slice %arg3[%dma_start3A_376, %dma_start3A_377] : memref<100000x128xf32, #tpu.memory_space<hbm>> -> memref<100000x128xf32, #tpu.memory_space<hbm>>
    tpu.enqueue_indirect_dma source(%dma_start3A_378 : memref<100000x128xf32, #tpu.memory_space<hbm>>) target(%dma_start3A_370 : memref<64x128xf32, #tpu.memory_space<vmem>>) offsets(%dma_start3A_375 : memref<64xi32, #tpu.memory_space<vmem>>) semaphore(%arg8 : memref<!tpu.dma_semaphore, #tpu.memory_space<semaphore_mem>>)
    %dma_wait3A_379 = arith.constant 0 : i32
    %dma_wait3A_380 = arith.constant 5 : i32
    %dma_wait3A_381 = arith.constant 0 : i32
    %dma_wait3A_382 = arith.constant 0 : i32
    %dma_wait3A_383 = tpu.memref_slice %arg6[%dma_wait3A_380, %dma_wait3A_381, %dma_wait3A_382] : memref<8x64x128xf32, #tpu.memory_space<vmem>> -> memref<1x64x128xf32, #tpu.memory_space<vmem>>
    %dma_wait3A_384 = tpu.memref_squeeze %dma_wait3A_383 : memref<1x64x128xf32, #tpu.memory_space<vmem>> -> memref<64x128xf32, #tpu.memory_space<vmem>>
    %dma_wait3A_385 = arith.constant 0 : i32
    %dma_wait3A_386 = tpu.memref_slice %arg5[%dma_wait3A_379, %dma_wait3A_385] : memref<26x512xi32, #tpu.memory_space<vmem>> -> memref<1x512xi32, #tpu.memory_space<vmem>>
    %dma_wait3A_387 = tpu.memref_squeeze %dma_wait3A_386 : memref<1x512xi32, #tpu.memory_space<vmem>> -> memref<512xi32, #tpu.memory_space<vmem>>
    %dma_wait3A_388 = arith.constant 0 : i32
    %dma_wait3A_389 = tpu.memref_slice %dma_wait3A_387[%dma_wait3A_388] : memref<512xi32, #tpu.memory_space<vmem>> -> memref<64xi32, #tpu.memory_space<vmem>>
    %dma_wait3A_390 = arith.constant 0 : i32
    %dma_wait3A_391 = arith.constant 0 : i32
    %dma_wait3A_392 = tpu.memref_slice %arg3[%dma_wait3A_390, %dma_wait3A_391] : memref<100000x128xf32, #tpu.memory_space<hbm>> -> memref<100000x128xf32, #tpu.memory_space<hbm>>
    tpu.wait_indirect_dma semaphore(%arg12 : memref<!tpu.dma_semaphore, #tpu.memory_space<semaphore_mem>>) src(%dma_wait3A_392 : memref<100000x128xf32, #tpu.memory_space<hbm>>) dst(%dma_wait3A_384 : memref<64x128xf32, #tpu.memory_space<vmem>>)
    %add3A_393 = arith.constant 320 : i32
    %add3A_394 = arith.addi %mul3A_2, %add3A_393 : i32
    %dma_start3A_395 = arith.constant 5 : i32
    %dma_start3A_396 = arith.constant 0 : i32
    %dma_start3A_397 = arith.constant 0 : i32
    %dma_start3A_398 = arith.constant 0 : i32
    %dma_start3A_399 = tpu.memref_slice %arg6[%dma_start3A_395, %dma_start3A_397, %dma_start3A_398] : memref<8x64x128xf32, #tpu.memory_space<vmem>> -> memref<1x64x128xf32, #tpu.memory_space<vmem>>
    %dma_start3A_400 = tpu.memref_squeeze %dma_start3A_399 : memref<1x64x128xf32, #tpu.memory_space<vmem>> -> memref<64x128xf32, #tpu.memory_space<vmem>>
    %dma_start3A_401 = arith.constant 0 : i32
    %dma_start3A_402 = arith.constant 0 : i32
    %dma_start3A_403 = tpu.memref_slice %arg4[%dma_start3A_396, %dma_start3A_401, %dma_start3A_402] : memref<26x16384x128xf32, #tpu.memory_space<hbm>> -> memref<1x16384x128xf32, #tpu.memory_space<hbm>>
    %dma_start3A_404 = tpu.memref_squeeze %dma_start3A_403 : memref<1x16384x128xf32, #tpu.memory_space<hbm>> -> memref<16384x128xf32, #tpu.memory_space<hbm>>
    %dma_start3A_405 = arith.constant 0 : i32
    %dma_start3A_406 = tpu.memref_slice %dma_start3A_404[%add3A_394, %dma_start3A_405] : memref<16384x128xf32, #tpu.memory_space<hbm>> -> memref<64x128xf32, #tpu.memory_space<hbm>>
    %dma_start3A_407 = arith.constant 0 : i32
    %dma_start3A_408 = arith.constant 0 : i32
    %dma_start3A_409 = tpu.memref_slice %arg4[%dma_start3A_396, %dma_start3A_407, %dma_start3A_408] : memref<26x16384x128xf32, #tpu.memory_space<hbm>> -> memref<1x16384x128xf32, #tpu.memory_space<hbm>>
    %dma_start3A_410 = tpu.memref_squeeze %dma_start3A_409 : memref<1x16384x128xf32, #tpu.memory_space<hbm>> -> memref<16384x128xf32, #tpu.memory_space<hbm>>
    %dma_start3A_411 = arith.constant 0 : i32
    %dma_start3A_412 = tpu.memref_slice %dma_start3A_410[%add3A_394, %dma_start3A_411] : memref<16384x128xf32, #tpu.memory_space<hbm>> -> memref<64x128xf32, #tpu.memory_space<hbm>>
    %dma_start3A_413 = arith.constant 0 : i32
    %dma_start3A_414 = arith.constant 0 : i32
    %dma_start3A_415 = tpu.memref_slice %arg6[%dma_start3A_395, %dma_start3A_413, %dma_start3A_414] : memref<8x64x128xf32, #tpu.memory_space<vmem>> -> memref<1x64x128xf32, #tpu.memory_space<vmem>>
    %dma_start3A_416 = tpu.memref_squeeze %dma_start3A_415 : memref<1x64x128xf32, #tpu.memory_space<vmem>> -> memref<64x128xf32, #tpu.memory_space<vmem>>
    tpu.enqueue_dma source(%dma_start3A_416 : memref<64x128xf32, #tpu.memory_space<vmem>>) target(%dma_start3A_412 : memref<64x128xf32, #tpu.memory_space<hbm>>) target_semaphore(%arg20 : memref<!tpu.dma_semaphore, #tpu.memory_space<semaphore_mem>>)
    %dma_wait3A_417 = arith.constant 2 : i32
    %dma_wait3A_418 = arith.constant 0 : i32
    %dma_wait3A_419 = arith.constant 0 : i32
    %dma_wait3A_420 = arith.constant 0 : i32
    %dma_wait3A_421 = tpu.memref_slice %arg6[%dma_wait3A_417, %dma_wait3A_419, %dma_wait3A_420] : memref<8x64x128xf32, #tpu.memory_space<vmem>> -> memref<1x64x128xf32, #tpu.memory_space<vmem>>
    %dma_wait3A_422 = tpu.memref_squeeze %dma_wait3A_421 : memref<1x64x128xf32, #tpu.memory_space<vmem>> -> memref<64x128xf32, #tpu.memory_space<vmem>>
    %dma_wait3A_423 = arith.constant 0 : i32
    %dma_wait3A_424 = arith.constant 0 : i32
    %dma_wait3A_425 = tpu.memref_slice %arg4[%dma_wait3A_418, %dma_wait3A_423, %dma_wait3A_424] : memref<26x16384x128xf32, #tpu.memory_space<hbm>> -> memref<1x16384x128xf32, #tpu.memory_space<hbm>>
    %dma_wait3A_426 = tpu.memref_squeeze %dma_wait3A_425 : memref<1x16384x128xf32, #tpu.memory_space<hbm>> -> memref<16384x128xf32, #tpu.memory_space<hbm>>
    %dma_wait3A_427 = arith.constant 0 : i32
    %dma_wait3A_428 = arith.constant 0 : i32
    %dma_wait3A_429 = tpu.memref_slice %dma_wait3A_426[%dma_wait3A_427, %dma_wait3A_428] : memref<16384x128xf32, #tpu.memory_space<hbm>> -> memref<64x128xf32, #tpu.memory_space<hbm>>
    %dma_wait3A_430 = arith.constant 0 : i32
    %dma_wait3A_431 = arith.constant 0 : i32
    %dma_wait3A_432 = tpu.memref_slice %arg4[%dma_wait3A_418, %dma_wait3A_430, %dma_wait3A_431] : memref<26x16384x128xf32, #tpu.memory_space<hbm>> -> memref<1x16384x128xf32, #tpu.memory_space<hbm>>
    %dma_wait3A_433 = tpu.memref_squeeze %dma_wait3A_432 : memref<1x16384x128xf32, #tpu.memory_space<hbm>> -> memref<16384x128xf32, #tpu.memory_space<hbm>>
    %dma_wait3A_434 = arith.constant 0 : i32
    %dma_wait3A_435 = arith.constant 0 : i32
    %dma_wait3A_436 = tpu.memref_slice %dma_wait3A_433[%dma_wait3A_434, %dma_wait3A_435] : memref<16384x128xf32, #tpu.memory_space<hbm>> -> memref<64x128xf32, #tpu.memory_space<hbm>>
    %dma_wait3A_437 = arith.constant 0 : i32
    %dma_wait3A_438 = arith.constant 0 : i32
    %dma_wait3A_439 = tpu.memref_slice %arg6[%dma_wait3A_417, %dma_wait3A_437, %dma_wait3A_438] : memref<8x64x128xf32, #tpu.memory_space<vmem>> -> memref<1x64x128xf32, #tpu.memory_space<vmem>>
    %dma_wait3A_440 = tpu.memref_squeeze %dma_wait3A_439 : memref<1x64x128xf32, #tpu.memory_space<vmem>> -> memref<64x128xf32, #tpu.memory_space<vmem>>
    tpu.wait_dma2 semaphore(%arg17 : memref<!tpu.dma_semaphore, #tpu.memory_space<semaphore_mem>>) src(%dma_wait3A_440 : memref<64x128xf32, #tpu.memory_space<vmem>>) dst(%dma_wait3A_436 : memref<64x128xf32, #tpu.memory_space<hbm>>)
    %dma_start3A_441 = arith.constant 1 : i32
    %dma_start3A_442 = arith.constant 2 : i32
    %dma_start3A_443 = arith.constant 0 : i32
    %dma_start3A_444 = arith.constant 0 : i32
    %dma_start3A_445 = tpu.memref_slice %arg6[%dma_start3A_442, %dma_start3A_443, %dma_start3A_444] : memref<8x64x128xf32, #tpu.memory_space<vmem>> -> memref<1x64x128xf32, #tpu.memory_space<vmem>>
    %dma_start3A_446 = tpu.memref_squeeze %dma_start3A_445 : memref<1x64x128xf32, #tpu.memory_space<vmem>> -> memref<64x128xf32, #tpu.memory_space<vmem>>
    %dma_start3A_447 = arith.constant 0 : i32
    %dma_start3A_448 = tpu.memref_slice %arg5[%dma_start3A_441, %dma_start3A_447] : memref<26x512xi32, #tpu.memory_space<vmem>> -> memref<1x512xi32, #tpu.memory_space<vmem>>
    %dma_start3A_449 = tpu.memref_squeeze %dma_start3A_448 : memref<1x512xi32, #tpu.memory_space<vmem>> -> memref<512xi32, #tpu.memory_space<vmem>>
    %dma_start3A_450 = arith.constant 128 : i32
    %dma_start3A_451 = tpu.memref_slice %dma_start3A_449[%dma_start3A_450] : memref<512xi32, #tpu.memory_space<vmem>> -> memref<64xi32, #tpu.memory_space<vmem>>
    %dma_start3A_452 = arith.constant 0 : i32
    %dma_start3A_453 = arith.constant 0 : i32
    %dma_start3A_454 = tpu.memref_slice %arg3[%dma_start3A_452, %dma_start3A_453] : memref<100000x128xf32, #tpu.memory_space<hbm>> -> memref<100000x128xf32, #tpu.memory_space<hbm>>
    tpu.enqueue_indirect_dma source(%dma_start3A_454 : memref<100000x128xf32, #tpu.memory_space<hbm>>) target(%dma_start3A_446 : memref<64x128xf32, #tpu.memory_space<vmem>>) offsets(%dma_start3A_451 : memref<64xi32, #tpu.memory_space<vmem>>) semaphore(%arg9 : memref<!tpu.dma_semaphore, #tpu.memory_space<semaphore_mem>>)
    %dma_wait3A_455 = arith.constant 0 : i32
    %dma_wait3A_456 = arith.constant 6 : i32
    %dma_wait3A_457 = arith.constant 0 : i32
    %dma_wait3A_458 = arith.constant 0 : i32
    %dma_wait3A_459 = tpu.memref_slice %arg6[%dma_wait3A_456, %dma_wait3A_457, %dma_wait3A_458] : memref<8x64x128xf32, #tpu.memory_space<vmem>> -> memref<1x64x128xf32, #tpu.memory_space<vmem>>
    %dma_wait3A_460 = tpu.memref_squeeze %dma_wait3A_459 : memref<1x64x128xf32, #tpu.memory_space<vmem>> -> memref<64x128xf32, #tpu.memory_space<vmem>>
    %dma_wait3A_461 = arith.constant 0 : i32
    %dma_wait3A_462 = tpu.memref_slice %arg5[%dma_wait3A_455, %dma_wait3A_461] : memref<26x512xi32, #tpu.memory_space<vmem>> -> memref<1x512xi32, #tpu.memory_space<vmem>>
    %dma_wait3A_463 = tpu.memref_squeeze %dma_wait3A_462 : memref<1x512xi32, #tpu.memory_space<vmem>> -> memref<512xi32, #tpu.memory_space<vmem>>
    %dma_wait3A_464 = arith.constant 0 : i32
    %dma_wait3A_465 = tpu.memref_slice %dma_wait3A_463[%dma_wait3A_464] : memref<512xi32, #tpu.memory_space<vmem>> -> memref<64xi32, #tpu.memory_space<vmem>>
    %dma_wait3A_466 = arith.constant 0 : i32
    %dma_wait3A_467 = arith.constant 0 : i32
    %dma_wait3A_468 = tpu.memref_slice %arg3[%dma_wait3A_466, %dma_wait3A_467] : memref<100000x128xf32, #tpu.memory_space<hbm>> -> memref<100000x128xf32, #tpu.memory_space<hbm>>
    tpu.wait_indirect_dma semaphore(%arg13 : memref<!tpu.dma_semaphore, #tpu.memory_space<semaphore_mem>>) src(%dma_wait3A_468 : memref<100000x128xf32, #tpu.memory_space<hbm>>) dst(%dma_wait3A_460 : memref<64x128xf32, #tpu.memory_space<vmem>>)
    %add3A_469 = arith.constant 384 : i32
    %add3A_470 = arith.addi %mul3A_2, %add3A_469 : i32
    %dma_start3A_471 = arith.constant 6 : i32
    %dma_start3A_472 = arith.constant 0 : i32
    %dma_start3A_473 = arith.constant 0 : i32
    %dma_start3A_474 = arith.constant 0 : i32
    %dma_start3A_475 = tpu.memref_slice %arg6[%dma_start3A_471, %dma_start3A_473, %dma_start3A_474] : memref<8x64x128xf32, #tpu.memory_space<vmem>> -> memref<1x64x128xf32, #tpu.memory_space<vmem>>
    %dma_start3A_476 = tpu.memref_squeeze %dma_start3A_475 : memref<1x64x128xf32, #tpu.memory_space<vmem>> -> memref<64x128xf32, #tpu.memory_space<vmem>>
    %dma_start3A_477 = arith.constant 0 : i32
    %dma_start3A_478 = arith.constant 0 : i32
    %dma_start3A_479 = tpu.memref_slice %arg4[%dma_start3A_472, %dma_start3A_477, %dma_start3A_478] : memref<26x16384x128xf32, #tpu.memory_space<hbm>> -> memref<1x16384x128xf32, #tpu.memory_space<hbm>>
    %dma_start3A_480 = tpu.memref_squeeze %dma_start3A_479 : memref<1x16384x128xf32, #tpu.memory_space<hbm>> -> memref<16384x128xf32, #tpu.memory_space<hbm>>
    %dma_start3A_481 = arith.constant 0 : i32
    %dma_start3A_482 = tpu.memref_slice %dma_start3A_480[%add3A_470, %dma_start3A_481] : memref<16384x128xf32, #tpu.memory_space<hbm>> -> memref<64x128xf32, #tpu.memory_space<hbm>>
    %dma_start3A_483 = arith.constant 0 : i32
    %dma_start3A_484 = arith.constant 0 : i32
    %dma_start3A_485 = tpu.memref_slice %arg4[%dma_start3A_472, %dma_start3A_483, %dma_start3A_484] : memref<26x16384x128xf32, #tpu.memory_space<hbm>> -> memref<1x16384x128xf32, #tpu.memory_space<hbm>>
    %dma_start3A_486 = tpu.memref_squeeze %dma_start3A_485 : memref<1x16384x128xf32, #tpu.memory_space<hbm>> -> memref<16384x128xf32, #tpu.memory_space<hbm>>
    %dma_start3A_487 = arith.constant 0 : i32
    %dma_start3A_488 = tpu.memref_slice %dma_start3A_486[%add3A_470, %dma_start3A_487] : memref<16384x128xf32, #tpu.memory_space<hbm>> -> memref<64x128xf32, #tpu.memory_space<hbm>>
    %dma_start3A_489 = arith.constant 0 : i32
    %dma_start3A_490 = arith.constant 0 : i32
    %dma_start3A_491 = tpu.memref_slice %arg6[%dma_start3A_471, %dma_start3A_489, %dma_start3A_490] : memref<8x64x128xf32, #tpu.memory_space<vmem>> -> memref<1x64x128xf32, #tpu.memory_space<vmem>>
    %dma_start3A_492 = tpu.memref_squeeze %dma_start3A_491 : memref<1x64x128xf32, #tpu.memory_space<vmem>> -> memref<64x128xf32, #tpu.memory_space<vmem>>
    tpu.enqueue_dma source(%dma_start3A_492 : memref<64x128xf32, #tpu.memory_space<vmem>>) target(%dma_start3A_488 : memref<64x128xf32, #tpu.memory_space<hbm>>) target_semaphore(%arg21 : memref<!tpu.dma_semaphore, #tpu.memory_space<semaphore_mem>>)
    %dma_wait3A_493 = arith.constant 3 : i32
    %dma_wait3A_494 = arith.constant 0 : i32
    %dma_wait3A_495 = arith.constant 0 : i32
    %dma_wait3A_496 = arith.constant 0 : i32
    %dma_wait3A_497 = tpu.memref_slice %arg6[%dma_wait3A_493, %dma_wait3A_495, %dma_wait3A_496] : memref<8x64x128xf32, #tpu.memory_space<vmem>> -> memref<1x64x128xf32, #tpu.memory_space<vmem>>
    %dma_wait3A_498 = tpu.memref_squeeze %dma_wait3A_497 : memref<1x64x128xf32, #tpu.memory_space<vmem>> -> memref<64x128xf32, #tpu.memory_space<vmem>>
    %dma_wait3A_499 = arith.constant 0 : i32
    %dma_wait3A_500 = arith.constant 0 : i32
    %dma_wait3A_501 = tpu.memref_slice %arg4[%dma_wait3A_494, %dma_wait3A_499, %dma_wait3A_500] : memref<26x16384x128xf32, #tpu.memory_space<hbm>> -> memref<1x16384x128xf32, #tpu.memory_space<hbm>>
    %dma_wait3A_502 = tpu.memref_squeeze %dma_wait3A_501 : memref<1x16384x128xf32, #tpu.memory_space<hbm>> -> memref<16384x128xf32, #tpu.memory_space<hbm>>
    %dma_wait3A_503 = arith.constant 0 : i32
    %dma_wait3A_504 = arith.constant 0 : i32
    %dma_wait3A_505 = tpu.memref_slice %dma_wait3A_502[%dma_wait3A_503, %dma_wait3A_504] : memref<16384x128xf32, #tpu.memory_space<hbm>> -> memref<64x128xf32, #tpu.memory_space<hbm>>
    %dma_wait3A_506 = arith.constant 0 : i32
    %dma_wait3A_507 = arith.constant 0 : i32
    %dma_wait3A_508 = tpu.memref_slice %arg4[%dma_wait3A_494, %dma_wait3A_506, %dma_wait3A_507] : memref<26x16384x128xf32, #tpu.memory_space<hbm>> -> memref<1x16384x128xf32, #tpu.memory_space<hbm>>
    %dma_wait3A_509 = tpu.memref_squeeze %dma_wait3A_508 : memref<1x16384x128xf32, #tpu.memory_space<hbm>> -> memref<16384x128xf32, #tpu.memory_space<hbm>>
    %dma_wait3A_510 = arith.constant 0 : i32
    %dma_wait3A_511 = arith.constant 0 : i32
    %dma_wait3A_512 = tpu.memref_slice %dma_wait3A_509[%dma_wait3A_510, %dma_wait3A_511] : memref<16384x128xf32, #tpu.memory_space<hbm>> -> memref<64x128xf32, #tpu.memory_space<hbm>>
    %dma_wait3A_513 = arith.constant 0 : i32
    %dma_wait3A_514 = arith.constant 0 : i32
    %dma_wait3A_515 = tpu.memref_slice %arg6[%dma_wait3A_493, %dma_wait3A_513, %dma_wait3A_514] : memref<8x64x128xf32, #tpu.memory_space<vmem>> -> memref<1x64x128xf32, #tpu.memory_space<vmem>>
    %dma_wait3A_516 = tpu.memref_squeeze %dma_wait3A_515 : memref<1x64x128xf32, #tpu.memory_space<vmem>> -> memref<64x128xf32, #tpu.memory_space<vmem>>
    tpu.wait_dma2 semaphore(%arg18 : memref<!tpu.dma_semaphore, #tpu.memory_space<semaphore_mem>>) src(%dma_wait3A_516 : memref<64x128xf32, #tpu.memory_space<vmem>>) dst(%dma_wait3A_512 : memref<64x128xf32, #tpu.memory_space<hbm>>)
    %dma_start3A_517 = arith.constant 1 : i32
    %dma_start3A_518 = arith.constant 3 : i32
    %dma_start3A_519 = arith.constant 0 : i32
    %dma_start3A_520 = arith.constant 0 : i32
    %dma_start3A_521 = tpu.memref_slice %arg6[%dma_start3A_518, %dma_start3A_519, %dma_start3A_520] : memref<8x64x128xf32, #tpu.memory_space<vmem>> -> memref<1x64x128xf32, #tpu.memory_space<vmem>>
    %dma_start3A_522 = tpu.memref_squeeze %dma_start3A_521 : memref<1x64x128xf32, #tpu.memory_space<vmem>> -> memref<64x128xf32, #tpu.memory_space<vmem>>
    %dma_start3A_523 = arith.constant 0 : i32
    %dma_start3A_524 = tpu.memref_slice %arg5[%dma_start3A_517, %dma_start3A_523] : memref<26x512xi32, #tpu.memory_space<vmem>> -> memref<1x512xi32, #tpu.memory_space<vmem>>
    %dma_start3A_525 = tpu.memref_squeeze %dma_start3A_524 : memref<1x512xi32, #tpu.memory_space<vmem>> -> memref<512xi32, #tpu.memory_space<vmem>>
    %dma_start3A_526 = arith.constant 192 : i32
    %dma_start3A_527 = tpu.memref_slice %dma_start3A_525[%dma_start3A_526] : memref<512xi32, #tpu.memory_space<vmem>> -> memref<64xi32, #tpu.memory_space<vmem>>
    %dma_start3A_528 = arith.constant 0 : i32
    %dma_start3A_529 = arith.constant 0 : i32
    %dma_start3A_530 = tpu.memref_slice %arg3[%dma_start3A_528, %dma_start3A_529] : memref<100000x128xf32, #tpu.memory_space<hbm>> -> memref<100000x128xf32, #tpu.memory_space<hbm>>
    tpu.enqueue_indirect_dma source(%dma_start3A_530 : memref<100000x128xf32, #tpu.memory_space<hbm>>) target(%dma_start3A_522 : memref<64x128xf32, #tpu.memory_space<vmem>>) offsets(%dma_start3A_527 : memref<64xi32, #tpu.memory_space<vmem>>) semaphore(%arg10 : memref<!tpu.dma_semaphore, #tpu.memory_space<semaphore_mem>>)
    %dma_wait3A_531 = arith.constant 0 : i32
    %dma_wait3A_532 = arith.constant 7 : i32
    %dma_wait3A_533 = arith.constant 0 : i32
    %dma_wait3A_534 = arith.constant 0 : i32
    %dma_wait3A_535 = tpu.memref_slice %arg6[%dma_wait3A_532, %dma_wait3A_533, %dma_wait3A_534] : memref<8x64x128xf32, #tpu.memory_space<vmem>> -> memref<1x64x128xf32, #tpu.memory_space<vmem>>
    %dma_wait3A_536 = tpu.memref_squeeze %dma_wait3A_535 : memref<1x64x128xf32, #tpu.memory_space<vmem>> -> memref<64x128xf32, #tpu.memory_space<vmem>>
    %dma_wait3A_537 = arith.constant 0 : i32
    %dma_wait3A_538 = tpu.memref_slice %arg5[%dma_wait3A_531, %dma_wait3A_537] : memref<26x512xi32, #tpu.memory_space<vmem>> -> memref<1x512xi32, #tpu.memory_space<vmem>>
    %dma_wait3A_539 = tpu.memref_squeeze %dma_wait3A_538 : memref<1x512xi32, #tpu.memory_space<vmem>> -> memref<512xi32, #tpu.memory_space<vmem>>
    %dma_wait3A_540 = arith.constant 0 : i32
    %dma_wait3A_541 = tpu.memref_slice %dma_wait3A_539[%dma_wait3A_540] : memref<512xi32, #tpu.memory_space<vmem>> -> memref<64xi32, #tpu.memory_space<vmem>>
    %dma_wait3A_542 = arith.constant 0 : i32
    %dma_wait3A_543 = arith.constant 0 : i32
    %dma_wait3A_544 = tpu.memref_slice %arg3[%dma_wait3A_542, %dma_wait3A_543] : memref<100000x128xf32, #tpu.memory_space<hbm>> -> memref<100000x128xf32, #tpu.memory_space<hbm>>
    tpu.wait_indirect_dma semaphore(%arg14 : memref<!tpu.dma_semaphore, #tpu.memory_space<semaphore_mem>>) src(%dma_wait3A_544 : memref<100000x128xf32, #tpu.memory_space<hbm>>) dst(%dma_wait3A_536 : memref<64x128xf32, #tpu.memory_space<vmem>>)
    %add3A_545 = arith.constant 448 : i32
    %add3A_546 = arith.addi %mul3A_2, %add3A_545 : i32
    %dma_start3A_547 = arith.constant 7 : i32
    %dma_start3A_548 = arith.constant 0 : i32
    %dma_start3A_549 = arith.constant 0 : i32
    %dma_start3A_550 = arith.constant 0 : i32
    %dma_start3A_551 = tpu.memref_slice %arg6[%dma_start3A_547, %dma_start3A_549, %dma_start3A_550] : memref<8x64x128xf32, #tpu.memory_space<vmem>> -> memref<1x64x128xf32, #tpu.memory_space<vmem>>
    %dma_start3A_552 = tpu.memref_squeeze %dma_start3A_551 : memref<1x64x128xf32, #tpu.memory_space<vmem>> -> memref<64x128xf32, #tpu.memory_space<vmem>>
    %dma_start3A_553 = arith.constant 0 : i32
    %dma_start3A_554 = arith.constant 0 : i32
    %dma_start3A_555 = tpu.memref_slice %arg4[%dma_start3A_548, %dma_start3A_553, %dma_start3A_554] : memref<26x16384x128xf32, #tpu.memory_space<hbm>> -> memref<1x16384x128xf32, #tpu.memory_space<hbm>>
    %dma_start3A_556 = tpu.memref_squeeze %dma_start3A_555 : memref<1x16384x128xf32, #tpu.memory_space<hbm>> -> memref<16384x128xf32, #tpu.memory_space<hbm>>
    %dma_start3A_557 = arith.constant 0 : i32
    %dma_start3A_558 = tpu.memref_slice %dma_start3A_556[%add3A_546, %dma_start3A_557] : memref<16384x128xf32, #tpu.memory_space<hbm>> -> memref<64x128xf32, #tpu.memory_space<hbm>>
    %dma_start3A_559 = arith.constant 0 : i32
    %dma_start3A_560 = arith.constant 0 : i32
    %dma_start3A_561 = tpu.memref_slice %arg4[%dma_start3A_548, %dma_start3A_559, %dma_start3A_560] : memref<26x16384x128xf32, #tpu.memory_space<hbm>> -> memref<1x16384x128xf32, #tpu.memory_space<hbm>>
    %dma_start3A_562 = tpu.memref_squeeze %dma_start3A_561 : memref<1x16384x128xf32, #tpu.memory_space<hbm>> -> memref<16384x128xf32, #tpu.memory_space<hbm>>
    %dma_start3A_563 = arith.constant 0 : i32
    %dma_start3A_564 = tpu.memref_slice %dma_start3A_562[%add3A_546, %dma_start3A_563] : memref<16384x128xf32, #tpu.memory_space<hbm>> -> memref<64x128xf32, #tpu.memory_space<hbm>>
    %dma_start3A_565 = arith.constant 0 : i32
    %dma_start3A_566 = arith.constant 0 : i32
    %dma_start3A_567 = tpu.memref_slice %arg6[%dma_start3A_547, %dma_start3A_565, %dma_start3A_566] : memref<8x64x128xf32, #tpu.memory_space<vmem>> -> memref<1x64x128xf32, #tpu.memory_space<vmem>>
    %dma_start3A_568 = tpu.memref_squeeze %dma_start3A_567 : memref<1x64x128xf32, #tpu.memory_space<vmem>> -> memref<64x128xf32, #tpu.memory_space<vmem>>
    tpu.enqueue_dma source(%dma_start3A_568 : memref<64x128xf32, #tpu.memory_space<vmem>>) target(%dma_start3A_564 : memref<64x128xf32, #tpu.memory_space<hbm>>) target_semaphore(%arg22 : memref<!tpu.dma_semaphore, #tpu.memory_space<semaphore_mem>>)
    %scan3A = arith.constant 0 : i32
    %scan3A_569 = arith.constant 1 : i32
    %scan3A_570 = arith.constant 24 : i32
    %scan3A_571 = arith.addi %scan3A_569, %scan3A_570 : i32
    %scan3A_572 = arith.constant 1 : i32
    scf.for %scan3A_1222 = %scan3A_569 to %scan3A_571 step %scan3A_572  : i32 {
      %mul3A_1223 = arith.constant 8 : i32
      %mul3A_1224 = arith.muli %scan3A_1222, %mul3A_1223 : i32
      %add3A_1225 = arith.constant 0 : i32
      %add3A_1226 = arith.addi %mul3A_1224, %add3A_1225 : i32
      %dma_wait3A_1227 = arith.constant 4 : i32
      %dma_wait3A_1228 = arith.constant 0 : i32
      %dma_wait3A_1229 = arith.constant 0 : i32
      %dma_wait3A_1230 = arith.constant 0 : i32
      %dma_wait3A_1231 = tpu.memref_slice %arg6[%dma_wait3A_1227, %dma_wait3A_1229, %dma_wait3A_1230] : memref<8x64x128xf32, #tpu.memory_space<vmem>> -> memref<1x64x128xf32, #tpu.memory_space<vmem>>
      %dma_wait3A_1232 = tpu.memref_squeeze %dma_wait3A_1231 : memref<1x64x128xf32, #tpu.memory_space<vmem>> -> memref<64x128xf32, #tpu.memory_space<vmem>>
      %dma_wait3A_1233 = arith.constant 0 : i32
      %dma_wait3A_1234 = arith.constant 0 : i32
      %dma_wait3A_1235 = tpu.memref_slice %arg4[%dma_wait3A_1228, %dma_wait3A_1233, %dma_wait3A_1234] : memref<26x16384x128xf32, #tpu.memory_space<hbm>> -> memref<1x16384x128xf32, #tpu.memory_space<hbm>>
      %dma_wait3A_1236 = tpu.memref_squeeze %dma_wait3A_1235 : memref<1x16384x128xf32, #tpu.memory_space<hbm>> -> memref<16384x128xf32, #tpu.memory_space<hbm>>
      %dma_wait3A_1237 = arith.constant 0 : i32
      %dma_wait3A_1238 = arith.constant 0 : i32
      %dma_wait3A_1239 = tpu.memref_slice %dma_wait3A_1236[%dma_wait3A_1237, %dma_wait3A_1238] : memref<16384x128xf32, #tpu.memory_space<hbm>> -> memref<64x128xf32, #tpu.memory_space<hbm>>
      %dma_wait3A_1240 = arith.constant 0 : i32
      %dma_wait3A_1241 = arith.constant 0 : i32
      %dma_wait3A_1242 = tpu.memref_slice %arg4[%dma_wait3A_1228, %dma_wait3A_1240, %dma_wait3A_1241] : memref<26x16384x128xf32, #tpu.memory_space<hbm>> -> memref<1x16384x128xf32, #tpu.memory_space<hbm>>
      %dma_wait3A_1243 = tpu.memref_squeeze %dma_wait3A_1242 : memref<1x16384x128xf32, #tpu.memory_space<hbm>> -> memref<16384x128xf32, #tpu.memory_space<hbm>>
      %dma_wait3A_1244 = arith.constant 0 : i32
      %dma_wait3A_1245 = arith.constant 0 : i32
      %dma_wait3A_1246 = tpu.memref_slice %dma_wait3A_1243[%dma_wait3A_1244, %dma_wait3A_1245] : memref<16384x128xf32, #tpu.memory_space<hbm>> -> memref<64x128xf32, #tpu.memory_space<hbm>>
      %dma_wait3A_1247 = arith.constant 0 : i32
      %dma_wait3A_1248 = arith.constant 0 : i32
      %dma_wait3A_1249 = tpu.memref_slice %arg6[%dma_wait3A_1227, %dma_wait3A_1247, %dma_wait3A_1248] : memref<8x64x128xf32, #tpu.memory_space<vmem>> -> memref<1x64x128xf32, #tpu.memory_space<vmem>>
      %dma_wait3A_1250 = tpu.memref_squeeze %dma_wait3A_1249 : memref<1x64x128xf32, #tpu.memory_space<vmem>> -> memref<64x128xf32, #tpu.memory_space<vmem>>
      tpu.wait_dma2 semaphore(%arg19 : memref<!tpu.dma_semaphore, #tpu.memory_space<semaphore_mem>>) src(%dma_wait3A_1250 : memref<64x128xf32, #tpu.memory_space<vmem>>) dst(%dma_wait3A_1246 : memref<64x128xf32, #tpu.memory_space<hbm>>)
      %add3A_1251 = arith.constant 4 : i32
      %add3A_1252 = arith.addi %add3A_1226, %add3A_1251 : i32
      %jit3A = arith.constant 8 : i32
      %div3A = arith.divsi %add3A_1252, %jit3A : i32
      %sign3A = arith.constant 0 : i32
      %sign3A_1253 = arith.cmpi sgt, %add3A_1252, %sign3A : i32
      %sign3A_1254 = arith.extui %sign3A_1253 : i1 to i32
      %sign3A_1255 = arith.constant 0 : i32
      %sign3A_1256 = arith.cmpi slt, %add3A_1252, %sign3A_1255 : i32
      %sign3A_1257 = arith.extui %sign3A_1256 : i1 to i32
      %sign3A_1258 = arith.subi %sign3A_1254, %sign3A_1257 : i32
      %sign3A_1259 = arith.constant 0 : i32
      %sign3A_1260 = arith.cmpi sgt, %jit3A, %sign3A_1259 : i32
      %sign3A_1261 = arith.extui %sign3A_1260 : i1 to i32
      %sign3A_1262 = arith.constant 0 : i32
      %sign3A_1263 = arith.cmpi slt, %jit3A, %sign3A_1262 : i32
      %sign3A_1264 = arith.extui %sign3A_1263 : i1 to i32
      %sign3A_1265 = arith.subi %sign3A_1261, %sign3A_1264 : i32
      %ne3A = arith.cmpi ne, %sign3A_1258, %sign3A_1265 : i32
      %rem3A = arith.remsi %add3A_1252, %jit3A : i32
      %ne3A_1266 = arith.constant 0 : i32
      %ne3A_1267 = arith.cmpi ne, %rem3A, %ne3A_1266 : i32
      %and3A = arith.andi %ne3A, %ne3A_1267 : i1
      %sub3A = arith.constant 1 : i32
      %sub3A_1268 = arith.subi %div3A, %sub3A : i32
      %select_n3A = arith.select %and3A, %sub3A_1268, %div3A : i32
      %jit3A_1269 = arith.constant 8 : i32
      %eq3A = arith.constant 0 : i32
      %eq3A_1270 = arith.cmpi eq, %jit3A_1269, %eq3A : i32
      %jit3A_1271 = arith.constant 1 : i32
      %select_n3A_1272 = arith.select %eq3A_1270, %jit3A_1271, %jit3A_1269 : i32
      %rem3A_1273 = arith.remsi %add3A_1252, %select_n3A_1272 : i32
      %ne3A_1274 = arith.constant 0 : i32
      %ne3A_1275 = arith.cmpi ne, %rem3A_1273, %ne3A_1274 : i32
      %lt3A = arith.constant 0 : i32
      %lt3A_1276 = arith.cmpi slt, %rem3A_1273, %lt3A : i32
      %lt3A_1277 = arith.constant 0 : i32
      %lt3A_1278 = arith.cmpi slt, %select_n3A_1272, %lt3A_1277 : i32
      %ne3A_1279 = arith.xori %lt3A_1276, %lt3A_1278 : i1
      %and3A_1280 = arith.andi %ne3A_1279, %ne3A_1275 : i1
      %add3A_1281 = arith.addi %rem3A_1273, %select_n3A_1272 : i32
      %select_n3A_1282 = arith.select %and3A_1280, %add3A_1281, %rem3A_1273 : i32
      %mul3A_1283 = arith.constant 64 : i32
      %mul3A_1284 = arith.muli %select_n3A_1282, %mul3A_1283 : i32
      %dma_start3A_1285 = arith.constant 4 : i32
      %dma_start3A_1286 = arith.constant 0 : i32
      %dma_start3A_1287 = arith.constant 0 : i32
      %dma_start3A_1288 = tpu.memref_slice %arg6[%dma_start3A_1285, %dma_start3A_1286, %dma_start3A_1287] : memref<8x64x128xf32, #tpu.memory_space<vmem>> -> memref<1x64x128xf32, #tpu.memory_space<vmem>>
      %dma_start3A_1289 = tpu.memref_squeeze %dma_start3A_1288 : memref<1x64x128xf32, #tpu.memory_space<vmem>> -> memref<64x128xf32, #tpu.memory_space<vmem>>
      %dma_start3A_1290 = arith.constant 0 : i32
      %dma_start3A_1291 = tpu.memref_slice %arg5[%select_n3A, %dma_start3A_1290] : memref<26x512xi32, #tpu.memory_space<vmem>> -> memref<1x512xi32, #tpu.memory_space<vmem>>
      %dma_start3A_1292 = tpu.memref_squeeze %dma_start3A_1291 : memref<1x512xi32, #tpu.memory_space<vmem>> -> memref<512xi32, #tpu.memory_space<vmem>>
      %dma_start3A_1293 = tpu.memref_slice %dma_start3A_1292[%mul3A_1284] : memref<512xi32, #tpu.memory_space<vmem>> -> memref<64xi32, #tpu.memory_space<vmem>>
      %dma_start3A_1294 = arith.constant 0 : i32
      %dma_start3A_1295 = arith.constant 0 : i32
      %dma_start3A_1296 = tpu.memref_slice %arg3[%dma_start3A_1294, %dma_start3A_1295] : memref<100000x128xf32, #tpu.memory_space<hbm>> -> memref<100000x128xf32, #tpu.memory_space<hbm>>
      tpu.enqueue_indirect_dma source(%dma_start3A_1296 : memref<100000x128xf32, #tpu.memory_space<hbm>>) target(%dma_start3A_1289 : memref<64x128xf32, #tpu.memory_space<vmem>>) offsets(%dma_start3A_1293 : memref<64xi32, #tpu.memory_space<vmem>>) semaphore(%arg11 : memref<!tpu.dma_semaphore, #tpu.memory_space<semaphore_mem>>)
      %dma_wait3A_1297 = arith.constant 0 : i32
      %dma_wait3A_1298 = arith.constant 0 : i32
      %dma_wait3A_1299 = arith.constant 0 : i32
      %dma_wait3A_1300 = arith.constant 0 : i32
      %dma_wait3A_1301 = tpu.memref_slice %arg6[%dma_wait3A_1298, %dma_wait3A_1299, %dma_wait3A_1300] : memref<8x64x128xf32, #tpu.memory_space<vmem>> -> memref<1x64x128xf32, #tpu.memory_space<vmem>>
      %dma_wait3A_1302 = tpu.memref_squeeze %dma_wait3A_1301 : memref<1x64x128xf32, #tpu.memory_space<vmem>> -> memref<64x128xf32, #tpu.memory_space<vmem>>
      %dma_wait3A_1303 = arith.constant 0 : i32
      %dma_wait3A_1304 = tpu.memref_slice %arg5[%dma_wait3A_1297, %dma_wait3A_1303] : memref<26x512xi32, #tpu.memory_space<vmem>> -> memref<1x512xi32, #tpu.memory_space<vmem>>
      %dma_wait3A_1305 = tpu.memref_squeeze %dma_wait3A_1304 : memref<1x512xi32, #tpu.memory_space<vmem>> -> memref<512xi32, #tpu.memory_space<vmem>>
      %dma_wait3A_1306 = arith.constant 0 : i32
      %dma_wait3A_1307 = tpu.memref_slice %dma_wait3A_1305[%dma_wait3A_1306] : memref<512xi32, #tpu.memory_space<vmem>> -> memref<64xi32, #tpu.memory_space<vmem>>
      %dma_wait3A_1308 = arith.constant 0 : i32
      %dma_wait3A_1309 = arith.constant 0 : i32
      %dma_wait3A_1310 = tpu.memref_slice %arg3[%dma_wait3A_1308, %dma_wait3A_1309] : memref<100000x128xf32, #tpu.memory_space<hbm>> -> memref<100000x128xf32, #tpu.memory_space<hbm>>
      tpu.wait_indirect_dma semaphore(%arg7 : memref<!tpu.dma_semaphore, #tpu.memory_space<semaphore_mem>>) src(%dma_wait3A_1310 : memref<100000x128xf32, #tpu.memory_space<hbm>>) dst(%dma_wait3A_1302 : memref<64x128xf32, #tpu.memory_space<vmem>>)
      %jit3A_1311 = arith.constant 8 : i32
      %div3A_1312 = arith.divsi %add3A_1226, %jit3A_1311 : i32
      %sign3A_1313 = arith.constant 0 : i32
      %sign3A_1314 = arith.cmpi sgt, %add3A_1226, %sign3A_1313 : i32
      %sign3A_1315 = arith.extui %sign3A_1314 : i1 to i32
      %sign3A_1316 = arith.constant 0 : i32
      %sign3A_1317 = arith.cmpi slt, %add3A_1226, %sign3A_1316 : i32
      %sign3A_1318 = arith.extui %sign3A_1317 : i1 to i32
      %sign3A_1319 = arith.subi %sign3A_1315, %sign3A_1318 : i32
      %sign3A_1320 = arith.constant 0 : i32
      %sign3A_1321 = arith.cmpi sgt, %jit3A_1311, %sign3A_1320 : i32
      %sign3A_1322 = arith.extui %sign3A_1321 : i1 to i32
      %sign3A_1323 = arith.constant 0 : i32
      %sign3A_1324 = arith.cmpi slt, %jit3A_1311, %sign3A_1323 : i32
      %sign3A_1325 = arith.extui %sign3A_1324 : i1 to i32
      %sign3A_1326 = arith.subi %sign3A_1322, %sign3A_1325 : i32
      %ne3A_1327 = arith.cmpi ne, %sign3A_1319, %sign3A_1326 : i32
      %rem3A_1328 = arith.remsi %add3A_1226, %jit3A_1311 : i32
      %ne3A_1329 = arith.constant 0 : i32
      %ne3A_1330 = arith.cmpi ne, %rem3A_1328, %ne3A_1329 : i32
      %and3A_1331 = arith.andi %ne3A_1327, %ne3A_1330 : i1
      %sub3A_1332 = arith.constant 1 : i32
      %sub3A_1333 = arith.subi %div3A_1312, %sub3A_1332 : i32
      %select_n3A_1334 = arith.select %and3A_1331, %sub3A_1333, %div3A_1312 : i32
      %jit3A_1335 = arith.constant 8 : i32
      %eq3A_1336 = arith.constant 0 : i32
      %eq3A_1337 = arith.cmpi eq, %jit3A_1335, %eq3A_1336 : i32
      %jit3A_1338 = arith.constant 1 : i32
      %select_n3A_1339 = arith.select %eq3A_1337, %jit3A_1338, %jit3A_1335 : i32
      %rem3A_1340 = arith.remsi %add3A_1226, %select_n3A_1339 : i32
      %ne3A_1341 = arith.constant 0 : i32
      %ne3A_1342 = arith.cmpi ne, %rem3A_1340, %ne3A_1341 : i32
      %lt3A_1343 = arith.constant 0 : i32
      %lt3A_1344 = arith.cmpi slt, %rem3A_1340, %lt3A_1343 : i32
      %lt3A_1345 = arith.constant 0 : i32
      %lt3A_1346 = arith.cmpi slt, %select_n3A_1339, %lt3A_1345 : i32
      %ne3A_1347 = arith.xori %lt3A_1344, %lt3A_1346 : i1
      %and3A_1348 = arith.andi %ne3A_1347, %ne3A_1342 : i1
      %add3A_1349 = arith.addi %rem3A_1340, %select_n3A_1339 : i32
      %select_n3A_1350 = arith.select %and3A_1348, %add3A_1349, %rem3A_1340 : i32
      %mul3A_1351 = arith.constant 64 : i32
      %mul3A_1352 = arith.muli %select_n3A_1350, %mul3A_1351 : i32
      %add3A_1353 = arith.addi %mul3A_2, %mul3A_1352 : i32
      %dma_start3A_1354 = arith.constant 0 : i32
      %dma_start3A_1355 = arith.constant 0 : i32
      %dma_start3A_1356 = arith.constant 0 : i32
      %dma_start3A_1357 = tpu.memref_slice %arg6[%dma_start3A_1354, %dma_start3A_1355, %dma_start3A_1356] : memref<8x64x128xf32, #tpu.memory_space<vmem>> -> memref<1x64x128xf32, #tpu.memory_space<vmem>>
      %dma_start3A_1358 = tpu.memref_squeeze %dma_start3A_1357 : memref<1x64x128xf32, #tpu.memory_space<vmem>> -> memref<64x128xf32, #tpu.memory_space<vmem>>
      %dma_start3A_1359 = arith.constant 0 : i32
      %dma_start3A_1360 = arith.constant 0 : i32
      %dma_start3A_1361 = tpu.memref_slice %arg4[%select_n3A_1334, %dma_start3A_1359, %dma_start3A_1360] : memref<26x16384x128xf32, #tpu.memory_space<hbm>> -> memref<1x16384x128xf32, #tpu.memory_space<hbm>>
      %dma_start3A_1362 = tpu.memref_squeeze %dma_start3A_1361 : memref<1x16384x128xf32, #tpu.memory_space<hbm>> -> memref<16384x128xf32, #tpu.memory_space<hbm>>
      %dma_start3A_1363 = arith.constant 0 : i32
      %dma_start3A_1364 = tpu.memref_slice %dma_start3A_1362[%add3A_1353, %dma_start3A_1363] : memref<16384x128xf32, #tpu.memory_space<hbm>> -> memref<64x128xf32, #tpu.memory_space<hbm>>
      %dma_start3A_1365 = arith.constant 0 : i32
      %dma_start3A_1366 = arith.constant 0 : i32
      %dma_start3A_1367 = tpu.memref_slice %arg4[%select_n3A_1334, %dma_start3A_1365, %dma_start3A_1366] : memref<26x16384x128xf32, #tpu.memory_space<hbm>> -> memref<1x16384x128xf32, #tpu.memory_space<hbm>>
      %dma_start3A_1368 = tpu.memref_squeeze %dma_start3A_1367 : memref<1x16384x128xf32, #tpu.memory_space<hbm>> -> memref<16384x128xf32, #tpu.memory_space<hbm>>
      %dma_start3A_1369 = arith.constant 0 : i32
      %dma_start3A_1370 = tpu.memref_slice %dma_start3A_1368[%add3A_1353, %dma_start3A_1369] : memref<16384x128xf32, #tpu.memory_space<hbm>> -> memref<64x128xf32, #tpu.memory_space<hbm>>
      %dma_start3A_1371 = arith.constant 0 : i32
      %dma_start3A_1372 = arith.constant 0 : i32
      %dma_start3A_1373 = tpu.memref_slice %arg6[%dma_start3A_1354, %dma_start3A_1371, %dma_start3A_1372] : memref<8x64x128xf32, #tpu.memory_space<vmem>> -> memref<1x64x128xf32, #tpu.memory_space<vmem>>
      %dma_start3A_1374 = tpu.memref_squeeze %dma_start3A_1373 : memref<1x64x128xf32, #tpu.memory_space<vmem>> -> memref<64x128xf32, #tpu.memory_space<vmem>>
      tpu.enqueue_dma source(%dma_start3A_1374 : memref<64x128xf32, #tpu.memory_space<vmem>>) target(%dma_start3A_1370 : memref<64x128xf32, #tpu.memory_space<hbm>>) target_semaphore(%arg15 : memref<!tpu.dma_semaphore, #tpu.memory_space<semaphore_mem>>)
      %add3A_1375 = arith.constant 1 : i32
      %add3A_1376 = arith.addi %mul3A_1224, %add3A_1375 : i32
      %dma_wait3A_1377 = arith.constant 5 : i32
      %dma_wait3A_1378 = arith.constant 0 : i32
      %dma_wait3A_1379 = arith.constant 0 : i32
      %dma_wait3A_1380 = arith.constant 0 : i32
      %dma_wait3A_1381 = tpu.memref_slice %arg6[%dma_wait3A_1377, %dma_wait3A_1379, %dma_wait3A_1380] : memref<8x64x128xf32, #tpu.memory_space<vmem>> -> memref<1x64x128xf32, #tpu.memory_space<vmem>>
      %dma_wait3A_1382 = tpu.memref_squeeze %dma_wait3A_1381 : memref<1x64x128xf32, #tpu.memory_space<vmem>> -> memref<64x128xf32, #tpu.memory_space<vmem>>
      %dma_wait3A_1383 = arith.constant 0 : i32
      %dma_wait3A_1384 = arith.constant 0 : i32
      %dma_wait3A_1385 = tpu.memref_slice %arg4[%dma_wait3A_1378, %dma_wait3A_1383, %dma_wait3A_1384] : memref<26x16384x128xf32, #tpu.memory_space<hbm>> -> memref<1x16384x128xf32, #tpu.memory_space<hbm>>
      %dma_wait3A_1386 = tpu.memref_squeeze %dma_wait3A_1385 : memref<1x16384x128xf32, #tpu.memory_space<hbm>> -> memref<16384x128xf32, #tpu.memory_space<hbm>>
      %dma_wait3A_1387 = arith.constant 0 : i32
      %dma_wait3A_1388 = arith.constant 0 : i32
      %dma_wait3A_1389 = tpu.memref_slice %dma_wait3A_1386[%dma_wait3A_1387, %dma_wait3A_1388] : memref<16384x128xf32, #tpu.memory_space<hbm>> -> memref<64x128xf32, #tpu.memory_space<hbm>>
      %dma_wait3A_1390 = arith.constant 0 : i32
      %dma_wait3A_1391 = arith.constant 0 : i32
      %dma_wait3A_1392 = tpu.memref_slice %arg4[%dma_wait3A_1378, %dma_wait3A_1390, %dma_wait3A_1391] : memref<26x16384x128xf32, #tpu.memory_space<hbm>> -> memref<1x16384x128xf32, #tpu.memory_space<hbm>>
      %dma_wait3A_1393 = tpu.memref_squeeze %dma_wait3A_1392 : memref<1x16384x128xf32, #tpu.memory_space<hbm>> -> memref<16384x128xf32, #tpu.memory_space<hbm>>
      %dma_wait3A_1394 = arith.constant 0 : i32
      %dma_wait3A_1395 = arith.constant 0 : i32
      %dma_wait3A_1396 = tpu.memref_slice %dma_wait3A_1393[%dma_wait3A_1394, %dma_wait3A_1395] : memref<16384x128xf32, #tpu.memory_space<hbm>> -> memref<64x128xf32, #tpu.memory_space<hbm>>
      %dma_wait3A_1397 = arith.constant 0 : i32
      %dma_wait3A_1398 = arith.constant 0 : i32
      %dma_wait3A_1399 = tpu.memref_slice %arg6[%dma_wait3A_1377, %dma_wait3A_1397, %dma_wait3A_1398] : memref<8x64x128xf32, #tpu.memory_space<vmem>> -> memref<1x64x128xf32, #tpu.memory_space<vmem>>
      %dma_wait3A_1400 = tpu.memref_squeeze %dma_wait3A_1399 : memref<1x64x128xf32, #tpu.memory_space<vmem>> -> memref<64x128xf32, #tpu.memory_space<vmem>>
      tpu.wait_dma2 semaphore(%arg20 : memref<!tpu.dma_semaphore, #tpu.memory_space<semaphore_mem>>) src(%dma_wait3A_1400 : memref<64x128xf32, #tpu.memory_space<vmem>>) dst(%dma_wait3A_1396 : memref<64x128xf32, #tpu.memory_space<hbm>>)
      %add3A_1401 = arith.constant 4 : i32
      %add3A_1402 = arith.addi %add3A_1376, %add3A_1401 : i32
      %jit3A_1403 = arith.constant 8 : i32
      %div3A_1404 = arith.divsi %add3A_1402, %jit3A_1403 : i32
      %sign3A_1405 = arith.constant 0 : i32
      %sign3A_1406 = arith.cmpi sgt, %add3A_1402, %sign3A_1405 : i32
      %sign3A_1407 = arith.extui %sign3A_1406 : i1 to i32
      %sign3A_1408 = arith.constant 0 : i32
      %sign3A_1409 = arith.cmpi slt, %add3A_1402, %sign3A_1408 : i32
      %sign3A_1410 = arith.extui %sign3A_1409 : i1 to i32
      %sign3A_1411 = arith.subi %sign3A_1407, %sign3A_1410 : i32
      %sign3A_1412 = arith.constant 0 : i32
      %sign3A_1413 = arith.cmpi sgt, %jit3A_1403, %sign3A_1412 : i32
      %sign3A_1414 = arith.extui %sign3A_1413 : i1 to i32
      %sign3A_1415 = arith.constant 0 : i32
      %sign3A_1416 = arith.cmpi slt, %jit3A_1403, %sign3A_1415 : i32
      %sign3A_1417 = arith.extui %sign3A_1416 : i1 to i32
      %sign3A_1418 = arith.subi %sign3A_1414, %sign3A_1417 : i32
      %ne3A_1419 = arith.cmpi ne, %sign3A_1411, %sign3A_1418 : i32
      %rem3A_1420 = arith.remsi %add3A_1402, %jit3A_1403 : i32
      %ne3A_1421 = arith.constant 0 : i32
      %ne3A_1422 = arith.cmpi ne, %rem3A_1420, %ne3A_1421 : i32
      %and3A_1423 = arith.andi %ne3A_1419, %ne3A_1422 : i1
      %sub3A_1424 = arith.constant 1 : i32
      %sub3A_1425 = arith.subi %div3A_1404, %sub3A_1424 : i32
      %select_n3A_1426 = arith.select %and3A_1423, %sub3A_1425, %div3A_1404 : i32
      %jit3A_1427 = arith.constant 8 : i32
      %eq3A_1428 = arith.constant 0 : i32
      %eq3A_1429 = arith.cmpi eq, %jit3A_1427, %eq3A_1428 : i32
      %jit3A_1430 = arith.constant 1 : i32
      %select_n3A_1431 = arith.select %eq3A_1429, %jit3A_1430, %jit3A_1427 : i32
      %rem3A_1432 = arith.remsi %add3A_1402, %select_n3A_1431 : i32
      %ne3A_1433 = arith.constant 0 : i32
      %ne3A_1434 = arith.cmpi ne, %rem3A_1432, %ne3A_1433 : i32
      %lt3A_1435 = arith.constant 0 : i32
      %lt3A_1436 = arith.cmpi slt, %rem3A_1432, %lt3A_1435 : i32
      %lt3A_1437 = arith.constant 0 : i32
      %lt3A_1438 = arith.cmpi slt, %select_n3A_1431, %lt3A_1437 : i32
      %ne3A_1439 = arith.xori %lt3A_1436, %lt3A_1438 : i1
      %and3A_1440 = arith.andi %ne3A_1439, %ne3A_1434 : i1
      %add3A_1441 = arith.addi %rem3A_1432, %select_n3A_1431 : i32
      %select_n3A_1442 = arith.select %and3A_1440, %add3A_1441, %rem3A_1432 : i32
      %mul3A_1443 = arith.constant 64 : i32
      %mul3A_1444 = arith.muli %select_n3A_1442, %mul3A_1443 : i32
      %dma_start3A_1445 = arith.constant 5 : i32
      %dma_start3A_1446 = arith.constant 0 : i32
      %dma_start3A_1447 = arith.constant 0 : i32
      %dma_start3A_1448 = tpu.memref_slice %arg6[%dma_start3A_1445, %dma_start3A_1446, %dma_start3A_1447] : memref<8x64x128xf32, #tpu.memory_space<vmem>> -> memref<1x64x128xf32, #tpu.memory_space<vmem>>
      %dma_start3A_1449 = tpu.memref_squeeze %dma_start3A_1448 : memref<1x64x128xf32, #tpu.memory_space<vmem>> -> memref<64x128xf32, #tpu.memory_space<vmem>>
      %dma_start3A_1450 = arith.constant 0 : i32
      %dma_start3A_1451 = tpu.memref_slice %arg5[%select_n3A_1426, %dma_start3A_1450] : memref<26x512xi32, #tpu.memory_space<vmem>> -> memref<1x512xi32, #tpu.memory_space<vmem>>
      %dma_start3A_1452 = tpu.memref_squeeze %dma_start3A_1451 : memref<1x512xi32, #tpu.memory_space<vmem>> -> memref<512xi32, #tpu.memory_space<vmem>>
      %dma_start3A_1453 = tpu.memref_slice %dma_start3A_1452[%mul3A_1444] : memref<512xi32, #tpu.memory_space<vmem>> -> memref<64xi32, #tpu.memory_space<vmem>>
      %dma_start3A_1454 = arith.constant 0 : i32
      %dma_start3A_1455 = arith.constant 0 : i32
      %dma_start3A_1456 = tpu.memref_slice %arg3[%dma_start3A_1454, %dma_start3A_1455] : memref<100000x128xf32, #tpu.memory_space<hbm>> -> memref<100000x128xf32, #tpu.memory_space<hbm>>
      tpu.enqueue_indirect_dma source(%dma_start3A_1456 : memref<100000x128xf32, #tpu.memory_space<hbm>>) target(%dma_start3A_1449 : memref<64x128xf32, #tpu.memory_space<vmem>>) offsets(%dma_start3A_1453 : memref<64xi32, #tpu.memory_space<vmem>>) semaphore(%arg12 : memref<!tpu.dma_semaphore, #tpu.memory_space<semaphore_mem>>)
      %dma_wait3A_1457 = arith.constant 0 : i32
      %dma_wait3A_1458 = arith.constant 1 : i32
      %dma_wait3A_1459 = arith.constant 0 : i32
      %dma_wait3A_1460 = arith.constant 0 : i32
      %dma_wait3A_1461 = tpu.memref_slice %arg6[%dma_wait3A_1458, %dma_wait3A_1459, %dma_wait3A_1460] : memref<8x64x128xf32, #tpu.memory_space<vmem>> -> memref<1x64x128xf32, #tpu.memory_space<vmem>>
      %dma_wait3A_1462 = tpu.memref_squeeze %dma_wait3A_1461 : memref<1x64x128xf32, #tpu.memory_space<vmem>> -> memref<64x128xf32, #tpu.memory_space<vmem>>
      %dma_wait3A_1463 = arith.constant 0 : i32
      %dma_wait3A_1464 = tpu.memref_slice %arg5[%dma_wait3A_1457, %dma_wait3A_1463] : memref<26x512xi32, #tpu.memory_space<vmem>> -> memref<1x512xi32, #tpu.memory_space<vmem>>
      %dma_wait3A_1465 = tpu.memref_squeeze %dma_wait3A_1464 : memref<1x512xi32, #tpu.memory_space<vmem>> -> memref<512xi32, #tpu.memory_space<vmem>>
      %dma_wait3A_1466 = arith.constant 0 : i32
      %dma_wait3A_1467 = tpu.memref_slice %dma_wait3A_1465[%dma_wait3A_1466] : memref<512xi32, #tpu.memory_space<vmem>> -> memref<64xi32, #tpu.memory_space<vmem>>
      %dma_wait3A_1468 = arith.constant 0 : i32
      %dma_wait3A_1469 = arith.constant 0 : i32
      %dma_wait3A_1470 = tpu.memref_slice %arg3[%dma_wait3A_1468, %dma_wait3A_1469] : memref<100000x128xf32, #tpu.memory_space<hbm>> -> memref<100000x128xf32, #tpu.memory_space<hbm>>
      tpu.wait_indirect_dma semaphore(%arg8 : memref<!tpu.dma_semaphore, #tpu.memory_space<semaphore_mem>>) src(%dma_wait3A_1470 : memref<100000x128xf32, #tpu.memory_space<hbm>>) dst(%dma_wait3A_1462 : memref<64x128xf32, #tpu.memory_space<vmem>>)
      %jit3A_1471 = arith.constant 8 : i32
      %div3A_1472 = arith.divsi %add3A_1376, %jit3A_1471 : i32
      %sign3A_1473 = arith.constant 0 : i32
      %sign3A_1474 = arith.cmpi sgt, %add3A_1376, %sign3A_1473 : i32
      %sign3A_1475 = arith.extui %sign3A_1474 : i1 to i32
      %sign3A_1476 = arith.constant 0 : i32
      %sign3A_1477 = arith.cmpi slt, %add3A_1376, %sign3A_1476 : i32
      %sign3A_1478 = arith.extui %sign3A_1477 : i1 to i32
      %sign3A_1479 = arith.subi %sign3A_1475, %sign3A_1478 : i32
      %sign3A_1480 = arith.constant 0 : i32
      %sign3A_1481 = arith.cmpi sgt, %jit3A_1471, %sign3A_1480 : i32
      %sign3A_1482 = arith.extui %sign3A_1481 : i1 to i32
      %sign3A_1483 = arith.constant 0 : i32
      %sign3A_1484 = arith.cmpi slt, %jit3A_1471, %sign3A_1483 : i32
      %sign3A_1485 = arith.extui %sign3A_1484 : i1 to i32
      %sign3A_1486 = arith.subi %sign3A_1482, %sign3A_1485 : i32
      %ne3A_1487 = arith.cmpi ne, %sign3A_1479, %sign3A_1486 : i32
      %rem3A_1488 = arith.remsi %add3A_1376, %jit3A_1471 : i32
      %ne3A_1489 = arith.constant 0 : i32
      %ne3A_1490 = arith.cmpi ne, %rem3A_1488, %ne3A_1489 : i32
      %and3A_1491 = arith.andi %ne3A_1487, %ne3A_1490 : i1
      %sub3A_1492 = arith.constant 1 : i32
      %sub3A_1493 = arith.subi %div3A_1472, %sub3A_1492 : i32
      %select_n3A_1494 = arith.select %and3A_1491, %sub3A_1493, %div3A_1472 : i32
      %jit3A_1495 = arith.constant 8 : i32
      %eq3A_1496 = arith.constant 0 : i32
      %eq3A_1497 = arith.cmpi eq, %jit3A_1495, %eq3A_1496 : i32
      %jit3A_1498 = arith.constant 1 : i32
      %select_n3A_1499 = arith.select %eq3A_1497, %jit3A_1498, %jit3A_1495 : i32
      %rem3A_1500 = arith.remsi %add3A_1376, %select_n3A_1499 : i32
      %ne3A_1501 = arith.constant 0 : i32
      %ne3A_1502 = arith.cmpi ne, %rem3A_1500, %ne3A_1501 : i32
      %lt3A_1503 = arith.constant 0 : i32
      %lt3A_1504 = arith.cmpi slt, %rem3A_1500, %lt3A_1503 : i32
      %lt3A_1505 = arith.constant 0 : i32
      %lt3A_1506 = arith.cmpi slt, %select_n3A_1499, %lt3A_1505 : i32
      %ne3A_1507 = arith.xori %lt3A_1504, %lt3A_1506 : i1
      %and3A_1508 = arith.andi %ne3A_1507, %ne3A_1502 : i1
      %add3A_1509 = arith.addi %rem3A_1500, %select_n3A_1499 : i32
      %select_n3A_1510 = arith.select %and3A_1508, %add3A_1509, %rem3A_1500 : i32
      %mul3A_1511 = arith.constant 64 : i32
      %mul3A_1512 = arith.muli %select_n3A_1510, %mul3A_1511 : i32
      %add3A_1513 = arith.addi %mul3A_2, %mul3A_1512 : i32
      %dma_start3A_1514 = arith.constant 1 : i32
      %dma_start3A_1515 = arith.constant 0 : i32
      %dma_start3A_1516 = arith.constant 0 : i32
      %dma_start3A_1517 = tpu.memref_slice %arg6[%dma_start3A_1514, %dma_start3A_1515, %dma_start3A_1516] : memref<8x64x128xf32, #tpu.memory_space<vmem>> -> memref<1x64x128xf32, #tpu.memory_space<vmem>>
      %dma_start3A_1518 = tpu.memref_squeeze %dma_start3A_1517 : memref<1x64x128xf32, #tpu.memory_space<vmem>> -> memref<64x128xf32, #tpu.memory_space<vmem>>
      %dma_start3A_1519 = arith.constant 0 : i32
      %dma_start3A_1520 = arith.constant 0 : i32
      %dma_start3A_1521 = tpu.memref_slice %arg4[%select_n3A_1494, %dma_start3A_1519, %dma_start3A_1520] : memref<26x16384x128xf32, #tpu.memory_space<hbm>> -> memref<1x16384x128xf32, #tpu.memory_space<hbm>>
      %dma_start3A_1522 = tpu.memref_squeeze %dma_start3A_1521 : memref<1x16384x128xf32, #tpu.memory_space<hbm>> -> memref<16384x128xf32, #tpu.memory_space<hbm>>
      %dma_start3A_1523 = arith.constant 0 : i32
      %dma_start3A_1524 = tpu.memref_slice %dma_start3A_1522[%add3A_1513, %dma_start3A_1523] : memref<16384x128xf32, #tpu.memory_space<hbm>> -> memref<64x128xf32, #tpu.memory_space<hbm>>
      %dma_start3A_1525 = arith.constant 0 : i32
      %dma_start3A_1526 = arith.constant 0 : i32
      %dma_start3A_1527 = tpu.memref_slice %arg4[%select_n3A_1494, %dma_start3A_1525, %dma_start3A_1526] : memref<26x16384x128xf32, #tpu.memory_space<hbm>> -> memref<1x16384x128xf32, #tpu.memory_space<hbm>>
      %dma_start3A_1528 = tpu.memref_squeeze %dma_start3A_1527 : memref<1x16384x128xf32, #tpu.memory_space<hbm>> -> memref<16384x128xf32, #tpu.memory_space<hbm>>
      %dma_start3A_1529 = arith.constant 0 : i32
      %dma_start3A_1530 = tpu.memref_slice %dma_start3A_1528[%add3A_1513, %dma_start3A_1529] : memref<16384x128xf32, #tpu.memory_space<hbm>> -> memref<64x128xf32, #tpu.memory_space<hbm>>
      %dma_start3A_1531 = arith.constant 0 : i32
      %dma_start3A_1532 = arith.constant 0 : i32
      %dma_start3A_1533 = tpu.memref_slice %arg6[%dma_start3A_1514, %dma_start3A_1531, %dma_start3A_1532] : memref<8x64x128xf32, #tpu.memory_space<vmem>> -> memref<1x64x128xf32, #tpu.memory_space<vmem>>
      %dma_start3A_1534 = tpu.memref_squeeze %dma_start3A_1533 : memref<1x64x128xf32, #tpu.memory_space<vmem>> -> memref<64x128xf32, #tpu.memory_space<vmem>>
      tpu.enqueue_dma source(%dma_start3A_1534 : memref<64x128xf32, #tpu.memory_space<vmem>>) target(%dma_start3A_1530 : memref<64x128xf32, #tpu.memory_space<hbm>>) target_semaphore(%arg16 : memref<!tpu.dma_semaphore, #tpu.memory_space<semaphore_mem>>)
      %add3A_1535 = arith.constant 2 : i32
      %add3A_1536 = arith.addi %mul3A_1224, %add3A_1535 : i32
      %dma_wait3A_1537 = arith.constant 6 : i32
      %dma_wait3A_1538 = arith.constant 0 : i32
      %dma_wait3A_1539 = arith.constant 0 : i32
      %dma_wait3A_1540 = arith.constant 0 : i32
      %dma_wait3A_1541 = tpu.memref_slice %arg6[%dma_wait3A_1537, %dma_wait3A_1539, %dma_wait3A_1540] : memref<8x64x128xf32, #tpu.memory_space<vmem>> -> memref<1x64x128xf32, #tpu.memory_space<vmem>>
      %dma_wait3A_1542 = tpu.memref_squeeze %dma_wait3A_1541 : memref<1x64x128xf32, #tpu.memory_space<vmem>> -> memref<64x128xf32, #tpu.memory_space<vmem>>
      %dma_wait3A_1543 = arith.constant 0 : i32
      %dma_wait3A_1544 = arith.constant 0 : i32
      %dma_wait3A_1545 = tpu.memref_slice %arg4[%dma_wait3A_1538, %dma_wait3A_1543, %dma_wait3A_1544] : memref<26x16384x128xf32, #tpu.memory_space<hbm>> -> memref<1x16384x128xf32, #tpu.memory_space<hbm>>
      %dma_wait3A_1546 = tpu.memref_squeeze %dma_wait3A_1545 : memref<1x16384x128xf32, #tpu.memory_space<hbm>> -> memref<16384x128xf32, #tpu.memory_space<hbm>>
      %dma_wait3A_1547 = arith.constant 0 : i32
      %dma_wait3A_1548 = arith.constant 0 : i32
      %dma_wait3A_1549 = tpu.memref_slice %dma_wait3A_1546[%dma_wait3A_1547, %dma_wait3A_1548] : memref<16384x128xf32, #tpu.memory_space<hbm>> -> memref<64x128xf32, #tpu.memory_space<hbm>>
      %dma_wait3A_1550 = arith.constant 0 : i32
      %dma_wait3A_1551 = arith.constant 0 : i32
      %dma_wait3A_1552 = tpu.memref_slice %arg4[%dma_wait3A_1538, %dma_wait3A_1550, %dma_wait3A_1551] : memref<26x16384x128xf32, #tpu.memory_space<hbm>> -> memref<1x16384x128xf32, #tpu.memory_space<hbm>>
      %dma_wait3A_1553 = tpu.memref_squeeze %dma_wait3A_1552 : memref<1x16384x128xf32, #tpu.memory_space<hbm>> -> memref<16384x128xf32, #tpu.memory_space<hbm>>
      %dma_wait3A_1554 = arith.constant 0 : i32
      %dma_wait3A_1555 = arith.constant 0 : i32
      %dma_wait3A_1556 = tpu.memref_slice %dma_wait3A_1553[%dma_wait3A_1554, %dma_wait3A_1555] : memref<16384x128xf32, #tpu.memory_space<hbm>> -> memref<64x128xf32, #tpu.memory_space<hbm>>
      %dma_wait3A_1557 = arith.constant 0 : i32
      %dma_wait3A_1558 = arith.constant 0 : i32
      %dma_wait3A_1559 = tpu.memref_slice %arg6[%dma_wait3A_1537, %dma_wait3A_1557, %dma_wait3A_1558] : memref<8x64x128xf32, #tpu.memory_space<vmem>> -> memref<1x64x128xf32, #tpu.memory_space<vmem>>
      %dma_wait3A_1560 = tpu.memref_squeeze %dma_wait3A_1559 : memref<1x64x128xf32, #tpu.memory_space<vmem>> -> memref<64x128xf32, #tpu.memory_space<vmem>>
      tpu.wait_dma2 semaphore(%arg21 : memref<!tpu.dma_semaphore, #tpu.memory_space<semaphore_mem>>) src(%dma_wait3A_1560 : memref<64x128xf32, #tpu.memory_space<vmem>>) dst(%dma_wait3A_1556 : memref<64x128xf32, #tpu.memory_space<hbm>>)
      %add3A_1561 = arith.constant 4 : i32
      %add3A_1562 = arith.addi %add3A_1536, %add3A_1561 : i32
      %jit3A_1563 = arith.constant 8 : i32
      %div3A_1564 = arith.divsi %add3A_1562, %jit3A_1563 : i32
      %sign3A_1565 = arith.constant 0 : i32
      %sign3A_1566 = arith.cmpi sgt, %add3A_1562, %sign3A_1565 : i32
      %sign3A_1567 = arith.extui %sign3A_1566 : i1 to i32
      %sign3A_1568 = arith.constant 0 : i32
      %sign3A_1569 = arith.cmpi slt, %add3A_1562, %sign3A_1568 : i32
      %sign3A_1570 = arith.extui %sign3A_1569 : i1 to i32
      %sign3A_1571 = arith.subi %sign3A_1567, %sign3A_1570 : i32
      %sign3A_1572 = arith.constant 0 : i32
      %sign3A_1573 = arith.cmpi sgt, %jit3A_1563, %sign3A_1572 : i32
      %sign3A_1574 = arith.extui %sign3A_1573 : i1 to i32
      %sign3A_1575 = arith.constant 0 : i32
      %sign3A_1576 = arith.cmpi slt, %jit3A_1563, %sign3A_1575 : i32
      %sign3A_1577 = arith.extui %sign3A_1576 : i1 to i32
      %sign3A_1578 = arith.subi %sign3A_1574, %sign3A_1577 : i32
      %ne3A_1579 = arith.cmpi ne, %sign3A_1571, %sign3A_1578 : i32
      %rem3A_1580 = arith.remsi %add3A_1562, %jit3A_1563 : i32
      %ne3A_1581 = arith.constant 0 : i32
      %ne3A_1582 = arith.cmpi ne, %rem3A_1580, %ne3A_1581 : i32
      %and3A_1583 = arith.andi %ne3A_1579, %ne3A_1582 : i1
      %sub3A_1584 = arith.constant 1 : i32
      %sub3A_1585 = arith.subi %div3A_1564, %sub3A_1584 : i32
      %select_n3A_1586 = arith.select %and3A_1583, %sub3A_1585, %div3A_1564 : i32
      %jit3A_1587 = arith.constant 8 : i32
      %eq3A_1588 = arith.constant 0 : i32
      %eq3A_1589 = arith.cmpi eq, %jit3A_1587, %eq3A_1588 : i32
      %jit3A_1590 = arith.constant 1 : i32
      %select_n3A_1591 = arith.select %eq3A_1589, %jit3A_1590, %jit3A_1587 : i32
      %rem3A_1592 = arith.remsi %add3A_1562, %select_n3A_1591 : i32
      %ne3A_1593 = arith.constant 0 : i32
      %ne3A_1594 = arith.cmpi ne, %rem3A_1592, %ne3A_1593 : i32
      %lt3A_1595 = arith.constant 0 : i32
      %lt3A_1596 = arith.cmpi slt, %rem3A_1592, %lt3A_1595 : i32
      %lt3A_1597 = arith.constant 0 : i32
      %lt3A_1598 = arith.cmpi slt, %select_n3A_1591, %lt3A_1597 : i32
      %ne3A_1599 = arith.xori %lt3A_1596, %lt3A_1598 : i1
      %and3A_1600 = arith.andi %ne3A_1599, %ne3A_1594 : i1
      %add3A_1601 = arith.addi %rem3A_1592, %select_n3A_1591 : i32
      %select_n3A_1602 = arith.select %and3A_1600, %add3A_1601, %rem3A_1592 : i32
      %mul3A_1603 = arith.constant 64 : i32
      %mul3A_1604 = arith.muli %select_n3A_1602, %mul3A_1603 : i32
      %dma_start3A_1605 = arith.constant 6 : i32
      %dma_start3A_1606 = arith.constant 0 : i32
      %dma_start3A_1607 = arith.constant 0 : i32
      %dma_start3A_1608 = tpu.memref_slice %arg6[%dma_start3A_1605, %dma_start3A_1606, %dma_start3A_1607] : memref<8x64x128xf32, #tpu.memory_space<vmem>> -> memref<1x64x128xf32, #tpu.memory_space<vmem>>
      %dma_start3A_1609 = tpu.memref_squeeze %dma_start3A_1608 : memref<1x64x128xf32, #tpu.memory_space<vmem>> -> memref<64x128xf32, #tpu.memory_space<vmem>>
      %dma_start3A_1610 = arith.constant 0 : i32
      %dma_start3A_1611 = tpu.memref_slice %arg5[%select_n3A_1586, %dma_start3A_1610] : memref<26x512xi32, #tpu.memory_space<vmem>> -> memref<1x512xi32, #tpu.memory_space<vmem>>
      %dma_start3A_1612 = tpu.memref_squeeze %dma_start3A_1611 : memref<1x512xi32, #tpu.memory_space<vmem>> -> memref<512xi32, #tpu.memory_space<vmem>>
      %dma_start3A_1613 = tpu.memref_slice %dma_start3A_1612[%mul3A_1604] : memref<512xi32, #tpu.memory_space<vmem>> -> memref<64xi32, #tpu.memory_space<vmem>>
      %dma_start3A_1614 = arith.constant 0 : i32
      %dma_start3A_1615 = arith.constant 0 : i32
      %dma_start3A_1616 = tpu.memref_slice %arg3[%dma_start3A_1614, %dma_start3A_1615] : memref<100000x128xf32, #tpu.memory_space<hbm>> -> memref<100000x128xf32, #tpu.memory_space<hbm>>
      tpu.enqueue_indirect_dma source(%dma_start3A_1616 : memref<100000x128xf32, #tpu.memory_space<hbm>>) target(%dma_start3A_1609 : memref<64x128xf32, #tpu.memory_space<vmem>>) offsets(%dma_start3A_1613 : memref<64xi32, #tpu.memory_space<vmem>>) semaphore(%arg13 : memref<!tpu.dma_semaphore, #tpu.memory_space<semaphore_mem>>)
      %dma_wait3A_1617 = arith.constant 0 : i32
      %dma_wait3A_1618 = arith.constant 2 : i32
      %dma_wait3A_1619 = arith.constant 0 : i32
      %dma_wait3A_1620 = arith.constant 0 : i32
      %dma_wait3A_1621 = tpu.memref_slice %arg6[%dma_wait3A_1618, %dma_wait3A_1619, %dma_wait3A_1620] : memref<8x64x128xf32, #tpu.memory_space<vmem>> -> memref<1x64x128xf32, #tpu.memory_space<vmem>>
      %dma_wait3A_1622 = tpu.memref_squeeze %dma_wait3A_1621 : memref<1x64x128xf32, #tpu.memory_space<vmem>> -> memref<64x128xf32, #tpu.memory_space<vmem>>
      %dma_wait3A_1623 = arith.constant 0 : i32
      %dma_wait3A_1624 = tpu.memref_slice %arg5[%dma_wait3A_1617, %dma_wait3A_1623] : memref<26x512xi32, #tpu.memory_space<vmem>> -> memref<1x512xi32, #tpu.memory_space<vmem>>
      %dma_wait3A_1625 = tpu.memref_squeeze %dma_wait3A_1624 : memref<1x512xi32, #tpu.memory_space<vmem>> -> memref<512xi32, #tpu.memory_space<vmem>>
      %dma_wait3A_1626 = arith.constant 0 : i32
      %dma_wait3A_1627 = tpu.memref_slice %dma_wait3A_1625[%dma_wait3A_1626] : memref<512xi32, #tpu.memory_space<vmem>> -> memref<64xi32, #tpu.memory_space<vmem>>
      %dma_wait3A_1628 = arith.constant 0 : i32
      %dma_wait3A_1629 = arith.constant 0 : i32
      %dma_wait3A_1630 = tpu.memref_slice %arg3[%dma_wait3A_1628, %dma_wait3A_1629] : memref<100000x128xf32, #tpu.memory_space<hbm>> -> memref<100000x128xf32, #tpu.memory_space<hbm>>
      tpu.wait_indirect_dma semaphore(%arg9 : memref<!tpu.dma_semaphore, #tpu.memory_space<semaphore_mem>>) src(%dma_wait3A_1630 : memref<100000x128xf32, #tpu.memory_space<hbm>>) dst(%dma_wait3A_1622 : memref<64x128xf32, #tpu.memory_space<vmem>>)
      %jit3A_1631 = arith.constant 8 : i32
      %div3A_1632 = arith.divsi %add3A_1536, %jit3A_1631 : i32
      %sign3A_1633 = arith.constant 0 : i32
      %sign3A_1634 = arith.cmpi sgt, %add3A_1536, %sign3A_1633 : i32
      %sign3A_1635 = arith.extui %sign3A_1634 : i1 to i32
      %sign3A_1636 = arith.constant 0 : i32
      %sign3A_1637 = arith.cmpi slt, %add3A_1536, %sign3A_1636 : i32
      %sign3A_1638 = arith.extui %sign3A_1637 : i1 to i32
      %sign3A_1639 = arith.subi %sign3A_1635, %sign3A_1638 : i32
      %sign3A_1640 = arith.constant 0 : i32
      %sign3A_1641 = arith.cmpi sgt, %jit3A_1631, %sign3A_1640 : i32
      %sign3A_1642 = arith.extui %sign3A_1641 : i1 to i32
      %sign3A_1643 = arith.constant 0 : i32
      %sign3A_1644 = arith.cmpi slt, %jit3A_1631, %sign3A_1643 : i32
      %sign3A_1645 = arith.extui %sign3A_1644 : i1 to i32
      %sign3A_1646 = arith.subi %sign3A_1642, %sign3A_1645 : i32
      %ne3A_1647 = arith.cmpi ne, %sign3A_1639, %sign3A_1646 : i32
      %rem3A_1648 = arith.remsi %add3A_1536, %jit3A_1631 : i32
      %ne3A_1649 = arith.constant 0 : i32
      %ne3A_1650 = arith.cmpi ne, %rem3A_1648, %ne3A_1649 : i32
      %and3A_1651 = arith.andi %ne3A_1647, %ne3A_1650 : i1
      %sub3A_1652 = arith.constant 1 : i32
      %sub3A_1653 = arith.subi %div3A_1632, %sub3A_1652 : i32
      %select_n3A_1654 = arith.select %and3A_1651, %sub3A_1653, %div3A_1632 : i32
      %jit3A_1655 = arith.constant 8 : i32
      %eq3A_1656 = arith.constant 0 : i32
      %eq3A_1657 = arith.cmpi eq, %jit3A_1655, %eq3A_1656 : i32
      %jit3A_1658 = arith.constant 1 : i32
      %select_n3A_1659 = arith.select %eq3A_1657, %jit3A_1658, %jit3A_1655 : i32
      %rem3A_1660 = arith.remsi %add3A_1536, %select_n3A_1659 : i32
      %ne3A_1661 = arith.constant 0 : i32
      %ne3A_1662 = arith.cmpi ne, %rem3A_1660, %ne3A_1661 : i32
      %lt3A_1663 = arith.constant 0 : i32
      %lt3A_1664 = arith.cmpi slt, %rem3A_1660, %lt3A_1663 : i32
      %lt3A_1665 = arith.constant 0 : i32
      %lt3A_1666 = arith.cmpi slt, %select_n3A_1659, %lt3A_1665 : i32
      %ne3A_1667 = arith.xori %lt3A_1664, %lt3A_1666 : i1
      %and3A_1668 = arith.andi %ne3A_1667, %ne3A_1662 : i1
      %add3A_1669 = arith.addi %rem3A_1660, %select_n3A_1659 : i32
      %select_n3A_1670 = arith.select %and3A_1668, %add3A_1669, %rem3A_1660 : i32
      %mul3A_1671 = arith.constant 64 : i32
      %mul3A_1672 = arith.muli %select_n3A_1670, %mul3A_1671 : i32
      %add3A_1673 = arith.addi %mul3A_2, %mul3A_1672 : i32
      %dma_start3A_1674 = arith.constant 2 : i32
      %dma_start3A_1675 = arith.constant 0 : i32
      %dma_start3A_1676 = arith.constant 0 : i32
      %dma_start3A_1677 = tpu.memref_slice %arg6[%dma_start3A_1674, %dma_start3A_1675, %dma_start3A_1676] : memref<8x64x128xf32, #tpu.memory_space<vmem>> -> memref<1x64x128xf32, #tpu.memory_space<vmem>>
      %dma_start3A_1678 = tpu.memref_squeeze %dma_start3A_1677 : memref<1x64x128xf32, #tpu.memory_space<vmem>> -> memref<64x128xf32, #tpu.memory_space<vmem>>
      %dma_start3A_1679 = arith.constant 0 : i32
      %dma_start3A_1680 = arith.constant 0 : i32
      %dma_start3A_1681 = tpu.memref_slice %arg4[%select_n3A_1654, %dma_start3A_1679, %dma_start3A_1680] : memref<26x16384x128xf32, #tpu.memory_space<hbm>> -> memref<1x16384x128xf32, #tpu.memory_space<hbm>>
      %dma_start3A_1682 = tpu.memref_squeeze %dma_start3A_1681 : memref<1x16384x128xf32, #tpu.memory_space<hbm>> -> memref<16384x128xf32, #tpu.memory_space<hbm>>
      %dma_start3A_1683 = arith.constant 0 : i32
      %dma_start3A_1684 = tpu.memref_slice %dma_start3A_1682[%add3A_1673, %dma_start3A_1683] : memref<16384x128xf32, #tpu.memory_space<hbm>> -> memref<64x128xf32, #tpu.memory_space<hbm>>
      %dma_start3A_1685 = arith.constant 0 : i32
      %dma_start3A_1686 = arith.constant 0 : i32
      %dma_start3A_1687 = tpu.memref_slice %arg4[%select_n3A_1654, %dma_start3A_1685, %dma_start3A_1686] : memref<26x16384x128xf32, #tpu.memory_space<hbm>> -> memref<1x16384x128xf32, #tpu.memory_space<hbm>>
      %dma_start3A_1688 = tpu.memref_squeeze %dma_start3A_1687 : memref<1x16384x128xf32, #tpu.memory_space<hbm>> -> memref<16384x128xf32, #tpu.memory_space<hbm>>
      %dma_start3A_1689 = arith.constant 0 : i32
      %dma_start3A_1690 = tpu.memref_slice %dma_start3A_1688[%add3A_1673, %dma_start3A_1689] : memref<16384x128xf32, #tpu.memory_space<hbm>> -> memref<64x128xf32, #tpu.memory_space<hbm>>
      %dma_start3A_1691 = arith.constant 0 : i32
      %dma_start3A_1692 = arith.constant 0 : i32
      %dma_start3A_1693 = tpu.memref_slice %arg6[%dma_start3A_1674, %dma_start3A_1691, %dma_start3A_1692] : memref<8x64x128xf32, #tpu.memory_space<vmem>> -> memref<1x64x128xf32, #tpu.memory_space<vmem>>
      %dma_start3A_1694 = tpu.memref_squeeze %dma_start3A_1693 : memref<1x64x128xf32, #tpu.memory_space<vmem>> -> memref<64x128xf32, #tpu.memory_space<vmem>>
      tpu.enqueue_dma source(%dma_start3A_1694 : memref<64x128xf32, #tpu.memory_space<vmem>>) target(%dma_start3A_1690 : memref<64x128xf32, #tpu.memory_space<hbm>>) target_semaphore(%arg17 : memref<!tpu.dma_semaphore, #tpu.memory_space<semaphore_mem>>)
      %add3A_1695 = arith.constant 3 : i32
      %add3A_1696 = arith.addi %mul3A_1224, %add3A_1695 : i32
      %dma_wait3A_1697 = arith.constant 7 : i32
      %dma_wait3A_1698 = arith.constant 0 : i32
      %dma_wait3A_1699 = arith.constant 0 : i32
      %dma_wait3A_1700 = arith.constant 0 : i32
      %dma_wait3A_1701 = tpu.memref_slice %arg6[%dma_wait3A_1697, %dma_wait3A_1699, %dma_wait3A_1700] : memref<8x64x128xf32, #tpu.memory_space<vmem>> -> memref<1x64x128xf32, #tpu.memory_space<vmem>>
      %dma_wait3A_1702 = tpu.memref_squeeze %dma_wait3A_1701 : memref<1x64x128xf32, #tpu.memory_space<vmem>> -> memref<64x128xf32, #tpu.memory_space<vmem>>
      %dma_wait3A_1703 = arith.constant 0 : i32
      %dma_wait3A_1704 = arith.constant 0 : i32
      %dma_wait3A_1705 = tpu.memref_slice %arg4[%dma_wait3A_1698, %dma_wait3A_1703, %dma_wait3A_1704] : memref<26x16384x128xf32, #tpu.memory_space<hbm>> -> memref<1x16384x128xf32, #tpu.memory_space<hbm>>
      %dma_wait3A_1706 = tpu.memref_squeeze %dma_wait3A_1705 : memref<1x16384x128xf32, #tpu.memory_space<hbm>> -> memref<16384x128xf32, #tpu.memory_space<hbm>>
      %dma_wait3A_1707 = arith.constant 0 : i32
      %dma_wait3A_1708 = arith.constant 0 : i32
      %dma_wait3A_1709 = tpu.memref_slice %dma_wait3A_1706[%dma_wait3A_1707, %dma_wait3A_1708] : memref<16384x128xf32, #tpu.memory_space<hbm>> -> memref<64x128xf32, #tpu.memory_space<hbm>>
      %dma_wait3A_1710 = arith.constant 0 : i32
      %dma_wait3A_1711 = arith.constant 0 : i32
      %dma_wait3A_1712 = tpu.memref_slice %arg4[%dma_wait3A_1698, %dma_wait3A_1710, %dma_wait3A_1711] : memref<26x16384x128xf32, #tpu.memory_space<hbm>> -> memref<1x16384x128xf32, #tpu.memory_space<hbm>>
      %dma_wait3A_1713 = tpu.memref_squeeze %dma_wait3A_1712 : memref<1x16384x128xf32, #tpu.memory_space<hbm>> -> memref<16384x128xf32, #tpu.memory_space<hbm>>
      %dma_wait3A_1714 = arith.constant 0 : i32
      %dma_wait3A_1715 = arith.constant 0 : i32
      %dma_wait3A_1716 = tpu.memref_slice %dma_wait3A_1713[%dma_wait3A_1714, %dma_wait3A_1715] : memref<16384x128xf32, #tpu.memory_space<hbm>> -> memref<64x128xf32, #tpu.memory_space<hbm>>
      %dma_wait3A_1717 = arith.constant 0 : i32
      %dma_wait3A_1718 = arith.constant 0 : i32
      %dma_wait3A_1719 = tpu.memref_slice %arg6[%dma_wait3A_1697, %dma_wait3A_1717, %dma_wait3A_1718] : memref<8x64x128xf32, #tpu.memory_space<vmem>> -> memref<1x64x128xf32, #tpu.memory_space<vmem>>
      %dma_wait3A_1720 = tpu.memref_squeeze %dma_wait3A_1719 : memref<1x64x128xf32, #tpu.memory_space<vmem>> -> memref<64x128xf32, #tpu.memory_space<vmem>>
      tpu.wait_dma2 semaphore(%arg22 : memref<!tpu.dma_semaphore, #tpu.memory_space<semaphore_mem>>) src(%dma_wait3A_1720 : memref<64x128xf32, #tpu.memory_space<vmem>>) dst(%dma_wait3A_1716 : memref<64x128xf32, #tpu.memory_space<hbm>>)
      %add3A_1721 = arith.constant 4 : i32
      %add3A_1722 = arith.addi %add3A_1696, %add3A_1721 : i32
      %jit3A_1723 = arith.constant 8 : i32
      %div3A_1724 = arith.divsi %add3A_1722, %jit3A_1723 : i32
      %sign3A_1725 = arith.constant 0 : i32
      %sign3A_1726 = arith.cmpi sgt, %add3A_1722, %sign3A_1725 : i32
      %sign3A_1727 = arith.extui %sign3A_1726 : i1 to i32
      %sign3A_1728 = arith.constant 0 : i32
      %sign3A_1729 = arith.cmpi slt, %add3A_1722, %sign3A_1728 : i32
      %sign3A_1730 = arith.extui %sign3A_1729 : i1 to i32
      %sign3A_1731 = arith.subi %sign3A_1727, %sign3A_1730 : i32
      %sign3A_1732 = arith.constant 0 : i32
      %sign3A_1733 = arith.cmpi sgt, %jit3A_1723, %sign3A_1732 : i32
      %sign3A_1734 = arith.extui %sign3A_1733 : i1 to i32
      %sign3A_1735 = arith.constant 0 : i32
      %sign3A_1736 = arith.cmpi slt, %jit3A_1723, %sign3A_1735 : i32
      %sign3A_1737 = arith.extui %sign3A_1736 : i1 to i32
      %sign3A_1738 = arith.subi %sign3A_1734, %sign3A_1737 : i32
      %ne3A_1739 = arith.cmpi ne, %sign3A_1731, %sign3A_1738 : i32
      %rem3A_1740 = arith.remsi %add3A_1722, %jit3A_1723 : i32
      %ne3A_1741 = arith.constant 0 : i32
      %ne3A_1742 = arith.cmpi ne, %rem3A_1740, %ne3A_1741 : i32
      %and3A_1743 = arith.andi %ne3A_1739, %ne3A_1742 : i1
      %sub3A_1744 = arith.constant 1 : i32
      %sub3A_1745 = arith.subi %div3A_1724, %sub3A_1744 : i32
      %select_n3A_1746 = arith.select %and3A_1743, %sub3A_1745, %div3A_1724 : i32
      %jit3A_1747 = arith.constant 8 : i32
      %eq3A_1748 = arith.constant 0 : i32
      %eq3A_1749 = arith.cmpi eq, %jit3A_1747, %eq3A_1748 : i32
      %jit3A_1750 = arith.constant 1 : i32
      %select_n3A_1751 = arith.select %eq3A_1749, %jit3A_1750, %jit3A_1747 : i32
      %rem3A_1752 = arith.remsi %add3A_1722, %select_n3A_1751 : i32
      %ne3A_1753 = arith.constant 0 : i32
      %ne3A_1754 = arith.cmpi ne, %rem3A_1752, %ne3A_1753 : i32
      %lt3A_1755 = arith.constant 0 : i32
      %lt3A_1756 = arith.cmpi slt, %rem3A_1752, %lt3A_1755 : i32
      %lt3A_1757 = arith.constant 0 : i32
      %lt3A_1758 = arith.cmpi slt, %select_n3A_1751, %lt3A_1757 : i32
      %ne3A_1759 = arith.xori %lt3A_1756, %lt3A_1758 : i1
      %and3A_1760 = arith.andi %ne3A_1759, %ne3A_1754 : i1
      %add3A_1761 = arith.addi %rem3A_1752, %select_n3A_1751 : i32
      %select_n3A_1762 = arith.select %and3A_1760, %add3A_1761, %rem3A_1752 : i32
      %mul3A_1763 = arith.constant 64 : i32
      %mul3A_1764 = arith.muli %select_n3A_1762, %mul3A_1763 : i32
      %dma_start3A_1765 = arith.constant 7 : i32
      %dma_start3A_1766 = arith.constant 0 : i32
      %dma_start3A_1767 = arith.constant 0 : i32
      %dma_start3A_1768 = tpu.memref_slice %arg6[%dma_start3A_1765, %dma_start3A_1766, %dma_start3A_1767] : memref<8x64x128xf32, #tpu.memory_space<vmem>> -> memref<1x64x128xf32, #tpu.memory_space<vmem>>
      %dma_start3A_1769 = tpu.memref_squeeze %dma_start3A_1768 : memref<1x64x128xf32, #tpu.memory_space<vmem>> -> memref<64x128xf32, #tpu.memory_space<vmem>>
      %dma_start3A_1770 = arith.constant 0 : i32
      %dma_start3A_1771 = tpu.memref_slice %arg5[%select_n3A_1746, %dma_start3A_1770] : memref<26x512xi32, #tpu.memory_space<vmem>> -> memref<1x512xi32, #tpu.memory_space<vmem>>
      %dma_start3A_1772 = tpu.memref_squeeze %dma_start3A_1771 : memref<1x512xi32, #tpu.memory_space<vmem>> -> memref<512xi32, #tpu.memory_space<vmem>>
      %dma_start3A_1773 = tpu.memref_slice %dma_start3A_1772[%mul3A_1764] : memref<512xi32, #tpu.memory_space<vmem>> -> memref<64xi32, #tpu.memory_space<vmem>>
      %dma_start3A_1774 = arith.constant 0 : i32
      %dma_start3A_1775 = arith.constant 0 : i32
      %dma_start3A_1776 = tpu.memref_slice %arg3[%dma_start3A_1774, %dma_start3A_1775] : memref<100000x128xf32, #tpu.memory_space<hbm>> -> memref<100000x128xf32, #tpu.memory_space<hbm>>
      tpu.enqueue_indirect_dma source(%dma_start3A_1776 : memref<100000x128xf32, #tpu.memory_space<hbm>>) target(%dma_start3A_1769 : memref<64x128xf32, #tpu.memory_space<vmem>>) offsets(%dma_start3A_1773 : memref<64xi32, #tpu.memory_space<vmem>>) semaphore(%arg14 : memref<!tpu.dma_semaphore, #tpu.memory_space<semaphore_mem>>)
      %dma_wait3A_1777 = arith.constant 0 : i32
      %dma_wait3A_1778 = arith.constant 3 : i32
      %dma_wait3A_1779 = arith.constant 0 : i32
      %dma_wait3A_1780 = arith.constant 0 : i32
      %dma_wait3A_1781 = tpu.memref_slice %arg6[%dma_wait3A_1778, %dma_wait3A_1779, %dma_wait3A_1780] : memref<8x64x128xf32, #tpu.memory_space<vmem>> -> memref<1x64x128xf32, #tpu.memory_space<vmem>>
      %dma_wait3A_1782 = tpu.memref_squeeze %dma_wait3A_1781 : memref<1x64x128xf32, #tpu.memory_space<vmem>> -> memref<64x128xf32, #tpu.memory_space<vmem>>
      %dma_wait3A_1783 = arith.constant 0 : i32
      %dma_wait3A_1784 = tpu.memref_slice %arg5[%dma_wait3A_1777, %dma_wait3A_1783] : memref<26x512xi32, #tpu.memory_space<vmem>> -> memref<1x512xi32, #tpu.memory_space<vmem>>
      %dma_wait3A_1785 = tpu.memref_squeeze %dma_wait3A_1784 : memref<1x512xi32, #tpu.memory_space<vmem>> -> memref<512xi32, #tpu.memory_space<vmem>>
      %dma_wait3A_1786 = arith.constant 0 : i32
      %dma_wait3A_1787 = tpu.memref_slice %dma_wait3A_1785[%dma_wait3A_1786] : memref<512xi32, #tpu.memory_space<vmem>> -> memref<64xi32, #tpu.memory_space<vmem>>
      %dma_wait3A_1788 = arith.constant 0 : i32
      %dma_wait3A_1789 = arith.constant 0 : i32
      %dma_wait3A_1790 = tpu.memref_slice %arg3[%dma_wait3A_1788, %dma_wait3A_1789] : memref<100000x128xf32, #tpu.memory_space<hbm>> -> memref<100000x128xf32, #tpu.memory_space<hbm>>
      tpu.wait_indirect_dma semaphore(%arg10 : memref<!tpu.dma_semaphore, #tpu.memory_space<semaphore_mem>>) src(%dma_wait3A_1790 : memref<100000x128xf32, #tpu.memory_space<hbm>>) dst(%dma_wait3A_1782 : memref<64x128xf32, #tpu.memory_space<vmem>>)
      %jit3A_1791 = arith.constant 8 : i32
      %div3A_1792 = arith.divsi %add3A_1696, %jit3A_1791 : i32
      %sign3A_1793 = arith.constant 0 : i32
      %sign3A_1794 = arith.cmpi sgt, %add3A_1696, %sign3A_1793 : i32
      %sign3A_1795 = arith.extui %sign3A_1794 : i1 to i32
      %sign3A_1796 = arith.constant 0 : i32
      %sign3A_1797 = arith.cmpi slt, %add3A_1696, %sign3A_1796 : i32
      %sign3A_1798 = arith.extui %sign3A_1797 : i1 to i32
      %sign3A_1799 = arith.subi %sign3A_1795, %sign3A_1798 : i32
      %sign3A_1800 = arith.constant 0 : i32
      %sign3A_1801 = arith.cmpi sgt, %jit3A_1791, %sign3A_1800 : i32
      %sign3A_1802 = arith.extui %sign3A_1801 : i1 to i32
      %sign3A_1803 = arith.constant 0 : i32
      %sign3A_1804 = arith.cmpi slt, %jit3A_1791, %sign3A_1803 : i32
      %sign3A_1805 = arith.extui %sign3A_1804 : i1 to i32
      %sign3A_1806 = arith.subi %sign3A_1802, %sign3A_1805 : i32
      %ne3A_1807 = arith.cmpi ne, %sign3A_1799, %sign3A_1806 : i32
      %rem3A_1808 = arith.remsi %add3A_1696, %jit3A_1791 : i32
      %ne3A_1809 = arith.constant 0 : i32
      %ne3A_1810 = arith.cmpi ne, %rem3A_1808, %ne3A_1809 : i32
      %and3A_1811 = arith.andi %ne3A_1807, %ne3A_1810 : i1
      %sub3A_1812 = arith.constant 1 : i32
      %sub3A_1813 = arith.subi %div3A_1792, %sub3A_1812 : i32
      %select_n3A_1814 = arith.select %and3A_1811, %sub3A_1813, %div3A_1792 : i32
      %jit3A_1815 = arith.constant 8 : i32
      %eq3A_1816 = arith.constant 0 : i32
      %eq3A_1817 = arith.cmpi eq, %jit3A_1815, %eq3A_1816 : i32
      %jit3A_1818 = arith.constant 1 : i32
      %select_n3A_1819 = arith.select %eq3A_1817, %jit3A_1818, %jit3A_1815 : i32
      %rem3A_1820 = arith.remsi %add3A_1696, %select_n3A_1819 : i32
      %ne3A_1821 = arith.constant 0 : i32
      %ne3A_1822 = arith.cmpi ne, %rem3A_1820, %ne3A_1821 : i32
      %lt3A_1823 = arith.constant 0 : i32
      %lt3A_1824 = arith.cmpi slt, %rem3A_1820, %lt3A_1823 : i32
      %lt3A_1825 = arith.constant 0 : i32
      %lt3A_1826 = arith.cmpi slt, %select_n3A_1819, %lt3A_1825 : i32
      %ne3A_1827 = arith.xori %lt3A_1824, %lt3A_1826 : i1
      %and3A_1828 = arith.andi %ne3A_1827, %ne3A_1822 : i1
      %add3A_1829 = arith.addi %rem3A_1820, %select_n3A_1819 : i32
      %select_n3A_1830 = arith.select %and3A_1828, %add3A_1829, %rem3A_1820 : i32
      %mul3A_1831 = arith.constant 64 : i32
      %mul3A_1832 = arith.muli %select_n3A_1830, %mul3A_1831 : i32
      %add3A_1833 = arith.addi %mul3A_2, %mul3A_1832 : i32
      %dma_start3A_1834 = arith.constant 3 : i32
      %dma_start3A_1835 = arith.constant 0 : i32
      %dma_start3A_1836 = arith.constant 0 : i32
      %dma_start3A_1837 = tpu.memref_slice %arg6[%dma_start3A_1834, %dma_start3A_1835, %dma_start3A_1836] : memref<8x64x128xf32, #tpu.memory_space<vmem>> -> memref<1x64x128xf32, #tpu.memory_space<vmem>>
      %dma_start3A_1838 = tpu.memref_squeeze %dma_start3A_1837 : memref<1x64x128xf32, #tpu.memory_space<vmem>> -> memref<64x128xf32, #tpu.memory_space<vmem>>
      %dma_start3A_1839 = arith.constant 0 : i32
      %dma_start3A_1840 = arith.constant 0 : i32
      %dma_start3A_1841 = tpu.memref_slice %arg4[%select_n3A_1814, %dma_start3A_1839, %dma_start3A_1840] : memref<26x16384x128xf32, #tpu.memory_space<hbm>> -> memref<1x16384x128xf32, #tpu.memory_space<hbm>>
      %dma_start3A_1842 = tpu.memref_squeeze %dma_start3A_1841 : memref<1x16384x128xf32, #tpu.memory_space<hbm>> -> memref<16384x128xf32, #tpu.memory_space<hbm>>
      %dma_start3A_1843 = arith.constant 0 : i32
      %dma_start3A_1844 = tpu.memref_slice %dma_start3A_1842[%add3A_1833, %dma_start3A_1843] : memref<16384x128xf32, #tpu.memory_space<hbm>> -> memref<64x128xf32, #tpu.memory_space<hbm>>
      %dma_start3A_1845 = arith.constant 0 : i32
      %dma_start3A_1846 = arith.constant 0 : i32
      %dma_start3A_1847 = tpu.memref_slice %arg4[%select_n3A_1814, %dma_start3A_1845, %dma_start3A_1846] : memref<26x16384x128xf32, #tpu.memory_space<hbm>> -> memref<1x16384x128xf32, #tpu.memory_space<hbm>>
      %dma_start3A_1848 = tpu.memref_squeeze %dma_start3A_1847 : memref<1x16384x128xf32, #tpu.memory_space<hbm>> -> memref<16384x128xf32, #tpu.memory_space<hbm>>
      %dma_start3A_1849 = arith.constant 0 : i32
      %dma_start3A_1850 = tpu.memref_slice %dma_start3A_1848[%add3A_1833, %dma_start3A_1849] : memref<16384x128xf32, #tpu.memory_space<hbm>> -> memref<64x128xf32, #tpu.memory_space<hbm>>
      %dma_start3A_1851 = arith.constant 0 : i32
      %dma_start3A_1852 = arith.constant 0 : i32
      %dma_start3A_1853 = tpu.memref_slice %arg6[%dma_start3A_1834, %dma_start3A_1851, %dma_start3A_1852] : memref<8x64x128xf32, #tpu.memory_space<vmem>> -> memref<1x64x128xf32, #tpu.memory_space<vmem>>
      %dma_start3A_1854 = tpu.memref_squeeze %dma_start3A_1853 : memref<1x64x128xf32, #tpu.memory_space<vmem>> -> memref<64x128xf32, #tpu.memory_space<vmem>>
      tpu.enqueue_dma source(%dma_start3A_1854 : memref<64x128xf32, #tpu.memory_space<vmem>>) target(%dma_start3A_1850 : memref<64x128xf32, #tpu.memory_space<hbm>>) target_semaphore(%arg18 : memref<!tpu.dma_semaphore, #tpu.memory_space<semaphore_mem>>)
      %add3A_1855 = arith.constant 4 : i32
      %add3A_1856 = arith.addi %mul3A_1224, %add3A_1855 : i32
      %dma_wait3A_1857 = arith.constant 0 : i32
      %dma_wait3A_1858 = arith.constant 0 : i32
      %dma_wait3A_1859 = arith.constant 0 : i32
      %dma_wait3A_1860 = arith.constant 0 : i32
      %dma_wait3A_1861 = tpu.memref_slice %arg6[%dma_wait3A_1857, %dma_wait3A_1859, %dma_wait3A_1860] : memref<8x64x128xf32, #tpu.memory_space<vmem>> -> memref<1x64x128xf32, #tpu.memory_space<vmem>>
      %dma_wait3A_1862 = tpu.memref_squeeze %dma_wait3A_1861 : memref<1x64x128xf32, #tpu.memory_space<vmem>> -> memref<64x128xf32, #tpu.memory_space<vmem>>
      %dma_wait3A_1863 = arith.constant 0 : i32
      %dma_wait3A_1864 = arith.constant 0 : i32
      %dma_wait3A_1865 = tpu.memref_slice %arg4[%dma_wait3A_1858, %dma_wait3A_1863, %dma_wait3A_1864] : memref<26x16384x128xf32, #tpu.memory_space<hbm>> -> memref<1x16384x128xf32, #tpu.memory_space<hbm>>
      %dma_wait3A_1866 = tpu.memref_squeeze %dma_wait3A_1865 : memref<1x16384x128xf32, #tpu.memory_space<hbm>> -> memref<16384x128xf32, #tpu.memory_space<hbm>>
      %dma_wait3A_1867 = arith.constant 0 : i32
      %dma_wait3A_1868 = arith.constant 0 : i32
      %dma_wait3A_1869 = tpu.memref_slice %dma_wait3A_1866[%dma_wait3A_1867, %dma_wait3A_1868] : memref<16384x128xf32, #tpu.memory_space<hbm>> -> memref<64x128xf32, #tpu.memory_space<hbm>>
      %dma_wait3A_1870 = arith.constant 0 : i32
      %dma_wait3A_1871 = arith.constant 0 : i32
      %dma_wait3A_1872 = tpu.memref_slice %arg4[%dma_wait3A_1858, %dma_wait3A_1870, %dma_wait3A_1871] : memref<26x16384x128xf32, #tpu.memory_space<hbm>> -> memref<1x16384x128xf32, #tpu.memory_space<hbm>>
      %dma_wait3A_1873 = tpu.memref_squeeze %dma_wait3A_1872 : memref<1x16384x128xf32, #tpu.memory_space<hbm>> -> memref<16384x128xf32, #tpu.memory_space<hbm>>
      %dma_wait3A_1874 = arith.constant 0 : i32
      %dma_wait3A_1875 = arith.constant 0 : i32
      %dma_wait3A_1876 = tpu.memref_slice %dma_wait3A_1873[%dma_wait3A_1874, %dma_wait3A_1875] : memref<16384x128xf32, #tpu.memory_space<hbm>> -> memref<64x128xf32, #tpu.memory_space<hbm>>
      %dma_wait3A_1877 = arith.constant 0 : i32
      %dma_wait3A_1878 = arith.constant 0 : i32
      %dma_wait3A_1879 = tpu.memref_slice %arg6[%dma_wait3A_1857, %dma_wait3A_1877, %dma_wait3A_1878] : memref<8x64x128xf32, #tpu.memory_space<vmem>> -> memref<1x64x128xf32, #tpu.memory_space<vmem>>
      %dma_wait3A_1880 = tpu.memref_squeeze %dma_wait3A_1879 : memref<1x64x128xf32, #tpu.memory_space<vmem>> -> memref<64x128xf32, #tpu.memory_space<vmem>>
      tpu.wait_dma2 semaphore(%arg15 : memref<!tpu.dma_semaphore, #tpu.memory_space<semaphore_mem>>) src(%dma_wait3A_1880 : memref<64x128xf32, #tpu.memory_space<vmem>>) dst(%dma_wait3A_1876 : memref<64x128xf32, #tpu.memory_space<hbm>>)
      %add3A_1881 = arith.constant 4 : i32
      %add3A_1882 = arith.addi %add3A_1856, %add3A_1881 : i32
      %jit3A_1883 = arith.constant 8 : i32
      %div3A_1884 = arith.divsi %add3A_1882, %jit3A_1883 : i32
      %sign3A_1885 = arith.constant 0 : i32
      %sign3A_1886 = arith.cmpi sgt, %add3A_1882, %sign3A_1885 : i32
      %sign3A_1887 = arith.extui %sign3A_1886 : i1 to i32
      %sign3A_1888 = arith.constant 0 : i32
      %sign3A_1889 = arith.cmpi slt, %add3A_1882, %sign3A_1888 : i32
      %sign3A_1890 = arith.extui %sign3A_1889 : i1 to i32
      %sign3A_1891 = arith.subi %sign3A_1887, %sign3A_1890 : i32
      %sign3A_1892 = arith.constant 0 : i32
      %sign3A_1893 = arith.cmpi sgt, %jit3A_1883, %sign3A_1892 : i32
      %sign3A_1894 = arith.extui %sign3A_1893 : i1 to i32
      %sign3A_1895 = arith.constant 0 : i32
      %sign3A_1896 = arith.cmpi slt, %jit3A_1883, %sign3A_1895 : i32
      %sign3A_1897 = arith.extui %sign3A_1896 : i1 to i32
      %sign3A_1898 = arith.subi %sign3A_1894, %sign3A_1897 : i32
      %ne3A_1899 = arith.cmpi ne, %sign3A_1891, %sign3A_1898 : i32
      %rem3A_1900 = arith.remsi %add3A_1882, %jit3A_1883 : i32
      %ne3A_1901 = arith.constant 0 : i32
      %ne3A_1902 = arith.cmpi ne, %rem3A_1900, %ne3A_1901 : i32
      %and3A_1903 = arith.andi %ne3A_1899, %ne3A_1902 : i1
      %sub3A_1904 = arith.constant 1 : i32
      %sub3A_1905 = arith.subi %div3A_1884, %sub3A_1904 : i32
      %select_n3A_1906 = arith.select %and3A_1903, %sub3A_1905, %div3A_1884 : i32
      %jit3A_1907 = arith.constant 8 : i32
      %eq3A_1908 = arith.constant 0 : i32
      %eq3A_1909 = arith.cmpi eq, %jit3A_1907, %eq3A_1908 : i32
      %jit3A_1910 = arith.constant 1 : i32
      %select_n3A_1911 = arith.select %eq3A_1909, %jit3A_1910, %jit3A_1907 : i32
      %rem3A_1912 = arith.remsi %add3A_1882, %select_n3A_1911 : i32
      %ne3A_1913 = arith.constant 0 : i32
      %ne3A_1914 = arith.cmpi ne, %rem3A_1912, %ne3A_1913 : i32
      %lt3A_1915 = arith.constant 0 : i32
      %lt3A_1916 = arith.cmpi slt, %rem3A_1912, %lt3A_1915 : i32
      %lt3A_1917 = arith.constant 0 : i32
      %lt3A_1918 = arith.cmpi slt, %select_n3A_1911, %lt3A_1917 : i32
      %ne3A_1919 = arith.xori %lt3A_1916, %lt3A_1918 : i1
      %and3A_1920 = arith.andi %ne3A_1919, %ne3A_1914 : i1
      %add3A_1921 = arith.addi %rem3A_1912, %select_n3A_1911 : i32
      %select_n3A_1922 = arith.select %and3A_1920, %add3A_1921, %rem3A_1912 : i32
      %mul3A_1923 = arith.constant 64 : i32
      %mul3A_1924 = arith.muli %select_n3A_1922, %mul3A_1923 : i32
      %dma_start3A_1925 = arith.constant 0 : i32
      %dma_start3A_1926 = arith.constant 0 : i32
      %dma_start3A_1927 = arith.constant 0 : i32
      %dma_start3A_1928 = tpu.memref_slice %arg6[%dma_start3A_1925, %dma_start3A_1926, %dma_start3A_1927] : memref<8x64x128xf32, #tpu.memory_space<vmem>> -> memref<1x64x128xf32, #tpu.memory_space<vmem>>
      %dma_start3A_1929 = tpu.memref_squeeze %dma_start3A_1928 : memref<1x64x128xf32, #tpu.memory_space<vmem>> -> memref<64x128xf32, #tpu.memory_space<vmem>>
      %dma_start3A_1930 = arith.constant 0 : i32
      %dma_start3A_1931 = tpu.memref_slice %arg5[%select_n3A_1906, %dma_start3A_1930] : memref<26x512xi32, #tpu.memory_space<vmem>> -> memref<1x512xi32, #tpu.memory_space<vmem>>
      %dma_start3A_1932 = tpu.memref_squeeze %dma_start3A_1931 : memref<1x512xi32, #tpu.memory_space<vmem>> -> memref<512xi32, #tpu.memory_space<vmem>>
      %dma_start3A_1933 = tpu.memref_slice %dma_start3A_1932[%mul3A_1924] : memref<512xi32, #tpu.memory_space<vmem>> -> memref<64xi32, #tpu.memory_space<vmem>>
      %dma_start3A_1934 = arith.constant 0 : i32
      %dma_start3A_1935 = arith.constant 0 : i32
      %dma_start3A_1936 = tpu.memref_slice %arg3[%dma_start3A_1934, %dma_start3A_1935] : memref<100000x128xf32, #tpu.memory_space<hbm>> -> memref<100000x128xf32, #tpu.memory_space<hbm>>
      tpu.enqueue_indirect_dma source(%dma_start3A_1936 : memref<100000x128xf32, #tpu.memory_space<hbm>>) target(%dma_start3A_1929 : memref<64x128xf32, #tpu.memory_space<vmem>>) offsets(%dma_start3A_1933 : memref<64xi32, #tpu.memory_space<vmem>>) semaphore(%arg7 : memref<!tpu.dma_semaphore, #tpu.memory_space<semaphore_mem>>)
      %dma_wait3A_1937 = arith.constant 0 : i32
      %dma_wait3A_1938 = arith.constant 4 : i32
      %dma_wait3A_1939 = arith.constant 0 : i32
      %dma_wait3A_1940 = arith.constant 0 : i32
      %dma_wait3A_1941 = tpu.memref_slice %arg6[%dma_wait3A_1938, %dma_wait3A_1939, %dma_wait3A_1940] : memref<8x64x128xf32, #tpu.memory_space<vmem>> -> memref<1x64x128xf32, #tpu.memory_space<vmem>>
      %dma_wait3A_1942 = tpu.memref_squeeze %dma_wait3A_1941 : memref<1x64x128xf32, #tpu.memory_space<vmem>> -> memref<64x128xf32, #tpu.memory_space<vmem>>
      %dma_wait3A_1943 = arith.constant 0 : i32
      %dma_wait3A_1944 = tpu.memref_slice %arg5[%dma_wait3A_1937, %dma_wait3A_1943] : memref<26x512xi32, #tpu.memory_space<vmem>> -> memref<1x512xi32, #tpu.memory_space<vmem>>
      %dma_wait3A_1945 = tpu.memref_squeeze %dma_wait3A_1944 : memref<1x512xi32, #tpu.memory_space<vmem>> -> memref<512xi32, #tpu.memory_space<vmem>>
      %dma_wait3A_1946 = arith.constant 0 : i32
      %dma_wait3A_1947 = tpu.memref_slice %dma_wait3A_1945[%dma_wait3A_1946] : memref<512xi32, #tpu.memory_space<vmem>> -> memref<64xi32, #tpu.memory_space<vmem>>
      %dma_wait3A_1948 = arith.constant 0 : i32
      %dma_wait3A_1949 = arith.constant 0 : i32
      %dma_wait3A_1950 = tpu.memref_slice %arg3[%dma_wait3A_1948, %dma_wait3A_1949] : memref<100000x128xf32, #tpu.memory_space<hbm>> -> memref<100000x128xf32, #tpu.memory_space<hbm>>
      tpu.wait_indirect_dma semaphore(%arg11 : memref<!tpu.dma_semaphore, #tpu.memory_space<semaphore_mem>>) src(%dma_wait3A_1950 : memref<100000x128xf32, #tpu.memory_space<hbm>>) dst(%dma_wait3A_1942 : memref<64x128xf32, #tpu.memory_space<vmem>>)
      %jit3A_1951 = arith.constant 8 : i32
      %div3A_1952 = arith.divsi %add3A_1856, %jit3A_1951 : i32
      %sign3A_1953 = arith.constant 0 : i32
      %sign3A_1954 = arith.cmpi sgt, %add3A_1856, %sign3A_1953 : i32
      %sign3A_1955 = arith.extui %sign3A_1954 : i1 to i32
      %sign3A_1956 = arith.constant 0 : i32
      %sign3A_1957 = arith.cmpi slt, %add3A_1856, %sign3A_1956 : i32
      %sign3A_1958 = arith.extui %sign3A_1957 : i1 to i32
      %sign3A_1959 = arith.subi %sign3A_1955, %sign3A_1958 : i32
      %sign3A_1960 = arith.constant 0 : i32
      %sign3A_1961 = arith.cmpi sgt, %jit3A_1951, %sign3A_1960 : i32
      %sign3A_1962 = arith.extui %sign3A_1961 : i1 to i32
      %sign3A_1963 = arith.constant 0 : i32
      %sign3A_1964 = arith.cmpi slt, %jit3A_1951, %sign3A_1963 : i32
      %sign3A_1965 = arith.extui %sign3A_1964 : i1 to i32
      %sign3A_1966 = arith.subi %sign3A_1962, %sign3A_1965 : i32
      %ne3A_1967 = arith.cmpi ne, %sign3A_1959, %sign3A_1966 : i32
      %rem3A_1968 = arith.remsi %add3A_1856, %jit3A_1951 : i32
      %ne3A_1969 = arith.constant 0 : i32
      %ne3A_1970 = arith.cmpi ne, %rem3A_1968, %ne3A_1969 : i32
      %and3A_1971 = arith.andi %ne3A_1967, %ne3A_1970 : i1
      %sub3A_1972 = arith.constant 1 : i32
      %sub3A_1973 = arith.subi %div3A_1952, %sub3A_1972 : i32
      %select_n3A_1974 = arith.select %and3A_1971, %sub3A_1973, %div3A_1952 : i32
      %jit3A_1975 = arith.constant 8 : i32
      %eq3A_1976 = arith.constant 0 : i32
      %eq3A_1977 = arith.cmpi eq, %jit3A_1975, %eq3A_1976 : i32
      %jit3A_1978 = arith.constant 1 : i32
      %select_n3A_1979 = arith.select %eq3A_1977, %jit3A_1978, %jit3A_1975 : i32
      %rem3A_1980 = arith.remsi %add3A_1856, %select_n3A_1979 : i32
      %ne3A_1981 = arith.constant 0 : i32
      %ne3A_1982 = arith.cmpi ne, %rem3A_1980, %ne3A_1981 : i32
      %lt3A_1983 = arith.constant 0 : i32
      %lt3A_1984 = arith.cmpi slt, %rem3A_1980, %lt3A_1983 : i32
      %lt3A_1985 = arith.constant 0 : i32
      %lt3A_1986 = arith.cmpi slt, %select_n3A_1979, %lt3A_1985 : i32
      %ne3A_1987 = arith.xori %lt3A_1984, %lt3A_1986 : i1
      %and3A_1988 = arith.andi %ne3A_1987, %ne3A_1982 : i1
      %add3A_1989 = arith.addi %rem3A_1980, %select_n3A_1979 : i32
      %select_n3A_1990 = arith.select %and3A_1988, %add3A_1989, %rem3A_1980 : i32
      %mul3A_1991 = arith.constant 64 : i32
      %mul3A_1992 = arith.muli %select_n3A_1990, %mul3A_1991 : i32
      %add3A_1993 = arith.addi %mul3A_2, %mul3A_1992 : i32
      %dma_start3A_1994 = arith.constant 4 : i32
      %dma_start3A_1995 = arith.constant 0 : i32
      %dma_start3A_1996 = arith.constant 0 : i32
      %dma_start3A_1997 = tpu.memref_slice %arg6[%dma_start3A_1994, %dma_start3A_1995, %dma_start3A_1996] : memref<8x64x128xf32, #tpu.memory_space<vmem>> -> memref<1x64x128xf32, #tpu.memory_space<vmem>>
      %dma_start3A_1998 = tpu.memref_squeeze %dma_start3A_1997 : memref<1x64x128xf32, #tpu.memory_space<vmem>> -> memref<64x128xf32, #tpu.memory_space<vmem>>
      %dma_start3A_1999 = arith.constant 0 : i32
      %dma_start3A_2000 = arith.constant 0 : i32
      %dma_start3A_2001 = tpu.memref_slice %arg4[%select_n3A_1974, %dma_start3A_1999, %dma_start3A_2000] : memref<26x16384x128xf32, #tpu.memory_space<hbm>> -> memref<1x16384x128xf32, #tpu.memory_space<hbm>>
      %dma_start3A_2002 = tpu.memref_squeeze %dma_start3A_2001 : memref<1x16384x128xf32, #tpu.memory_space<hbm>> -> memref<16384x128xf32, #tpu.memory_space<hbm>>
      %dma_start3A_2003 = arith.constant 0 : i32
      %dma_start3A_2004 = tpu.memref_slice %dma_start3A_2002[%add3A_1993, %dma_start3A_2003] : memref<16384x128xf32, #tpu.memory_space<hbm>> -> memref<64x128xf32, #tpu.memory_space<hbm>>
      %dma_start3A_2005 = arith.constant 0 : i32
      %dma_start3A_2006 = arith.constant 0 : i32
      %dma_start3A_2007 = tpu.memref_slice %arg4[%select_n3A_1974, %dma_start3A_2005, %dma_start3A_2006] : memref<26x16384x128xf32, #tpu.memory_space<hbm>> -> memref<1x16384x128xf32, #tpu.memory_space<hbm>>
      %dma_start3A_2008 = tpu.memref_squeeze %dma_start3A_2007 : memref<1x16384x128xf32, #tpu.memory_space<hbm>> -> memref<16384x128xf32, #tpu.memory_space<hbm>>
      %dma_start3A_2009 = arith.constant 0 : i32
      %dma_start3A_2010 = tpu.memref_slice %dma_start3A_2008[%add3A_1993, %dma_start3A_2009] : memref<16384x128xf32, #tpu.memory_space<hbm>> -> memref<64x128xf32, #tpu.memory_space<hbm>>
      %dma_start3A_2011 = arith.constant 0 : i32
      %dma_start3A_2012 = arith.constant 0 : i32
      %dma_start3A_2013 = tpu.memref_slice %arg6[%dma_start3A_1994, %dma_start3A_2011, %dma_start3A_2012] : memref<8x64x128xf32, #tpu.memory_space<vmem>> -> memref<1x64x128xf32, #tpu.memory_space<vmem>>
      %dma_start3A_2014 = tpu.memref_squeeze %dma_start3A_2013 : memref<1x64x128xf32, #tpu.memory_space<vmem>> -> memref<64x128xf32, #tpu.memory_space<vmem>>
      tpu.enqueue_dma source(%dma_start3A_2014 : memref<64x128xf32, #tpu.memory_space<vmem>>) target(%dma_start3A_2010 : memref<64x128xf32, #tpu.memory_space<hbm>>) target_semaphore(%arg19 : memref<!tpu.dma_semaphore, #tpu.memory_space<semaphore_mem>>)
      %add3A_2015 = arith.constant 5 : i32
      %add3A_2016 = arith.addi %mul3A_1224, %add3A_2015 : i32
      %dma_wait3A_2017 = arith.constant 1 : i32
      %dma_wait3A_2018 = arith.constant 0 : i32
      %dma_wait3A_2019 = arith.constant 0 : i32
      %dma_wait3A_2020 = arith.constant 0 : i32
      %dma_wait3A_2021 = tpu.memref_slice %arg6[%dma_wait3A_2017, %dma_wait3A_2019, %dma_wait3A_2020] : memref<8x64x128xf32, #tpu.memory_space<vmem>> -> memref<1x64x128xf32, #tpu.memory_space<vmem>>
      %dma_wait3A_2022 = tpu.memref_squeeze %dma_wait3A_2021 : memref<1x64x128xf32, #tpu.memory_space<vmem>> -> memref<64x128xf32, #tpu.memory_space<vmem>>
      %dma_wait3A_2023 = arith.constant 0 : i32
      %dma_wait3A_2024 = arith.constant 0 : i32
      %dma_wait3A_2025 = tpu.memref_slice %arg4[%dma_wait3A_2018, %dma_wait3A_2023, %dma_wait3A_2024] : memref<26x16384x128xf32, #tpu.memory_space<hbm>> -> memref<1x16384x128xf32, #tpu.memory_space<hbm>>
      %dma_wait3A_2026 = tpu.memref_squeeze %dma_wait3A_2025 : memref<1x16384x128xf32, #tpu.memory_space<hbm>> -> memref<16384x128xf32, #tpu.memory_space<hbm>>
      %dma_wait3A_2027 = arith.constant 0 : i32
      %dma_wait3A_2028 = arith.constant 0 : i32
      %dma_wait3A_2029 = tpu.memref_slice %dma_wait3A_2026[%dma_wait3A_2027, %dma_wait3A_2028] : memref<16384x128xf32, #tpu.memory_space<hbm>> -> memref<64x128xf32, #tpu.memory_space<hbm>>
      %dma_wait3A_2030 = arith.constant 0 : i32
      %dma_wait3A_2031 = arith.constant 0 : i32
      %dma_wait3A_2032 = tpu.memref_slice %arg4[%dma_wait3A_2018, %dma_wait3A_2030, %dma_wait3A_2031] : memref<26x16384x128xf32, #tpu.memory_space<hbm>> -> memref<1x16384x128xf32, #tpu.memory_space<hbm>>
      %dma_wait3A_2033 = tpu.memref_squeeze %dma_wait3A_2032 : memref<1x16384x128xf32, #tpu.memory_space<hbm>> -> memref<16384x128xf32, #tpu.memory_space<hbm>>
      %dma_wait3A_2034 = arith.constant 0 : i32
      %dma_wait3A_2035 = arith.constant 0 : i32
      %dma_wait3A_2036 = tpu.memref_slice %dma_wait3A_2033[%dma_wait3A_2034, %dma_wait3A_2035] : memref<16384x128xf32, #tpu.memory_space<hbm>> -> memref<64x128xf32, #tpu.memory_space<hbm>>
      %dma_wait3A_2037 = arith.constant 0 : i32
      %dma_wait3A_2038 = arith.constant 0 : i32
      %dma_wait3A_2039 = tpu.memref_slice %arg6[%dma_wait3A_2017, %dma_wait3A_2037, %dma_wait3A_2038] : memref<8x64x128xf32, #tpu.memory_space<vmem>> -> memref<1x64x128xf32, #tpu.memory_space<vmem>>
      %dma_wait3A_2040 = tpu.memref_squeeze %dma_wait3A_2039 : memref<1x64x128xf32, #tpu.memory_space<vmem>> -> memref<64x128xf32, #tpu.memory_space<vmem>>
      tpu.wait_dma2 semaphore(%arg16 : memref<!tpu.dma_semaphore, #tpu.memory_space<semaphore_mem>>) src(%dma_wait3A_2040 : memref<64x128xf32, #tpu.memory_space<vmem>>) dst(%dma_wait3A_2036 : memref<64x128xf32, #tpu.memory_space<hbm>>)
      %add3A_2041 = arith.constant 4 : i32
      %add3A_2042 = arith.addi %add3A_2016, %add3A_2041 : i32
      %jit3A_2043 = arith.constant 8 : i32
      %div3A_2044 = arith.divsi %add3A_2042, %jit3A_2043 : i32
      %sign3A_2045 = arith.constant 0 : i32
      %sign3A_2046 = arith.cmpi sgt, %add3A_2042, %sign3A_2045 : i32
      %sign3A_2047 = arith.extui %sign3A_2046 : i1 to i32
      %sign3A_2048 = arith.constant 0 : i32
      %sign3A_2049 = arith.cmpi slt, %add3A_2042, %sign3A_2048 : i32
      %sign3A_2050 = arith.extui %sign3A_2049 : i1 to i32
      %sign3A_2051 = arith.subi %sign3A_2047, %sign3A_2050 : i32
      %sign3A_2052 = arith.constant 0 : i32
      %sign3A_2053 = arith.cmpi sgt, %jit3A_2043, %sign3A_2052 : i32
      %sign3A_2054 = arith.extui %sign3A_2053 : i1 to i32
      %sign3A_2055 = arith.constant 0 : i32
      %sign3A_2056 = arith.cmpi slt, %jit3A_2043, %sign3A_2055 : i32
      %sign3A_2057 = arith.extui %sign3A_2056 : i1 to i32
      %sign3A_2058 = arith.subi %sign3A_2054, %sign3A_2057 : i32
      %ne3A_2059 = arith.cmpi ne, %sign3A_2051, %sign3A_2058 : i32
      %rem3A_2060 = arith.remsi %add3A_2042, %jit3A_2043 : i32
      %ne3A_2061 = arith.constant 0 : i32
      %ne3A_2062 = arith.cmpi ne, %rem3A_2060, %ne3A_2061 : i32
      %and3A_2063 = arith.andi %ne3A_2059, %ne3A_2062 : i1
      %sub3A_2064 = arith.constant 1 : i32
      %sub3A_2065 = arith.subi %div3A_2044, %sub3A_2064 : i32
      %select_n3A_2066 = arith.select %and3A_2063, %sub3A_2065, %div3A_2044 : i32
      %jit3A_2067 = arith.constant 8 : i32
      %eq3A_2068 = arith.constant 0 : i32
      %eq3A_2069 = arith.cmpi eq, %jit3A_2067, %eq3A_2068 : i32
      %jit3A_2070 = arith.constant 1 : i32
      %select_n3A_2071 = arith.select %eq3A_2069, %jit3A_2070, %jit3A_2067 : i32
      %rem3A_2072 = arith.remsi %add3A_2042, %select_n3A_2071 : i32
      %ne3A_2073 = arith.constant 0 : i32
      %ne3A_2074 = arith.cmpi ne, %rem3A_2072, %ne3A_2073 : i32
      %lt3A_2075 = arith.constant 0 : i32
      %lt3A_2076 = arith.cmpi slt, %rem3A_2072, %lt3A_2075 : i32
      %lt3A_2077 = arith.constant 0 : i32
      %lt3A_2078 = arith.cmpi slt, %select_n3A_2071, %lt3A_2077 : i32
      %ne3A_2079 = arith.xori %lt3A_2076, %lt3A_2078 : i1
      %and3A_2080 = arith.andi %ne3A_2079, %ne3A_2074 : i1
      %add3A_2081 = arith.addi %rem3A_2072, %select_n3A_2071 : i32
      %select_n3A_2082 = arith.select %and3A_2080, %add3A_2081, %rem3A_2072 : i32
      %mul3A_2083 = arith.constant 64 : i32
      %mul3A_2084 = arith.muli %select_n3A_2082, %mul3A_2083 : i32
      %dma_start3A_2085 = arith.constant 1 : i32
      %dma_start3A_2086 = arith.constant 0 : i32
      %dma_start3A_2087 = arith.constant 0 : i32
      %dma_start3A_2088 = tpu.memref_slice %arg6[%dma_start3A_2085, %dma_start3A_2086, %dma_start3A_2087] : memref<8x64x128xf32, #tpu.memory_space<vmem>> -> memref<1x64x128xf32, #tpu.memory_space<vmem>>
      %dma_start3A_2089 = tpu.memref_squeeze %dma_start3A_2088 : memref<1x64x128xf32, #tpu.memory_space<vmem>> -> memref<64x128xf32, #tpu.memory_space<vmem>>
      %dma_start3A_2090 = arith.constant 0 : i32
      %dma_start3A_2091 = tpu.memref_slice %arg5[%select_n3A_2066, %dma_start3A_2090] : memref<26x512xi32, #tpu.memory_space<vmem>> -> memref<1x512xi32, #tpu.memory_space<vmem>>
      %dma_start3A_2092 = tpu.memref_squeeze %dma_start3A_2091 : memref<1x512xi32, #tpu.memory_space<vmem>> -> memref<512xi32, #tpu.memory_space<vmem>>
      %dma_start3A_2093 = tpu.memref_slice %dma_start3A_2092[%mul3A_2084] : memref<512xi32, #tpu.memory_space<vmem>> -> memref<64xi32, #tpu.memory_space<vmem>>
      %dma_start3A_2094 = arith.constant 0 : i32
      %dma_start3A_2095 = arith.constant 0 : i32
      %dma_start3A_2096 = tpu.memref_slice %arg3[%dma_start3A_2094, %dma_start3A_2095] : memref<100000x128xf32, #tpu.memory_space<hbm>> -> memref<100000x128xf32, #tpu.memory_space<hbm>>
      tpu.enqueue_indirect_dma source(%dma_start3A_2096 : memref<100000x128xf32, #tpu.memory_space<hbm>>) target(%dma_start3A_2089 : memref<64x128xf32, #tpu.memory_space<vmem>>) offsets(%dma_start3A_2093 : memref<64xi32, #tpu.memory_space<vmem>>) semaphore(%arg8 : memref<!tpu.dma_semaphore, #tpu.memory_space<semaphore_mem>>)
      %dma_wait3A_2097 = arith.constant 0 : i32
      %dma_wait3A_2098 = arith.constant 5 : i32
      %dma_wait3A_2099 = arith.constant 0 : i32
      %dma_wait3A_2100 = arith.constant 0 : i32
      %dma_wait3A_2101 = tpu.memref_slice %arg6[%dma_wait3A_2098, %dma_wait3A_2099, %dma_wait3A_2100] : memref<8x64x128xf32, #tpu.memory_space<vmem>> -> memref<1x64x128xf32, #tpu.memory_space<vmem>>
      %dma_wait3A_2102 = tpu.memref_squeeze %dma_wait3A_2101 : memref<1x64x128xf32, #tpu.memory_space<vmem>> -> memref<64x128xf32, #tpu.memory_space<vmem>>
      %dma_wait3A_2103 = arith.constant 0 : i32
      %dma_wait3A_2104 = tpu.memref_slice %arg5[%dma_wait3A_2097, %dma_wait3A_2103] : memref<26x512xi32, #tpu.memory_space<vmem>> -> memref<1x512xi32, #tpu.memory_space<vmem>>
      %dma_wait3A_2105 = tpu.memref_squeeze %dma_wait3A_2104 : memref<1x512xi32, #tpu.memory_space<vmem>> -> memref<512xi32, #tpu.memory_space<vmem>>
      %dma_wait3A_2106 = arith.constant 0 : i32
      %dma_wait3A_2107 = tpu.memref_slice %dma_wait3A_2105[%dma_wait3A_2106] : memref<512xi32, #tpu.memory_space<vmem>> -> memref<64xi32, #tpu.memory_space<vmem>>
      %dma_wait3A_2108 = arith.constant 0 : i32
      %dma_wait3A_2109 = arith.constant 0 : i32
      %dma_wait3A_2110 = tpu.memref_slice %arg3[%dma_wait3A_2108, %dma_wait3A_2109] : memref<100000x128xf32, #tpu.memory_space<hbm>> -> memref<100000x128xf32, #tpu.memory_space<hbm>>
      tpu.wait_indirect_dma semaphore(%arg12 : memref<!tpu.dma_semaphore, #tpu.memory_space<semaphore_mem>>) src(%dma_wait3A_2110 : memref<100000x128xf32, #tpu.memory_space<hbm>>) dst(%dma_wait3A_2102 : memref<64x128xf32, #tpu.memory_space<vmem>>)
      %jit3A_2111 = arith.constant 8 : i32
      %div3A_2112 = arith.divsi %add3A_2016, %jit3A_2111 : i32
      %sign3A_2113 = arith.constant 0 : i32
      %sign3A_2114 = arith.cmpi sgt, %add3A_2016, %sign3A_2113 : i32
      %sign3A_2115 = arith.extui %sign3A_2114 : i1 to i32
      %sign3A_2116 = arith.constant 0 : i32
      %sign3A_2117 = arith.cmpi slt, %add3A_2016, %sign3A_2116 : i32
      %sign3A_2118 = arith.extui %sign3A_2117 : i1 to i32
      %sign3A_2119 = arith.subi %sign3A_2115, %sign3A_2118 : i32
      %sign3A_2120 = arith.constant 0 : i32
      %sign3A_2121 = arith.cmpi sgt, %jit3A_2111, %sign3A_2120 : i32
      %sign3A_2122 = arith.extui %sign3A_2121 : i1 to i32
      %sign3A_2123 = arith.constant 0 : i32
      %sign3A_2124 = arith.cmpi slt, %jit3A_2111, %sign3A_2123 : i32
      %sign3A_2125 = arith.extui %sign3A_2124 : i1 to i32
      %sign3A_2126 = arith.subi %sign3A_2122, %sign3A_2125 : i32
      %ne3A_2127 = arith.cmpi ne, %sign3A_2119, %sign3A_2126 : i32
      %rem3A_2128 = arith.remsi %add3A_2016, %jit3A_2111 : i32
      %ne3A_2129 = arith.constant 0 : i32
      %ne3A_2130 = arith.cmpi ne, %rem3A_2128, %ne3A_2129 : i32
      %and3A_2131 = arith.andi %ne3A_2127, %ne3A_2130 : i1
      %sub3A_2132 = arith.constant 1 : i32
      %sub3A_2133 = arith.subi %div3A_2112, %sub3A_2132 : i32
      %select_n3A_2134 = arith.select %and3A_2131, %sub3A_2133, %div3A_2112 : i32
      %jit3A_2135 = arith.constant 8 : i32
      %eq3A_2136 = arith.constant 0 : i32
      %eq3A_2137 = arith.cmpi eq, %jit3A_2135, %eq3A_2136 : i32
      %jit3A_2138 = arith.constant 1 : i32
      %select_n3A_2139 = arith.select %eq3A_2137, %jit3A_2138, %jit3A_2135 : i32
      %rem3A_2140 = arith.remsi %add3A_2016, %select_n3A_2139 : i32
      %ne3A_2141 = arith.constant 0 : i32
      %ne3A_2142 = arith.cmpi ne, %rem3A_2140, %ne3A_2141 : i32
      %lt3A_2143 = arith.constant 0 : i32
      %lt3A_2144 = arith.cmpi slt, %rem3A_2140, %lt3A_2143 : i32
      %lt3A_2145 = arith.constant 0 : i32
      %lt3A_2146 = arith.cmpi slt, %select_n3A_2139, %lt3A_2145 : i32
      %ne3A_2147 = arith.xori %lt3A_2144, %lt3A_2146 : i1
      %and3A_2148 = arith.andi %ne3A_2147, %ne3A_2142 : i1
      %add3A_2149 = arith.addi %rem3A_2140, %select_n3A_2139 : i32
      %select_n3A_2150 = arith.select %and3A_2148, %add3A_2149, %rem3A_2140 : i32
      %mul3A_2151 = arith.constant 64 : i32
      %mul3A_2152 = arith.muli %select_n3A_2150, %mul3A_2151 : i32
      %add3A_2153 = arith.addi %mul3A_2, %mul3A_2152 : i32
      %dma_start3A_2154 = arith.constant 5 : i32
      %dma_start3A_2155 = arith.constant 0 : i32
      %dma_start3A_2156 = arith.constant 0 : i32
      %dma_start3A_2157 = tpu.memref_slice %arg6[%dma_start3A_2154, %dma_start3A_2155, %dma_start3A_2156] : memref<8x64x128xf32, #tpu.memory_space<vmem>> -> memref<1x64x128xf32, #tpu.memory_space<vmem>>
      %dma_start3A_2158 = tpu.memref_squeeze %dma_start3A_2157 : memref<1x64x128xf32, #tpu.memory_space<vmem>> -> memref<64x128xf32, #tpu.memory_space<vmem>>
      %dma_start3A_2159 = arith.constant 0 : i32
      %dma_start3A_2160 = arith.constant 0 : i32
      %dma_start3A_2161 = tpu.memref_slice %arg4[%select_n3A_2134, %dma_start3A_2159, %dma_start3A_2160] : memref<26x16384x128xf32, #tpu.memory_space<hbm>> -> memref<1x16384x128xf32, #tpu.memory_space<hbm>>
      %dma_start3A_2162 = tpu.memref_squeeze %dma_start3A_2161 : memref<1x16384x128xf32, #tpu.memory_space<hbm>> -> memref<16384x128xf32, #tpu.memory_space<hbm>>
      %dma_start3A_2163 = arith.constant 0 : i32
      %dma_start3A_2164 = tpu.memref_slice %dma_start3A_2162[%add3A_2153, %dma_start3A_2163] : memref<16384x128xf32, #tpu.memory_space<hbm>> -> memref<64x128xf32, #tpu.memory_space<hbm>>
      %dma_start3A_2165 = arith.constant 0 : i32
      %dma_start3A_2166 = arith.constant 0 : i32
      %dma_start3A_2167 = tpu.memref_slice %arg4[%select_n3A_2134, %dma_start3A_2165, %dma_start3A_2166] : memref<26x16384x128xf32, #tpu.memory_space<hbm>> -> memref<1x16384x128xf32, #tpu.memory_space<hbm>>
      %dma_start3A_2168 = tpu.memref_squeeze %dma_start3A_2167 : memref<1x16384x128xf32, #tpu.memory_space<hbm>> -> memref<16384x128xf32, #tpu.memory_space<hbm>>
      %dma_start3A_2169 = arith.constant 0 : i32
      %dma_start3A_2170 = tpu.memref_slice %dma_start3A_2168[%add3A_2153, %dma_start3A_2169] : memref<16384x128xf32, #tpu.memory_space<hbm>> -> memref<64x128xf32, #tpu.memory_space<hbm>>
      %dma_start3A_2171 = arith.constant 0 : i32
      %dma_start3A_2172 = arith.constant 0 : i32
      %dma_start3A_2173 = tpu.memref_slice %arg6[%dma_start3A_2154, %dma_start3A_2171, %dma_start3A_2172] : memref<8x64x128xf32, #tpu.memory_space<vmem>> -> memref<1x64x128xf32, #tpu.memory_space<vmem>>
      %dma_start3A_2174 = tpu.memref_squeeze %dma_start3A_2173 : memref<1x64x128xf32, #tpu.memory_space<vmem>> -> memref<64x128xf32, #tpu.memory_space<vmem>>
      tpu.enqueue_dma source(%dma_start3A_2174 : memref<64x128xf32, #tpu.memory_space<vmem>>) target(%dma_start3A_2170 : memref<64x128xf32, #tpu.memory_space<hbm>>) target_semaphore(%arg20 : memref<!tpu.dma_semaphore, #tpu.memory_space<semaphore_mem>>)
      %add3A_2175 = arith.constant 6 : i32
      %add3A_2176 = arith.addi %mul3A_1224, %add3A_2175 : i32
      %dma_wait3A_2177 = arith.constant 2 : i32
      %dma_wait3A_2178 = arith.constant 0 : i32
      %dma_wait3A_2179 = arith.constant 0 : i32
      %dma_wait3A_2180 = arith.constant 0 : i32
      %dma_wait3A_2181 = tpu.memref_slice %arg6[%dma_wait3A_2177, %dma_wait3A_2179, %dma_wait3A_2180] : memref<8x64x128xf32, #tpu.memory_space<vmem>> -> memref<1x64x128xf32, #tpu.memory_space<vmem>>
      %dma_wait3A_2182 = tpu.memref_squeeze %dma_wait3A_2181 : memref<1x64x128xf32, #tpu.memory_space<vmem>> -> memref<64x128xf32, #tpu.memory_space<vmem>>
      %dma_wait3A_2183 = arith.constant 0 : i32
      %dma_wait3A_2184 = arith.constant 0 : i32
      %dma_wait3A_2185 = tpu.memref_slice %arg4[%dma_wait3A_2178, %dma_wait3A_2183, %dma_wait3A_2184] : memref<26x16384x128xf32, #tpu.memory_space<hbm>> -> memref<1x16384x128xf32, #tpu.memory_space<hbm>>
      %dma_wait3A_2186 = tpu.memref_squeeze %dma_wait3A_2185 : memref<1x16384x128xf32, #tpu.memory_space<hbm>> -> memref<16384x128xf32, #tpu.memory_space<hbm>>
      %dma_wait3A_2187 = arith.constant 0 : i32
      %dma_wait3A_2188 = arith.constant 0 : i32
      %dma_wait3A_2189 = tpu.memref_slice %dma_wait3A_2186[%dma_wait3A_2187, %dma_wait3A_2188] : memref<16384x128xf32, #tpu.memory_space<hbm>> -> memref<64x128xf32, #tpu.memory_space<hbm>>
      %dma_wait3A_2190 = arith.constant 0 : i32
      %dma_wait3A_2191 = arith.constant 0 : i32
      %dma_wait3A_2192 = tpu.memref_slice %arg4[%dma_wait3A_2178, %dma_wait3A_2190, %dma_wait3A_2191] : memref<26x16384x128xf32, #tpu.memory_space<hbm>> -> memref<1x16384x128xf32, #tpu.memory_space<hbm>>
      %dma_wait3A_2193 = tpu.memref_squeeze %dma_wait3A_2192 : memref<1x16384x128xf32, #tpu.memory_space<hbm>> -> memref<16384x128xf32, #tpu.memory_space<hbm>>
      %dma_wait3A_2194 = arith.constant 0 : i32
      %dma_wait3A_2195 = arith.constant 0 : i32
      %dma_wait3A_2196 = tpu.memref_slice %dma_wait3A_2193[%dma_wait3A_2194, %dma_wait3A_2195] : memref<16384x128xf32, #tpu.memory_space<hbm>> -> memref<64x128xf32, #tpu.memory_space<hbm>>
      %dma_wait3A_2197 = arith.constant 0 : i32
      %dma_wait3A_2198 = arith.constant 0 : i32
      %dma_wait3A_2199 = tpu.memref_slice %arg6[%dma_wait3A_2177, %dma_wait3A_2197, %dma_wait3A_2198] : memref<8x64x128xf32, #tpu.memory_space<vmem>> -> memref<1x64x128xf32, #tpu.memory_space<vmem>>
      %dma_wait3A_2200 = tpu.memref_squeeze %dma_wait3A_2199 : memref<1x64x128xf32, #tpu.memory_space<vmem>> -> memref<64x128xf32, #tpu.memory_space<vmem>>
      tpu.wait_dma2 semaphore(%arg17 : memref<!tpu.dma_semaphore, #tpu.memory_space<semaphore_mem>>) src(%dma_wait3A_2200 : memref<64x128xf32, #tpu.memory_space<vmem>>) dst(%dma_wait3A_2196 : memref<64x128xf32, #tpu.memory_space<hbm>>)
      %add3A_2201 = arith.constant 4 : i32
      %add3A_2202 = arith.addi %add3A_2176, %add3A_2201 : i32
      %jit3A_2203 = arith.constant 8 : i32
      %div3A_2204 = arith.divsi %add3A_2202, %jit3A_2203 : i32
      %sign3A_2205 = arith.constant 0 : i32
      %sign3A_2206 = arith.cmpi sgt, %add3A_2202, %sign3A_2205 : i32
      %sign3A_2207 = arith.extui %sign3A_2206 : i1 to i32
      %sign3A_2208 = arith.constant 0 : i32
      %sign3A_2209 = arith.cmpi slt, %add3A_2202, %sign3A_2208 : i32
      %sign3A_2210 = arith.extui %sign3A_2209 : i1 to i32
      %sign3A_2211 = arith.subi %sign3A_2207, %sign3A_2210 : i32
      %sign3A_2212 = arith.constant 0 : i32
      %sign3A_2213 = arith.cmpi sgt, %jit3A_2203, %sign3A_2212 : i32
      %sign3A_2214 = arith.extui %sign3A_2213 : i1 to i32
      %sign3A_2215 = arith.constant 0 : i32
      %sign3A_2216 = arith.cmpi slt, %jit3A_2203, %sign3A_2215 : i32
      %sign3A_2217 = arith.extui %sign3A_2216 : i1 to i32
      %sign3A_2218 = arith.subi %sign3A_2214, %sign3A_2217 : i32
      %ne3A_2219 = arith.cmpi ne, %sign3A_2211, %sign3A_2218 : i32
      %rem3A_2220 = arith.remsi %add3A_2202, %jit3A_2203 : i32
      %ne3A_2221 = arith.constant 0 : i32
      %ne3A_2222 = arith.cmpi ne, %rem3A_2220, %ne3A_2221 : i32
      %and3A_2223 = arith.andi %ne3A_2219, %ne3A_2222 : i1
      %sub3A_2224 = arith.constant 1 : i32
      %sub3A_2225 = arith.subi %div3A_2204, %sub3A_2224 : i32
      %select_n3A_2226 = arith.select %and3A_2223, %sub3A_2225, %div3A_2204 : i32
      %jit3A_2227 = arith.constant 8 : i32
      %eq3A_2228 = arith.constant 0 : i32
      %eq3A_2229 = arith.cmpi eq, %jit3A_2227, %eq3A_2228 : i32
      %jit3A_2230 = arith.constant 1 : i32
      %select_n3A_2231 = arith.select %eq3A_2229, %jit3A_2230, %jit3A_2227 : i32
      %rem3A_2232 = arith.remsi %add3A_2202, %select_n3A_2231 : i32
      %ne3A_2233 = arith.constant 0 : i32
      %ne3A_2234 = arith.cmpi ne, %rem3A_2232, %ne3A_2233 : i32
      %lt3A_2235 = arith.constant 0 : i32
      %lt3A_2236 = arith.cmpi slt, %rem3A_2232, %lt3A_2235 : i32
      %lt3A_2237 = arith.constant 0 : i32
      %lt3A_2238 = arith.cmpi slt, %select_n3A_2231, %lt3A_2237 : i32
      %ne3A_2239 = arith.xori %lt3A_2236, %lt3A_2238 : i1
      %and3A_2240 = arith.andi %ne3A_2239, %ne3A_2234 : i1
      %add3A_2241 = arith.addi %rem3A_2232, %select_n3A_2231 : i32
      %select_n3A_2242 = arith.select %and3A_2240, %add3A_2241, %rem3A_2232 : i32
      %mul3A_2243 = arith.constant 64 : i32
      %mul3A_2244 = arith.muli %select_n3A_2242, %mul3A_2243 : i32
      %dma_start3A_2245 = arith.constant 2 : i32
      %dma_start3A_2246 = arith.constant 0 : i32
      %dma_start3A_2247 = arith.constant 0 : i32
      %dma_start3A_2248 = tpu.memref_slice %arg6[%dma_start3A_2245, %dma_start3A_2246, %dma_start3A_2247] : memref<8x64x128xf32, #tpu.memory_space<vmem>> -> memref<1x64x128xf32, #tpu.memory_space<vmem>>
      %dma_start3A_2249 = tpu.memref_squeeze %dma_start3A_2248 : memref<1x64x128xf32, #tpu.memory_space<vmem>> -> memref<64x128xf32, #tpu.memory_space<vmem>>
      %dma_start3A_2250 = arith.constant 0 : i32
      %dma_start3A_2251 = tpu.memref_slice %arg5[%select_n3A_2226, %dma_start3A_2250] : memref<26x512xi32, #tpu.memory_space<vmem>> -> memref<1x512xi32, #tpu.memory_space<vmem>>
      %dma_start3A_2252 = tpu.memref_squeeze %dma_start3A_2251 : memref<1x512xi32, #tpu.memory_space<vmem>> -> memref<512xi32, #tpu.memory_space<vmem>>
      %dma_start3A_2253 = tpu.memref_slice %dma_start3A_2252[%mul3A_2244] : memref<512xi32, #tpu.memory_space<vmem>> -> memref<64xi32, #tpu.memory_space<vmem>>
      %dma_start3A_2254 = arith.constant 0 : i32
      %dma_start3A_2255 = arith.constant 0 : i32
      %dma_start3A_2256 = tpu.memref_slice %arg3[%dma_start3A_2254, %dma_start3A_2255] : memref<100000x128xf32, #tpu.memory_space<hbm>> -> memref<100000x128xf32, #tpu.memory_space<hbm>>
      tpu.enqueue_indirect_dma source(%dma_start3A_2256 : memref<100000x128xf32, #tpu.memory_space<hbm>>) target(%dma_start3A_2249 : memref<64x128xf32, #tpu.memory_space<vmem>>) offsets(%dma_start3A_2253 : memref<64xi32, #tpu.memory_space<vmem>>) semaphore(%arg9 : memref<!tpu.dma_semaphore, #tpu.memory_space<semaphore_mem>>)
      %dma_wait3A_2257 = arith.constant 0 : i32
      %dma_wait3A_2258 = arith.constant 6 : i32
      %dma_wait3A_2259 = arith.constant 0 : i32
      %dma_wait3A_2260 = arith.constant 0 : i32
      %dma_wait3A_2261 = tpu.memref_slice %arg6[%dma_wait3A_2258, %dma_wait3A_2259, %dma_wait3A_2260] : memref<8x64x128xf32, #tpu.memory_space<vmem>> -> memref<1x64x128xf32, #tpu.memory_space<vmem>>
      %dma_wait3A_2262 = tpu.memref_squeeze %dma_wait3A_2261 : memref<1x64x128xf32, #tpu.memory_space<vmem>> -> memref<64x128xf32, #tpu.memory_space<vmem>>
      %dma_wait3A_2263 = arith.constant 0 : i32
      %dma_wait3A_2264 = tpu.memref_slice %arg5[%dma_wait3A_2257, %dma_wait3A_2263] : memref<26x512xi32, #tpu.memory_space<vmem>> -> memref<1x512xi32, #tpu.memory_space<vmem>>
      %dma_wait3A_2265 = tpu.memref_squeeze %dma_wait3A_2264 : memref<1x512xi32, #tpu.memory_space<vmem>> -> memref<512xi32, #tpu.memory_space<vmem>>
      %dma_wait3A_2266 = arith.constant 0 : i32
      %dma_wait3A_2267 = tpu.memref_slice %dma_wait3A_2265[%dma_wait3A_2266] : memref<512xi32, #tpu.memory_space<vmem>> -> memref<64xi32, #tpu.memory_space<vmem>>
      %dma_wait3A_2268 = arith.constant 0 : i32
      %dma_wait3A_2269 = arith.constant 0 : i32
      %dma_wait3A_2270 = tpu.memref_slice %arg3[%dma_wait3A_2268, %dma_wait3A_2269] : memref<100000x128xf32, #tpu.memory_space<hbm>> -> memref<100000x128xf32, #tpu.memory_space<hbm>>
      tpu.wait_indirect_dma semaphore(%arg13 : memref<!tpu.dma_semaphore, #tpu.memory_space<semaphore_mem>>) src(%dma_wait3A_2270 : memref<100000x128xf32, #tpu.memory_space<hbm>>) dst(%dma_wait3A_2262 : memref<64x128xf32, #tpu.memory_space<vmem>>)
      %jit3A_2271 = arith.constant 8 : i32
      %div3A_2272 = arith.divsi %add3A_2176, %jit3A_2271 : i32
      %sign3A_2273 = arith.constant 0 : i32
      %sign3A_2274 = arith.cmpi sgt, %add3A_2176, %sign3A_2273 : i32
      %sign3A_2275 = arith.extui %sign3A_2274 : i1 to i32
      %sign3A_2276 = arith.constant 0 : i32
      %sign3A_2277 = arith.cmpi slt, %add3A_2176, %sign3A_2276 : i32
      %sign3A_2278 = arith.extui %sign3A_2277 : i1 to i32
      %sign3A_2279 = arith.subi %sign3A_2275, %sign3A_2278 : i32
      %sign3A_2280 = arith.constant 0 : i32
      %sign3A_2281 = arith.cmpi sgt, %jit3A_2271, %sign3A_2280 : i32
      %sign3A_2282 = arith.extui %sign3A_2281 : i1 to i32
      %sign3A_2283 = arith.constant 0 : i32
      %sign3A_2284 = arith.cmpi slt, %jit3A_2271, %sign3A_2283 : i32
      %sign3A_2285 = arith.extui %sign3A_2284 : i1 to i32
      %sign3A_2286 = arith.subi %sign3A_2282, %sign3A_2285 : i32
      %ne3A_2287 = arith.cmpi ne, %sign3A_2279, %sign3A_2286 : i32
      %rem3A_2288 = arith.remsi %add3A_2176, %jit3A_2271 : i32
      %ne3A_2289 = arith.constant 0 : i32
      %ne3A_2290 = arith.cmpi ne, %rem3A_2288, %ne3A_2289 : i32
      %and3A_2291 = arith.andi %ne3A_2287, %ne3A_2290 : i1
      %sub3A_2292 = arith.constant 1 : i32
      %sub3A_2293 = arith.subi %div3A_2272, %sub3A_2292 : i32
      %select_n3A_2294 = arith.select %and3A_2291, %sub3A_2293, %div3A_2272 : i32
      %jit3A_2295 = arith.constant 8 : i32
      %eq3A_2296 = arith.constant 0 : i32
      %eq3A_2297 = arith.cmpi eq, %jit3A_2295, %eq3A_2296 : i32
      %jit3A_2298 = arith.constant 1 : i32
      %select_n3A_2299 = arith.select %eq3A_2297, %jit3A_2298, %jit3A_2295 : i32
      %rem3A_2300 = arith.remsi %add3A_2176, %select_n3A_2299 : i32
      %ne3A_2301 = arith.constant 0 : i32
      %ne3A_2302 = arith.cmpi ne, %rem3A_2300, %ne3A_2301 : i32
      %lt3A_2303 = arith.constant 0 : i32
      %lt3A_2304 = arith.cmpi slt, %rem3A_2300, %lt3A_2303 : i32
      %lt3A_2305 = arith.constant 0 : i32
      %lt3A_2306 = arith.cmpi slt, %select_n3A_2299, %lt3A_2305 : i32
      %ne3A_2307 = arith.xori %lt3A_2304, %lt3A_2306 : i1
      %and3A_2308 = arith.andi %ne3A_2307, %ne3A_2302 : i1
      %add3A_2309 = arith.addi %rem3A_2300, %select_n3A_2299 : i32
      %select_n3A_2310 = arith.select %and3A_2308, %add3A_2309, %rem3A_2300 : i32
      %mul3A_2311 = arith.constant 64 : i32
      %mul3A_2312 = arith.muli %select_n3A_2310, %mul3A_2311 : i32
      %add3A_2313 = arith.addi %mul3A_2, %mul3A_2312 : i32
      %dma_start3A_2314 = arith.constant 6 : i32
      %dma_start3A_2315 = arith.constant 0 : i32
      %dma_start3A_2316 = arith.constant 0 : i32
      %dma_start3A_2317 = tpu.memref_slice %arg6[%dma_start3A_2314, %dma_start3A_2315, %dma_start3A_2316] : memref<8x64x128xf32, #tpu.memory_space<vmem>> -> memref<1x64x128xf32, #tpu.memory_space<vmem>>
      %dma_start3A_2318 = tpu.memref_squeeze %dma_start3A_2317 : memref<1x64x128xf32, #tpu.memory_space<vmem>> -> memref<64x128xf32, #tpu.memory_space<vmem>>
      %dma_start3A_2319 = arith.constant 0 : i32
      %dma_start3A_2320 = arith.constant 0 : i32
      %dma_start3A_2321 = tpu.memref_slice %arg4[%select_n3A_2294, %dma_start3A_2319, %dma_start3A_2320] : memref<26x16384x128xf32, #tpu.memory_space<hbm>> -> memref<1x16384x128xf32, #tpu.memory_space<hbm>>
      %dma_start3A_2322 = tpu.memref_squeeze %dma_start3A_2321 : memref<1x16384x128xf32, #tpu.memory_space<hbm>> -> memref<16384x128xf32, #tpu.memory_space<hbm>>
      %dma_start3A_2323 = arith.constant 0 : i32
      %dma_start3A_2324 = tpu.memref_slice %dma_start3A_2322[%add3A_2313, %dma_start3A_2323] : memref<16384x128xf32, #tpu.memory_space<hbm>> -> memref<64x128xf32, #tpu.memory_space<hbm>>
      %dma_start3A_2325 = arith.constant 0 : i32
      %dma_start3A_2326 = arith.constant 0 : i32
      %dma_start3A_2327 = tpu.memref_slice %arg4[%select_n3A_2294, %dma_start3A_2325, %dma_start3A_2326] : memref<26x16384x128xf32, #tpu.memory_space<hbm>> -> memref<1x16384x128xf32, #tpu.memory_space<hbm>>
      %dma_start3A_2328 = tpu.memref_squeeze %dma_start3A_2327 : memref<1x16384x128xf32, #tpu.memory_space<hbm>> -> memref<16384x128xf32, #tpu.memory_space<hbm>>
      %dma_start3A_2329 = arith.constant 0 : i32
      %dma_start3A_2330 = tpu.memref_slice %dma_start3A_2328[%add3A_2313, %dma_start3A_2329] : memref<16384x128xf32, #tpu.memory_space<hbm>> -> memref<64x128xf32, #tpu.memory_space<hbm>>
      %dma_start3A_2331 = arith.constant 0 : i32
      %dma_start3A_2332 = arith.constant 0 : i32
      %dma_start3A_2333 = tpu.memref_slice %arg6[%dma_start3A_2314, %dma_start3A_2331, %dma_start3A_2332] : memref<8x64x128xf32, #tpu.memory_space<vmem>> -> memref<1x64x128xf32, #tpu.memory_space<vmem>>
      %dma_start3A_2334 = tpu.memref_squeeze %dma_start3A_2333 : memref<1x64x128xf32, #tpu.memory_space<vmem>> -> memref<64x128xf32, #tpu.memory_space<vmem>>
      tpu.enqueue_dma source(%dma_start3A_2334 : memref<64x128xf32, #tpu.memory_space<vmem>>) target(%dma_start3A_2330 : memref<64x128xf32, #tpu.memory_space<hbm>>) target_semaphore(%arg21 : memref<!tpu.dma_semaphore, #tpu.memory_space<semaphore_mem>>)
      %add3A_2335 = arith.constant 7 : i32
      %add3A_2336 = arith.addi %mul3A_1224, %add3A_2335 : i32
      %dma_wait3A_2337 = arith.constant 3 : i32
      %dma_wait3A_2338 = arith.constant 0 : i32
      %dma_wait3A_2339 = arith.constant 0 : i32
      %dma_wait3A_2340 = arith.constant 0 : i32
      %dma_wait3A_2341 = tpu.memref_slice %arg6[%dma_wait3A_2337, %dma_wait3A_2339, %dma_wait3A_2340] : memref<8x64x128xf32, #tpu.memory_space<vmem>> -> memref<1x64x128xf32, #tpu.memory_space<vmem>>
      %dma_wait3A_2342 = tpu.memref_squeeze %dma_wait3A_2341 : memref<1x64x128xf32, #tpu.memory_space<vmem>> -> memref<64x128xf32, #tpu.memory_space<vmem>>
      %dma_wait3A_2343 = arith.constant 0 : i32
      %dma_wait3A_2344 = arith.constant 0 : i32
      %dma_wait3A_2345 = tpu.memref_slice %arg4[%dma_wait3A_2338, %dma_wait3A_2343, %dma_wait3A_2344] : memref<26x16384x128xf32, #tpu.memory_space<hbm>> -> memref<1x16384x128xf32, #tpu.memory_space<hbm>>
      %dma_wait3A_2346 = tpu.memref_squeeze %dma_wait3A_2345 : memref<1x16384x128xf32, #tpu.memory_space<hbm>> -> memref<16384x128xf32, #tpu.memory_space<hbm>>
      %dma_wait3A_2347 = arith.constant 0 : i32
      %dma_wait3A_2348 = arith.constant 0 : i32
      %dma_wait3A_2349 = tpu.memref_slice %dma_wait3A_2346[%dma_wait3A_2347, %dma_wait3A_2348] : memref<16384x128xf32, #tpu.memory_space<hbm>> -> memref<64x128xf32, #tpu.memory_space<hbm>>
      %dma_wait3A_2350 = arith.constant 0 : i32
      %dma_wait3A_2351 = arith.constant 0 : i32
      %dma_wait3A_2352 = tpu.memref_slice %arg4[%dma_wait3A_2338, %dma_wait3A_2350, %dma_wait3A_2351] : memref<26x16384x128xf32, #tpu.memory_space<hbm>> -> memref<1x16384x128xf32, #tpu.memory_space<hbm>>
      %dma_wait3A_2353 = tpu.memref_squeeze %dma_wait3A_2352 : memref<1x16384x128xf32, #tpu.memory_space<hbm>> -> memref<16384x128xf32, #tpu.memory_space<hbm>>
      %dma_wait3A_2354 = arith.constant 0 : i32
      %dma_wait3A_2355 = arith.constant 0 : i32
      %dma_wait3A_2356 = tpu.memref_slice %dma_wait3A_2353[%dma_wait3A_2354, %dma_wait3A_2355] : memref<16384x128xf32, #tpu.memory_space<hbm>> -> memref<64x128xf32, #tpu.memory_space<hbm>>
      %dma_wait3A_2357 = arith.constant 0 : i32
      %dma_wait3A_2358 = arith.constant 0 : i32
      %dma_wait3A_2359 = tpu.memref_slice %arg6[%dma_wait3A_2337, %dma_wait3A_2357, %dma_wait3A_2358] : memref<8x64x128xf32, #tpu.memory_space<vmem>> -> memref<1x64x128xf32, #tpu.memory_space<vmem>>
      %dma_wait3A_2360 = tpu.memref_squeeze %dma_wait3A_2359 : memref<1x64x128xf32, #tpu.memory_space<vmem>> -> memref<64x128xf32, #tpu.memory_space<vmem>>
      tpu.wait_dma2 semaphore(%arg18 : memref<!tpu.dma_semaphore, #tpu.memory_space<semaphore_mem>>) src(%dma_wait3A_2360 : memref<64x128xf32, #tpu.memory_space<vmem>>) dst(%dma_wait3A_2356 : memref<64x128xf32, #tpu.memory_space<hbm>>)
      %add3A_2361 = arith.constant 4 : i32
      %add3A_2362 = arith.addi %add3A_2336, %add3A_2361 : i32
      %jit3A_2363 = arith.constant 8 : i32
      %div3A_2364 = arith.divsi %add3A_2362, %jit3A_2363 : i32
      %sign3A_2365 = arith.constant 0 : i32
      %sign3A_2366 = arith.cmpi sgt, %add3A_2362, %sign3A_2365 : i32
      %sign3A_2367 = arith.extui %sign3A_2366 : i1 to i32
      %sign3A_2368 = arith.constant 0 : i32
      %sign3A_2369 = arith.cmpi slt, %add3A_2362, %sign3A_2368 : i32
      %sign3A_2370 = arith.extui %sign3A_2369 : i1 to i32
      %sign3A_2371 = arith.subi %sign3A_2367, %sign3A_2370 : i32
      %sign3A_2372 = arith.constant 0 : i32
      %sign3A_2373 = arith.cmpi sgt, %jit3A_2363, %sign3A_2372 : i32
      %sign3A_2374 = arith.extui %sign3A_2373 : i1 to i32
      %sign3A_2375 = arith.constant 0 : i32
      %sign3A_2376 = arith.cmpi slt, %jit3A_2363, %sign3A_2375 : i32
      %sign3A_2377 = arith.extui %sign3A_2376 : i1 to i32
      %sign3A_2378 = arith.subi %sign3A_2374, %sign3A_2377 : i32
      %ne3A_2379 = arith.cmpi ne, %sign3A_2371, %sign3A_2378 : i32
      %rem3A_2380 = arith.remsi %add3A_2362, %jit3A_2363 : i32
      %ne3A_2381 = arith.constant 0 : i32
      %ne3A_2382 = arith.cmpi ne, %rem3A_2380, %ne3A_2381 : i32
      %and3A_2383 = arith.andi %ne3A_2379, %ne3A_2382 : i1
      %sub3A_2384 = arith.constant 1 : i32
      %sub3A_2385 = arith.subi %div3A_2364, %sub3A_2384 : i32
      %select_n3A_2386 = arith.select %and3A_2383, %sub3A_2385, %div3A_2364 : i32
      %jit3A_2387 = arith.constant 8 : i32
      %eq3A_2388 = arith.constant 0 : i32
      %eq3A_2389 = arith.cmpi eq, %jit3A_2387, %eq3A_2388 : i32
      %jit3A_2390 = arith.constant 1 : i32
      %select_n3A_2391 = arith.select %eq3A_2389, %jit3A_2390, %jit3A_2387 : i32
      %rem3A_2392 = arith.remsi %add3A_2362, %select_n3A_2391 : i32
      %ne3A_2393 = arith.constant 0 : i32
      %ne3A_2394 = arith.cmpi ne, %rem3A_2392, %ne3A_2393 : i32
      %lt3A_2395 = arith.constant 0 : i32
      %lt3A_2396 = arith.cmpi slt, %rem3A_2392, %lt3A_2395 : i32
      %lt3A_2397 = arith.constant 0 : i32
      %lt3A_2398 = arith.cmpi slt, %select_n3A_2391, %lt3A_2397 : i32
      %ne3A_2399 = arith.xori %lt3A_2396, %lt3A_2398 : i1
      %and3A_2400 = arith.andi %ne3A_2399, %ne3A_2394 : i1
      %add3A_2401 = arith.addi %rem3A_2392, %select_n3A_2391 : i32
      %select_n3A_2402 = arith.select %and3A_2400, %add3A_2401, %rem3A_2392 : i32
      %mul3A_2403 = arith.constant 64 : i32
      %mul3A_2404 = arith.muli %select_n3A_2402, %mul3A_2403 : i32
      %dma_start3A_2405 = arith.constant 3 : i32
      %dma_start3A_2406 = arith.constant 0 : i32
      %dma_start3A_2407 = arith.constant 0 : i32
      %dma_start3A_2408 = tpu.memref_slice %arg6[%dma_start3A_2405, %dma_start3A_2406, %dma_start3A_2407] : memref<8x64x128xf32, #tpu.memory_space<vmem>> -> memref<1x64x128xf32, #tpu.memory_space<vmem>>
      %dma_start3A_2409 = tpu.memref_squeeze %dma_start3A_2408 : memref<1x64x128xf32, #tpu.memory_space<vmem>> -> memref<64x128xf32, #tpu.memory_space<vmem>>
      %dma_start3A_2410 = arith.constant 0 : i32
      %dma_start3A_2411 = tpu.memref_slice %arg5[%select_n3A_2386, %dma_start3A_2410] : memref<26x512xi32, #tpu.memory_space<vmem>> -> memref<1x512xi32, #tpu.memory_space<vmem>>
      %dma_start3A_2412 = tpu.memref_squeeze %dma_start3A_2411 : memref<1x512xi32, #tpu.memory_space<vmem>> -> memref<512xi32, #tpu.memory_space<vmem>>
      %dma_start3A_2413 = tpu.memref_slice %dma_start3A_2412[%mul3A_2404] : memref<512xi32, #tpu.memory_space<vmem>> -> memref<64xi32, #tpu.memory_space<vmem>>
      %dma_start3A_2414 = arith.constant 0 : i32
      %dma_start3A_2415 = arith.constant 0 : i32
      %dma_start3A_2416 = tpu.memref_slice %arg3[%dma_start3A_2414, %dma_start3A_2415] : memref<100000x128xf32, #tpu.memory_space<hbm>> -> memref<100000x128xf32, #tpu.memory_space<hbm>>
      tpu.enqueue_indirect_dma source(%dma_start3A_2416 : memref<100000x128xf32, #tpu.memory_space<hbm>>) target(%dma_start3A_2409 : memref<64x128xf32, #tpu.memory_space<vmem>>) offsets(%dma_start3A_2413 : memref<64xi32, #tpu.memory_space<vmem>>) semaphore(%arg10 : memref<!tpu.dma_semaphore, #tpu.memory_space<semaphore_mem>>)
      %dma_wait3A_2417 = arith.constant 0 : i32
      %dma_wait3A_2418 = arith.constant 7 : i32
      %dma_wait3A_2419 = arith.constant 0 : i32
      %dma_wait3A_2420 = arith.constant 0 : i32
      %dma_wait3A_2421 = tpu.memref_slice %arg6[%dma_wait3A_2418, %dma_wait3A_2419, %dma_wait3A_2420] : memref<8x64x128xf32, #tpu.memory_space<vmem>> -> memref<1x64x128xf32, #tpu.memory_space<vmem>>
      %dma_wait3A_2422 = tpu.memref_squeeze %dma_wait3A_2421 : memref<1x64x128xf32, #tpu.memory_space<vmem>> -> memref<64x128xf32, #tpu.memory_space<vmem>>
      %dma_wait3A_2423 = arith.constant 0 : i32
      %dma_wait3A_2424 = tpu.memref_slice %arg5[%dma_wait3A_2417, %dma_wait3A_2423] : memref<26x512xi32, #tpu.memory_space<vmem>> -> memref<1x512xi32, #tpu.memory_space<vmem>>
      %dma_wait3A_2425 = tpu.memref_squeeze %dma_wait3A_2424 : memref<1x512xi32, #tpu.memory_space<vmem>> -> memref<512xi32, #tpu.memory_space<vmem>>
      %dma_wait3A_2426 = arith.constant 0 : i32
      %dma_wait3A_2427 = tpu.memref_slice %dma_wait3A_2425[%dma_wait3A_2426] : memref<512xi32, #tpu.memory_space<vmem>> -> memref<64xi32, #tpu.memory_space<vmem>>
      %dma_wait3A_2428 = arith.constant 0 : i32
      %dma_wait3A_2429 = arith.constant 0 : i32
      %dma_wait3A_2430 = tpu.memref_slice %arg3[%dma_wait3A_2428, %dma_wait3A_2429] : memref<100000x128xf32, #tpu.memory_space<hbm>> -> memref<100000x128xf32, #tpu.memory_space<hbm>>
      tpu.wait_indirect_dma semaphore(%arg14 : memref<!tpu.dma_semaphore, #tpu.memory_space<semaphore_mem>>) src(%dma_wait3A_2430 : memref<100000x128xf32, #tpu.memory_space<hbm>>) dst(%dma_wait3A_2422 : memref<64x128xf32, #tpu.memory_space<vmem>>)
      %jit3A_2431 = arith.constant 8 : i32
      %div3A_2432 = arith.divsi %add3A_2336, %jit3A_2431 : i32
      %sign3A_2433 = arith.constant 0 : i32
      %sign3A_2434 = arith.cmpi sgt, %add3A_2336, %sign3A_2433 : i32
      %sign3A_2435 = arith.extui %sign3A_2434 : i1 to i32
      %sign3A_2436 = arith.constant 0 : i32
      %sign3A_2437 = arith.cmpi slt, %add3A_2336, %sign3A_2436 : i32
      %sign3A_2438 = arith.extui %sign3A_2437 : i1 to i32
      %sign3A_2439 = arith.subi %sign3A_2435, %sign3A_2438 : i32
      %sign3A_2440 = arith.constant 0 : i32
      %sign3A_2441 = arith.cmpi sgt, %jit3A_2431, %sign3A_2440 : i32
      %sign3A_2442 = arith.extui %sign3A_2441 : i1 to i32
      %sign3A_2443 = arith.constant 0 : i32
      %sign3A_2444 = arith.cmpi slt, %jit3A_2431, %sign3A_2443 : i32
      %sign3A_2445 = arith.extui %sign3A_2444 : i1 to i32
      %sign3A_2446 = arith.subi %sign3A_2442, %sign3A_2445 : i32
      %ne3A_2447 = arith.cmpi ne, %sign3A_2439, %sign3A_2446 : i32
      %rem3A_2448 = arith.remsi %add3A_2336, %jit3A_2431 : i32
      %ne3A_2449 = arith.constant 0 : i32
      %ne3A_2450 = arith.cmpi ne, %rem3A_2448, %ne3A_2449 : i32
      %and3A_2451 = arith.andi %ne3A_2447, %ne3A_2450 : i1
      %sub3A_2452 = arith.constant 1 : i32
      %sub3A_2453 = arith.subi %div3A_2432, %sub3A_2452 : i32
      %select_n3A_2454 = arith.select %and3A_2451, %sub3A_2453, %div3A_2432 : i32
      %jit3A_2455 = arith.constant 8 : i32
      %eq3A_2456 = arith.constant 0 : i32
      %eq3A_2457 = arith.cmpi eq, %jit3A_2455, %eq3A_2456 : i32
      %jit3A_2458 = arith.constant 1 : i32
      %select_n3A_2459 = arith.select %eq3A_2457, %jit3A_2458, %jit3A_2455 : i32
      %rem3A_2460 = arith.remsi %add3A_2336, %select_n3A_2459 : i32
      %ne3A_2461 = arith.constant 0 : i32
      %ne3A_2462 = arith.cmpi ne, %rem3A_2460, %ne3A_2461 : i32
      %lt3A_2463 = arith.constant 0 : i32
      %lt3A_2464 = arith.cmpi slt, %rem3A_2460, %lt3A_2463 : i32
      %lt3A_2465 = arith.constant 0 : i32
      %lt3A_2466 = arith.cmpi slt, %select_n3A_2459, %lt3A_2465 : i32
      %ne3A_2467 = arith.xori %lt3A_2464, %lt3A_2466 : i1
      %and3A_2468 = arith.andi %ne3A_2467, %ne3A_2462 : i1
      %add3A_2469 = arith.addi %rem3A_2460, %select_n3A_2459 : i32
      %select_n3A_2470 = arith.select %and3A_2468, %add3A_2469, %rem3A_2460 : i32
      %mul3A_2471 = arith.constant 64 : i32
      %mul3A_2472 = arith.muli %select_n3A_2470, %mul3A_2471 : i32
      %add3A_2473 = arith.addi %mul3A_2, %mul3A_2472 : i32
      %dma_start3A_2474 = arith.constant 7 : i32
      %dma_start3A_2475 = arith.constant 0 : i32
      %dma_start3A_2476 = arith.constant 0 : i32
      %dma_start3A_2477 = tpu.memref_slice %arg6[%dma_start3A_2474, %dma_start3A_2475, %dma_start3A_2476] : memref<8x64x128xf32, #tpu.memory_space<vmem>> -> memref<1x64x128xf32, #tpu.memory_space<vmem>>
      %dma_start3A_2478 = tpu.memref_squeeze %dma_start3A_2477 : memref<1x64x128xf32, #tpu.memory_space<vmem>> -> memref<64x128xf32, #tpu.memory_space<vmem>>
      %dma_start3A_2479 = arith.constant 0 : i32
      %dma_start3A_2480 = arith.constant 0 : i32
      %dma_start3A_2481 = tpu.memref_slice %arg4[%select_n3A_2454, %dma_start3A_2479, %dma_start3A_2480] : memref<26x16384x128xf32, #tpu.memory_space<hbm>> -> memref<1x16384x128xf32, #tpu.memory_space<hbm>>
      %dma_start3A_2482 = tpu.memref_squeeze %dma_start3A_2481 : memref<1x16384x128xf32, #tpu.memory_space<hbm>> -> memref<16384x128xf32, #tpu.memory_space<hbm>>
      %dma_start3A_2483 = arith.constant 0 : i32
      %dma_start3A_2484 = tpu.memref_slice %dma_start3A_2482[%add3A_2473, %dma_start3A_2483] : memref<16384x128xf32, #tpu.memory_space<hbm>> -> memref<64x128xf32, #tpu.memory_space<hbm>>
      %dma_start3A_2485 = arith.constant 0 : i32
      %dma_start3A_2486 = arith.constant 0 : i32
      %dma_start3A_2487 = tpu.memref_slice %arg4[%select_n3A_2454, %dma_start3A_2485, %dma_start3A_2486] : memref<26x16384x128xf32, #tpu.memory_space<hbm>> -> memref<1x16384x128xf32, #tpu.memory_space<hbm>>
      %dma_start3A_2488 = tpu.memref_squeeze %dma_start3A_2487 : memref<1x16384x128xf32, #tpu.memory_space<hbm>> -> memref<16384x128xf32, #tpu.memory_space<hbm>>
      %dma_start3A_2489 = arith.constant 0 : i32
      %dma_start3A_2490 = tpu.memref_slice %dma_start3A_2488[%add3A_2473, %dma_start3A_2489] : memref<16384x128xf32, #tpu.memory_space<hbm>> -> memref<64x128xf32, #tpu.memory_space<hbm>>
      %dma_start3A_2491 = arith.constant 0 : i32
      %dma_start3A_2492 = arith.constant 0 : i32
      %dma_start3A_2493 = tpu.memref_slice %arg6[%dma_start3A_2474, %dma_start3A_2491, %dma_start3A_2492] : memref<8x64x128xf32, #tpu.memory_space<vmem>> -> memref<1x64x128xf32, #tpu.memory_space<vmem>>
      %dma_start3A_2494 = tpu.memref_squeeze %dma_start3A_2493 : memref<1x64x128xf32, #tpu.memory_space<vmem>> -> memref<64x128xf32, #tpu.memory_space<vmem>>
      tpu.enqueue_dma source(%dma_start3A_2494 : memref<64x128xf32, #tpu.memory_space<vmem>>) target(%dma_start3A_2490 : memref<64x128xf32, #tpu.memory_space<hbm>>) target_semaphore(%arg22 : memref<!tpu.dma_semaphore, #tpu.memory_space<semaphore_mem>>)
    }
    %scan3A_573 = arith.constant 24 : i32
    %dma_wait3A_574 = arith.constant 4 : i32
    %dma_wait3A_575 = arith.constant 0 : i32
    %dma_wait3A_576 = arith.constant 0 : i32
    %dma_wait3A_577 = arith.constant 0 : i32
    %dma_wait3A_578 = tpu.memref_slice %arg6[%dma_wait3A_574, %dma_wait3A_576, %dma_wait3A_577] : memref<8x64x128xf32, #tpu.memory_space<vmem>> -> memref<1x64x128xf32, #tpu.memory_space<vmem>>
    %dma_wait3A_579 = tpu.memref_squeeze %dma_wait3A_578 : memref<1x64x128xf32, #tpu.memory_space<vmem>> -> memref<64x128xf32, #tpu.memory_space<vmem>>
    %dma_wait3A_580 = arith.constant 0 : i32
    %dma_wait3A_581 = arith.constant 0 : i32
    %dma_wait3A_582 = tpu.memref_slice %arg4[%dma_wait3A_575, %dma_wait3A_580, %dma_wait3A_581] : memref<26x16384x128xf32, #tpu.memory_space<hbm>> -> memref<1x16384x128xf32, #tpu.memory_space<hbm>>
    %dma_wait3A_583 = tpu.memref_squeeze %dma_wait3A_582 : memref<1x16384x128xf32, #tpu.memory_space<hbm>> -> memref<16384x128xf32, #tpu.memory_space<hbm>>
    %dma_wait3A_584 = arith.constant 0 : i32
    %dma_wait3A_585 = arith.constant 0 : i32
    %dma_wait3A_586 = tpu.memref_slice %dma_wait3A_583[%dma_wait3A_584, %dma_wait3A_585] : memref<16384x128xf32, #tpu.memory_space<hbm>> -> memref<64x128xf32, #tpu.memory_space<hbm>>
    %dma_wait3A_587 = arith.constant 0 : i32
    %dma_wait3A_588 = arith.constant 0 : i32
    %dma_wait3A_589 = tpu.memref_slice %arg4[%dma_wait3A_575, %dma_wait3A_587, %dma_wait3A_588] : memref<26x16384x128xf32, #tpu.memory_space<hbm>> -> memref<1x16384x128xf32, #tpu.memory_space<hbm>>
    %dma_wait3A_590 = tpu.memref_squeeze %dma_wait3A_589 : memref<1x16384x128xf32, #tpu.memory_space<hbm>> -> memref<16384x128xf32, #tpu.memory_space<hbm>>
    %dma_wait3A_591 = arith.constant 0 : i32
    %dma_wait3A_592 = arith.constant 0 : i32
    %dma_wait3A_593 = tpu.memref_slice %dma_wait3A_590[%dma_wait3A_591, %dma_wait3A_592] : memref<16384x128xf32, #tpu.memory_space<hbm>> -> memref<64x128xf32, #tpu.memory_space<hbm>>
    %dma_wait3A_594 = arith.constant 0 : i32
    %dma_wait3A_595 = arith.constant 0 : i32
    %dma_wait3A_596 = tpu.memref_slice %arg6[%dma_wait3A_574, %dma_wait3A_594, %dma_wait3A_595] : memref<8x64x128xf32, #tpu.memory_space<vmem>> -> memref<1x64x128xf32, #tpu.memory_space<vmem>>
    %dma_wait3A_597 = tpu.memref_squeeze %dma_wait3A_596 : memref<1x64x128xf32, #tpu.memory_space<vmem>> -> memref<64x128xf32, #tpu.memory_space<vmem>>
    tpu.wait_dma2 semaphore(%arg19 : memref<!tpu.dma_semaphore, #tpu.memory_space<semaphore_mem>>) src(%dma_wait3A_597 : memref<64x128xf32, #tpu.memory_space<vmem>>) dst(%dma_wait3A_593 : memref<64x128xf32, #tpu.memory_space<hbm>>)
    %dma_start3A_598 = arith.constant 25 : i32
    %dma_start3A_599 = arith.constant 4 : i32
    %dma_start3A_600 = arith.constant 0 : i32
    %dma_start3A_601 = arith.constant 0 : i32
    %dma_start3A_602 = tpu.memref_slice %arg6[%dma_start3A_599, %dma_start3A_600, %dma_start3A_601] : memref<8x64x128xf32, #tpu.memory_space<vmem>> -> memref<1x64x128xf32, #tpu.memory_space<vmem>>
    %dma_start3A_603 = tpu.memref_squeeze %dma_start3A_602 : memref<1x64x128xf32, #tpu.memory_space<vmem>> -> memref<64x128xf32, #tpu.memory_space<vmem>>
    %dma_start3A_604 = arith.constant 0 : i32
    %dma_start3A_605 = tpu.memref_slice %arg5[%dma_start3A_598, %dma_start3A_604] : memref<26x512xi32, #tpu.memory_space<vmem>> -> memref<1x512xi32, #tpu.memory_space<vmem>>
    %dma_start3A_606 = tpu.memref_squeeze %dma_start3A_605 : memref<1x512xi32, #tpu.memory_space<vmem>> -> memref<512xi32, #tpu.memory_space<vmem>>
    %dma_start3A_607 = arith.constant 256 : i32
    %dma_start3A_608 = tpu.memref_slice %dma_start3A_606[%dma_start3A_607] : memref<512xi32, #tpu.memory_space<vmem>> -> memref<64xi32, #tpu.memory_space<vmem>>
    %dma_start3A_609 = arith.constant 0 : i32
    %dma_start3A_610 = arith.constant 0 : i32
    %dma_start3A_611 = tpu.memref_slice %arg3[%dma_start3A_609, %dma_start3A_610] : memref<100000x128xf32, #tpu.memory_space<hbm>> -> memref<100000x128xf32, #tpu.memory_space<hbm>>
    tpu.enqueue_indirect_dma source(%dma_start3A_611 : memref<100000x128xf32, #tpu.memory_space<hbm>>) target(%dma_start3A_603 : memref<64x128xf32, #tpu.memory_space<vmem>>) offsets(%dma_start3A_608 : memref<64xi32, #tpu.memory_space<vmem>>) semaphore(%arg11 : memref<!tpu.dma_semaphore, #tpu.memory_space<semaphore_mem>>)
    %dma_wait3A_612 = arith.constant 0 : i32
    %dma_wait3A_613 = arith.constant 0 : i32
    %dma_wait3A_614 = arith.constant 0 : i32
    %dma_wait3A_615 = arith.constant 0 : i32
    %dma_wait3A_616 = tpu.memref_slice %arg6[%dma_wait3A_613, %dma_wait3A_614, %dma_wait3A_615] : memref<8x64x128xf32, #tpu.memory_space<vmem>> -> memref<1x64x128xf32, #tpu.memory_space<vmem>>
    %dma_wait3A_617 = tpu.memref_squeeze %dma_wait3A_616 : memref<1x64x128xf32, #tpu.memory_space<vmem>> -> memref<64x128xf32, #tpu.memory_space<vmem>>
    %dma_wait3A_618 = arith.constant 0 : i32
    %dma_wait3A_619 = tpu.memref_slice %arg5[%dma_wait3A_612, %dma_wait3A_618] : memref<26x512xi32, #tpu.memory_space<vmem>> -> memref<1x512xi32, #tpu.memory_space<vmem>>
    %dma_wait3A_620 = tpu.memref_squeeze %dma_wait3A_619 : memref<1x512xi32, #tpu.memory_space<vmem>> -> memref<512xi32, #tpu.memory_space<vmem>>
    %dma_wait3A_621 = arith.constant 0 : i32
    %dma_wait3A_622 = tpu.memref_slice %dma_wait3A_620[%dma_wait3A_621] : memref<512xi32, #tpu.memory_space<vmem>> -> memref<64xi32, #tpu.memory_space<vmem>>
    %dma_wait3A_623 = arith.constant 0 : i32
    %dma_wait3A_624 = arith.constant 0 : i32
    %dma_wait3A_625 = tpu.memref_slice %arg3[%dma_wait3A_623, %dma_wait3A_624] : memref<100000x128xf32, #tpu.memory_space<hbm>> -> memref<100000x128xf32, #tpu.memory_space<hbm>>
    tpu.wait_indirect_dma semaphore(%arg7 : memref<!tpu.dma_semaphore, #tpu.memory_space<semaphore_mem>>) src(%dma_wait3A_625 : memref<100000x128xf32, #tpu.memory_space<hbm>>) dst(%dma_wait3A_617 : memref<64x128xf32, #tpu.memory_space<vmem>>)
    %add3A_626 = arith.constant 0 : i32
    %add3A_627 = arith.addi %mul3A_2, %add3A_626 : i32
    %dma_start3A_628 = arith.constant 0 : i32
    %dma_start3A_629 = arith.constant 25 : i32
    %dma_start3A_630 = arith.constant 0 : i32
    %dma_start3A_631 = arith.constant 0 : i32
    %dma_start3A_632 = tpu.memref_slice %arg6[%dma_start3A_628, %dma_start3A_630, %dma_start3A_631] : memref<8x64x128xf32, #tpu.memory_space<vmem>> -> memref<1x64x128xf32, #tpu.memory_space<vmem>>
    %dma_start3A_633 = tpu.memref_squeeze %dma_start3A_632 : memref<1x64x128xf32, #tpu.memory_space<vmem>> -> memref<64x128xf32, #tpu.memory_space<vmem>>
    %dma_start3A_634 = arith.constant 0 : i32
    %dma_start3A_635 = arith.constant 0 : i32
    %dma_start3A_636 = tpu.memref_slice %arg4[%dma_start3A_629, %dma_start3A_634, %dma_start3A_635] : memref<26x16384x128xf32, #tpu.memory_space<hbm>> -> memref<1x16384x128xf32, #tpu.memory_space<hbm>>
    %dma_start3A_637 = tpu.memref_squeeze %dma_start3A_636 : memref<1x16384x128xf32, #tpu.memory_space<hbm>> -> memref<16384x128xf32, #tpu.memory_space<hbm>>
    %dma_start3A_638 = arith.constant 0 : i32
    %dma_start3A_639 = tpu.memref_slice %dma_start3A_637[%add3A_627, %dma_start3A_638] : memref<16384x128xf32, #tpu.memory_space<hbm>> -> memref<64x128xf32, #tpu.memory_space<hbm>>
    %dma_start3A_640 = arith.constant 0 : i32
    %dma_start3A_641 = arith.constant 0 : i32
    %dma_start3A_642 = tpu.memref_slice %arg4[%dma_start3A_629, %dma_start3A_640, %dma_start3A_641] : memref<26x16384x128xf32, #tpu.memory_space<hbm>> -> memref<1x16384x128xf32, #tpu.memory_space<hbm>>
    %dma_start3A_643 = tpu.memref_squeeze %dma_start3A_642 : memref<1x16384x128xf32, #tpu.memory_space<hbm>> -> memref<16384x128xf32, #tpu.memory_space<hbm>>
    %dma_start3A_644 = arith.constant 0 : i32
    %dma_start3A_645 = tpu.memref_slice %dma_start3A_643[%add3A_627, %dma_start3A_644] : memref<16384x128xf32, #tpu.memory_space<hbm>> -> memref<64x128xf32, #tpu.memory_space<hbm>>
    %dma_start3A_646 = arith.constant 0 : i32
    %dma_start3A_647 = arith.constant 0 : i32
    %dma_start3A_648 = tpu.memref_slice %arg6[%dma_start3A_628, %dma_start3A_646, %dma_start3A_647] : memref<8x64x128xf32, #tpu.memory_space<vmem>> -> memref<1x64x128xf32, #tpu.memory_space<vmem>>
    %dma_start3A_649 = tpu.memref_squeeze %dma_start3A_648 : memref<1x64x128xf32, #tpu.memory_space<vmem>> -> memref<64x128xf32, #tpu.memory_space<vmem>>
    tpu.enqueue_dma source(%dma_start3A_649 : memref<64x128xf32, #tpu.memory_space<vmem>>) target(%dma_start3A_645 : memref<64x128xf32, #tpu.memory_space<hbm>>) target_semaphore(%arg15 : memref<!tpu.dma_semaphore, #tpu.memory_space<semaphore_mem>>)
    %dma_wait3A_650 = arith.constant 5 : i32
    %dma_wait3A_651 = arith.constant 0 : i32
    %dma_wait3A_652 = arith.constant 0 : i32
    %dma_wait3A_653 = arith.constant 0 : i32
    %dma_wait3A_654 = tpu.memref_slice %arg6[%dma_wait3A_650, %dma_wait3A_652, %dma_wait3A_653] : memref<8x64x128xf32, #tpu.memory_space<vmem>> -> memref<1x64x128xf32, #tpu.memory_space<vmem>>
    %dma_wait3A_655 = tpu.memref_squeeze %dma_wait3A_654 : memref<1x64x128xf32, #tpu.memory_space<vmem>> -> memref<64x128xf32, #tpu.memory_space<vmem>>
    %dma_wait3A_656 = arith.constant 0 : i32
    %dma_wait3A_657 = arith.constant 0 : i32
    %dma_wait3A_658 = tpu.memref_slice %arg4[%dma_wait3A_651, %dma_wait3A_656, %dma_wait3A_657] : memref<26x16384x128xf32, #tpu.memory_space<hbm>> -> memref<1x16384x128xf32, #tpu.memory_space<hbm>>
    %dma_wait3A_659 = tpu.memref_squeeze %dma_wait3A_658 : memref<1x16384x128xf32, #tpu.memory_space<hbm>> -> memref<16384x128xf32, #tpu.memory_space<hbm>>
    %dma_wait3A_660 = arith.constant 0 : i32
    %dma_wait3A_661 = arith.constant 0 : i32
    %dma_wait3A_662 = tpu.memref_slice %dma_wait3A_659[%dma_wait3A_660, %dma_wait3A_661] : memref<16384x128xf32, #tpu.memory_space<hbm>> -> memref<64x128xf32, #tpu.memory_space<hbm>>
    %dma_wait3A_663 = arith.constant 0 : i32
    %dma_wait3A_664 = arith.constant 0 : i32
    %dma_wait3A_665 = tpu.memref_slice %arg4[%dma_wait3A_651, %dma_wait3A_663, %dma_wait3A_664] : memref<26x16384x128xf32, #tpu.memory_space<hbm>> -> memref<1x16384x128xf32, #tpu.memory_space<hbm>>
    %dma_wait3A_666 = tpu.memref_squeeze %dma_wait3A_665 : memref<1x16384x128xf32, #tpu.memory_space<hbm>> -> memref<16384x128xf32, #tpu.memory_space<hbm>>
    %dma_wait3A_667 = arith.constant 0 : i32
    %dma_wait3A_668 = arith.constant 0 : i32
    %dma_wait3A_669 = tpu.memref_slice %dma_wait3A_666[%dma_wait3A_667, %dma_wait3A_668] : memref<16384x128xf32, #tpu.memory_space<hbm>> -> memref<64x128xf32, #tpu.memory_space<hbm>>
    %dma_wait3A_670 = arith.constant 0 : i32
    %dma_wait3A_671 = arith.constant 0 : i32
    %dma_wait3A_672 = tpu.memref_slice %arg6[%dma_wait3A_650, %dma_wait3A_670, %dma_wait3A_671] : memref<8x64x128xf32, #tpu.memory_space<vmem>> -> memref<1x64x128xf32, #tpu.memory_space<vmem>>
    %dma_wait3A_673 = tpu.memref_squeeze %dma_wait3A_672 : memref<1x64x128xf32, #tpu.memory_space<vmem>> -> memref<64x128xf32, #tpu.memory_space<vmem>>
    tpu.wait_dma2 semaphore(%arg20 : memref<!tpu.dma_semaphore, #tpu.memory_space<semaphore_mem>>) src(%dma_wait3A_673 : memref<64x128xf32, #tpu.memory_space<vmem>>) dst(%dma_wait3A_669 : memref<64x128xf32, #tpu.memory_space<hbm>>)
    %dma_start3A_674 = arith.constant 25 : i32
    %dma_start3A_675 = arith.constant 5 : i32
    %dma_start3A_676 = arith.constant 0 : i32
    %dma_start3A_677 = arith.constant 0 : i32
    %dma_start3A_678 = tpu.memref_slice %arg6[%dma_start3A_675, %dma_start3A_676, %dma_start3A_677] : memref<8x64x128xf32, #tpu.memory_space<vmem>> -> memref<1x64x128xf32, #tpu.memory_space<vmem>>
    %dma_start3A_679 = tpu.memref_squeeze %dma_start3A_678 : memref<1x64x128xf32, #tpu.memory_space<vmem>> -> memref<64x128xf32, #tpu.memory_space<vmem>>
    %dma_start3A_680 = arith.constant 0 : i32
    %dma_start3A_681 = tpu.memref_slice %arg5[%dma_start3A_674, %dma_start3A_680] : memref<26x512xi32, #tpu.memory_space<vmem>> -> memref<1x512xi32, #tpu.memory_space<vmem>>
    %dma_start3A_682 = tpu.memref_squeeze %dma_start3A_681 : memref<1x512xi32, #tpu.memory_space<vmem>> -> memref<512xi32, #tpu.memory_space<vmem>>
    %dma_start3A_683 = arith.constant 320 : i32
    %dma_start3A_684 = tpu.memref_slice %dma_start3A_682[%dma_start3A_683] : memref<512xi32, #tpu.memory_space<vmem>> -> memref<64xi32, #tpu.memory_space<vmem>>
    %dma_start3A_685 = arith.constant 0 : i32
    %dma_start3A_686 = arith.constant 0 : i32
    %dma_start3A_687 = tpu.memref_slice %arg3[%dma_start3A_685, %dma_start3A_686] : memref<100000x128xf32, #tpu.memory_space<hbm>> -> memref<100000x128xf32, #tpu.memory_space<hbm>>
    tpu.enqueue_indirect_dma source(%dma_start3A_687 : memref<100000x128xf32, #tpu.memory_space<hbm>>) target(%dma_start3A_679 : memref<64x128xf32, #tpu.memory_space<vmem>>) offsets(%dma_start3A_684 : memref<64xi32, #tpu.memory_space<vmem>>) semaphore(%arg12 : memref<!tpu.dma_semaphore, #tpu.memory_space<semaphore_mem>>)
    %dma_wait3A_688 = arith.constant 0 : i32
    %dma_wait3A_689 = arith.constant 1 : i32
    %dma_wait3A_690 = arith.constant 0 : i32
    %dma_wait3A_691 = arith.constant 0 : i32
    %dma_wait3A_692 = tpu.memref_slice %arg6[%dma_wait3A_689, %dma_wait3A_690, %dma_wait3A_691] : memref<8x64x128xf32, #tpu.memory_space<vmem>> -> memref<1x64x128xf32, #tpu.memory_space<vmem>>
    %dma_wait3A_693 = tpu.memref_squeeze %dma_wait3A_692 : memref<1x64x128xf32, #tpu.memory_space<vmem>> -> memref<64x128xf32, #tpu.memory_space<vmem>>
    %dma_wait3A_694 = arith.constant 0 : i32
    %dma_wait3A_695 = tpu.memref_slice %arg5[%dma_wait3A_688, %dma_wait3A_694] : memref<26x512xi32, #tpu.memory_space<vmem>> -> memref<1x512xi32, #tpu.memory_space<vmem>>
    %dma_wait3A_696 = tpu.memref_squeeze %dma_wait3A_695 : memref<1x512xi32, #tpu.memory_space<vmem>> -> memref<512xi32, #tpu.memory_space<vmem>>
    %dma_wait3A_697 = arith.constant 0 : i32
    %dma_wait3A_698 = tpu.memref_slice %dma_wait3A_696[%dma_wait3A_697] : memref<512xi32, #tpu.memory_space<vmem>> -> memref<64xi32, #tpu.memory_space<vmem>>
    %dma_wait3A_699 = arith.constant 0 : i32
    %dma_wait3A_700 = arith.constant 0 : i32
    %dma_wait3A_701 = tpu.memref_slice %arg3[%dma_wait3A_699, %dma_wait3A_700] : memref<100000x128xf32, #tpu.memory_space<hbm>> -> memref<100000x128xf32, #tpu.memory_space<hbm>>
    tpu.wait_indirect_dma semaphore(%arg8 : memref<!tpu.dma_semaphore, #tpu.memory_space<semaphore_mem>>) src(%dma_wait3A_701 : memref<100000x128xf32, #tpu.memory_space<hbm>>) dst(%dma_wait3A_693 : memref<64x128xf32, #tpu.memory_space<vmem>>)
    %add3A_702 = arith.constant 64 : i32
    %add3A_703 = arith.addi %mul3A_2, %add3A_702 : i32
    %dma_start3A_704 = arith.constant 1 : i32
    %dma_start3A_705 = arith.constant 25 : i32
    %dma_start3A_706 = arith.constant 0 : i32
    %dma_start3A_707 = arith.constant 0 : i32
    %dma_start3A_708 = tpu.memref_slice %arg6[%dma_start3A_704, %dma_start3A_706, %dma_start3A_707] : memref<8x64x128xf32, #tpu.memory_space<vmem>> -> memref<1x64x128xf32, #tpu.memory_space<vmem>>
    %dma_start3A_709 = tpu.memref_squeeze %dma_start3A_708 : memref<1x64x128xf32, #tpu.memory_space<vmem>> -> memref<64x128xf32, #tpu.memory_space<vmem>>
    %dma_start3A_710 = arith.constant 0 : i32
    %dma_start3A_711 = arith.constant 0 : i32
    %dma_start3A_712 = tpu.memref_slice %arg4[%dma_start3A_705, %dma_start3A_710, %dma_start3A_711] : memref<26x16384x128xf32, #tpu.memory_space<hbm>> -> memref<1x16384x128xf32, #tpu.memory_space<hbm>>
    %dma_start3A_713 = tpu.memref_squeeze %dma_start3A_712 : memref<1x16384x128xf32, #tpu.memory_space<hbm>> -> memref<16384x128xf32, #tpu.memory_space<hbm>>
    %dma_start3A_714 = arith.constant 0 : i32
    %dma_start3A_715 = tpu.memref_slice %dma_start3A_713[%add3A_703, %dma_start3A_714] : memref<16384x128xf32, #tpu.memory_space<hbm>> -> memref<64x128xf32, #tpu.memory_space<hbm>>
    %dma_start3A_716 = arith.constant 0 : i32
    %dma_start3A_717 = arith.constant 0 : i32
    %dma_start3A_718 = tpu.memref_slice %arg4[%dma_start3A_705, %dma_start3A_716, %dma_start3A_717] : memref<26x16384x128xf32, #tpu.memory_space<hbm>> -> memref<1x16384x128xf32, #tpu.memory_space<hbm>>
    %dma_start3A_719 = tpu.memref_squeeze %dma_start3A_718 : memref<1x16384x128xf32, #tpu.memory_space<hbm>> -> memref<16384x128xf32, #tpu.memory_space<hbm>>
    %dma_start3A_720 = arith.constant 0 : i32
    %dma_start3A_721 = tpu.memref_slice %dma_start3A_719[%add3A_703, %dma_start3A_720] : memref<16384x128xf32, #tpu.memory_space<hbm>> -> memref<64x128xf32, #tpu.memory_space<hbm>>
    %dma_start3A_722 = arith.constant 0 : i32
    %dma_start3A_723 = arith.constant 0 : i32
    %dma_start3A_724 = tpu.memref_slice %arg6[%dma_start3A_704, %dma_start3A_722, %dma_start3A_723] : memref<8x64x128xf32, #tpu.memory_space<vmem>> -> memref<1x64x128xf32, #tpu.memory_space<vmem>>
    %dma_start3A_725 = tpu.memref_squeeze %dma_start3A_724 : memref<1x64x128xf32, #tpu.memory_space<vmem>> -> memref<64x128xf32, #tpu.memory_space<vmem>>
    tpu.enqueue_dma source(%dma_start3A_725 : memref<64x128xf32, #tpu.memory_space<vmem>>) target(%dma_start3A_721 : memref<64x128xf32, #tpu.memory_space<hbm>>) target_semaphore(%arg16 : memref<!tpu.dma_semaphore, #tpu.memory_space<semaphore_mem>>)
    %dma_wait3A_726 = arith.constant 6 : i32
    %dma_wait3A_727 = arith.constant 0 : i32
    %dma_wait3A_728 = arith.constant 0 : i32
    %dma_wait3A_729 = arith.constant 0 : i32
    %dma_wait3A_730 = tpu.memref_slice %arg6[%dma_wait3A_726, %dma_wait3A_728, %dma_wait3A_729] : memref<8x64x128xf32, #tpu.memory_space<vmem>> -> memref<1x64x128xf32, #tpu.memory_space<vmem>>
    %dma_wait3A_731 = tpu.memref_squeeze %dma_wait3A_730 : memref<1x64x128xf32, #tpu.memory_space<vmem>> -> memref<64x128xf32, #tpu.memory_space<vmem>>
    %dma_wait3A_732 = arith.constant 0 : i32
    %dma_wait3A_733 = arith.constant 0 : i32
    %dma_wait3A_734 = tpu.memref_slice %arg4[%dma_wait3A_727, %dma_wait3A_732, %dma_wait3A_733] : memref<26x16384x128xf32, #tpu.memory_space<hbm>> -> memref<1x16384x128xf32, #tpu.memory_space<hbm>>
    %dma_wait3A_735 = tpu.memref_squeeze %dma_wait3A_734 : memref<1x16384x128xf32, #tpu.memory_space<hbm>> -> memref<16384x128xf32, #tpu.memory_space<hbm>>
    %dma_wait3A_736 = arith.constant 0 : i32
    %dma_wait3A_737 = arith.constant 0 : i32
    %dma_wait3A_738 = tpu.memref_slice %dma_wait3A_735[%dma_wait3A_736, %dma_wait3A_737] : memref<16384x128xf32, #tpu.memory_space<hbm>> -> memref<64x128xf32, #tpu.memory_space<hbm>>
    %dma_wait3A_739 = arith.constant 0 : i32
    %dma_wait3A_740 = arith.constant 0 : i32
    %dma_wait3A_741 = tpu.memref_slice %arg4[%dma_wait3A_727, %dma_wait3A_739, %dma_wait3A_740] : memref<26x16384x128xf32, #tpu.memory_space<hbm>> -> memref<1x16384x128xf32, #tpu.memory_space<hbm>>
    %dma_wait3A_742 = tpu.memref_squeeze %dma_wait3A_741 : memref<1x16384x128xf32, #tpu.memory_space<hbm>> -> memref<16384x128xf32, #tpu.memory_space<hbm>>
    %dma_wait3A_743 = arith.constant 0 : i32
    %dma_wait3A_744 = arith.constant 0 : i32
    %dma_wait3A_745 = tpu.memref_slice %dma_wait3A_742[%dma_wait3A_743, %dma_wait3A_744] : memref<16384x128xf32, #tpu.memory_space<hbm>> -> memref<64x128xf32, #tpu.memory_space<hbm>>
    %dma_wait3A_746 = arith.constant 0 : i32
    %dma_wait3A_747 = arith.constant 0 : i32
    %dma_wait3A_748 = tpu.memref_slice %arg6[%dma_wait3A_726, %dma_wait3A_746, %dma_wait3A_747] : memref<8x64x128xf32, #tpu.memory_space<vmem>> -> memref<1x64x128xf32, #tpu.memory_space<vmem>>
    %dma_wait3A_749 = tpu.memref_squeeze %dma_wait3A_748 : memref<1x64x128xf32, #tpu.memory_space<vmem>> -> memref<64x128xf32, #tpu.memory_space<vmem>>
    tpu.wait_dma2 semaphore(%arg21 : memref<!tpu.dma_semaphore, #tpu.memory_space<semaphore_mem>>) src(%dma_wait3A_749 : memref<64x128xf32, #tpu.memory_space<vmem>>) dst(%dma_wait3A_745 : memref<64x128xf32, #tpu.memory_space<hbm>>)
    %dma_start3A_750 = arith.constant 25 : i32
    %dma_start3A_751 = arith.constant 6 : i32
    %dma_start3A_752 = arith.constant 0 : i32
    %dma_start3A_753 = arith.constant 0 : i32
    %dma_start3A_754 = tpu.memref_slice %arg6[%dma_start3A_751, %dma_start3A_752, %dma_start3A_753] : memref<8x64x128xf32, #tpu.memory_space<vmem>> -> memref<1x64x128xf32, #tpu.memory_space<vmem>>
    %dma_start3A_755 = tpu.memref_squeeze %dma_start3A_754 : memref<1x64x128xf32, #tpu.memory_space<vmem>> -> memref<64x128xf32, #tpu.memory_space<vmem>>
    %dma_start3A_756 = arith.constant 0 : i32
    %dma_start3A_757 = tpu.memref_slice %arg5[%dma_start3A_750, %dma_start3A_756] : memref<26x512xi32, #tpu.memory_space<vmem>> -> memref<1x512xi32, #tpu.memory_space<vmem>>
    %dma_start3A_758 = tpu.memref_squeeze %dma_start3A_757 : memref<1x512xi32, #tpu.memory_space<vmem>> -> memref<512xi32, #tpu.memory_space<vmem>>
    %dma_start3A_759 = arith.constant 384 : i32
    %dma_start3A_760 = tpu.memref_slice %dma_start3A_758[%dma_start3A_759] : memref<512xi32, #tpu.memory_space<vmem>> -> memref<64xi32, #tpu.memory_space<vmem>>
    %dma_start3A_761 = arith.constant 0 : i32
    %dma_start3A_762 = arith.constant 0 : i32
    %dma_start3A_763 = tpu.memref_slice %arg3[%dma_start3A_761, %dma_start3A_762] : memref<100000x128xf32, #tpu.memory_space<hbm>> -> memref<100000x128xf32, #tpu.memory_space<hbm>>
    tpu.enqueue_indirect_dma source(%dma_start3A_763 : memref<100000x128xf32, #tpu.memory_space<hbm>>) target(%dma_start3A_755 : memref<64x128xf32, #tpu.memory_space<vmem>>) offsets(%dma_start3A_760 : memref<64xi32, #tpu.memory_space<vmem>>) semaphore(%arg13 : memref<!tpu.dma_semaphore, #tpu.memory_space<semaphore_mem>>)
    %dma_wait3A_764 = arith.constant 0 : i32
    %dma_wait3A_765 = arith.constant 2 : i32
    %dma_wait3A_766 = arith.constant 0 : i32
    %dma_wait3A_767 = arith.constant 0 : i32
    %dma_wait3A_768 = tpu.memref_slice %arg6[%dma_wait3A_765, %dma_wait3A_766, %dma_wait3A_767] : memref<8x64x128xf32, #tpu.memory_space<vmem>> -> memref<1x64x128xf32, #tpu.memory_space<vmem>>
    %dma_wait3A_769 = tpu.memref_squeeze %dma_wait3A_768 : memref<1x64x128xf32, #tpu.memory_space<vmem>> -> memref<64x128xf32, #tpu.memory_space<vmem>>
    %dma_wait3A_770 = arith.constant 0 : i32
    %dma_wait3A_771 = tpu.memref_slice %arg5[%dma_wait3A_764, %dma_wait3A_770] : memref<26x512xi32, #tpu.memory_space<vmem>> -> memref<1x512xi32, #tpu.memory_space<vmem>>
    %dma_wait3A_772 = tpu.memref_squeeze %dma_wait3A_771 : memref<1x512xi32, #tpu.memory_space<vmem>> -> memref<512xi32, #tpu.memory_space<vmem>>
    %dma_wait3A_773 = arith.constant 0 : i32
    %dma_wait3A_774 = tpu.memref_slice %dma_wait3A_772[%dma_wait3A_773] : memref<512xi32, #tpu.memory_space<vmem>> -> memref<64xi32, #tpu.memory_space<vmem>>
    %dma_wait3A_775 = arith.constant 0 : i32
    %dma_wait3A_776 = arith.constant 0 : i32
    %dma_wait3A_777 = tpu.memref_slice %arg3[%dma_wait3A_775, %dma_wait3A_776] : memref<100000x128xf32, #tpu.memory_space<hbm>> -> memref<100000x128xf32, #tpu.memory_space<hbm>>
    tpu.wait_indirect_dma semaphore(%arg9 : memref<!tpu.dma_semaphore, #tpu.memory_space<semaphore_mem>>) src(%dma_wait3A_777 : memref<100000x128xf32, #tpu.memory_space<hbm>>) dst(%dma_wait3A_769 : memref<64x128xf32, #tpu.memory_space<vmem>>)
    %add3A_778 = arith.constant 128 : i32
    %add3A_779 = arith.addi %mul3A_2, %add3A_778 : i32
    %dma_start3A_780 = arith.constant 2 : i32
    %dma_start3A_781 = arith.constant 25 : i32
    %dma_start3A_782 = arith.constant 0 : i32
    %dma_start3A_783 = arith.constant 0 : i32
    %dma_start3A_784 = tpu.memref_slice %arg6[%dma_start3A_780, %dma_start3A_782, %dma_start3A_783] : memref<8x64x128xf32, #tpu.memory_space<vmem>> -> memref<1x64x128xf32, #tpu.memory_space<vmem>>
    %dma_start3A_785 = tpu.memref_squeeze %dma_start3A_784 : memref<1x64x128xf32, #tpu.memory_space<vmem>> -> memref<64x128xf32, #tpu.memory_space<vmem>>
    %dma_start3A_786 = arith.constant 0 : i32
    %dma_start3A_787 = arith.constant 0 : i32
    %dma_start3A_788 = tpu.memref_slice %arg4[%dma_start3A_781, %dma_start3A_786, %dma_start3A_787] : memref<26x16384x128xf32, #tpu.memory_space<hbm>> -> memref<1x16384x128xf32, #tpu.memory_space<hbm>>
    %dma_start3A_789 = tpu.memref_squeeze %dma_start3A_788 : memref<1x16384x128xf32, #tpu.memory_space<hbm>> -> memref<16384x128xf32, #tpu.memory_space<hbm>>
    %dma_start3A_790 = arith.constant 0 : i32
    %dma_start3A_791 = tpu.memref_slice %dma_start3A_789[%add3A_779, %dma_start3A_790] : memref<16384x128xf32, #tpu.memory_space<hbm>> -> memref<64x128xf32, #tpu.memory_space<hbm>>
    %dma_start3A_792 = arith.constant 0 : i32
    %dma_start3A_793 = arith.constant 0 : i32
    %dma_start3A_794 = tpu.memref_slice %arg4[%dma_start3A_781, %dma_start3A_792, %dma_start3A_793] : memref<26x16384x128xf32, #tpu.memory_space<hbm>> -> memref<1x16384x128xf32, #tpu.memory_space<hbm>>
    %dma_start3A_795 = tpu.memref_squeeze %dma_start3A_794 : memref<1x16384x128xf32, #tpu.memory_space<hbm>> -> memref<16384x128xf32, #tpu.memory_space<hbm>>
    %dma_start3A_796 = arith.constant 0 : i32
    %dma_start3A_797 = tpu.memref_slice %dma_start3A_795[%add3A_779, %dma_start3A_796] : memref<16384x128xf32, #tpu.memory_space<hbm>> -> memref<64x128xf32, #tpu.memory_space<hbm>>
    %dma_start3A_798 = arith.constant 0 : i32
    %dma_start3A_799 = arith.constant 0 : i32
    %dma_start3A_800 = tpu.memref_slice %arg6[%dma_start3A_780, %dma_start3A_798, %dma_start3A_799] : memref<8x64x128xf32, #tpu.memory_space<vmem>> -> memref<1x64x128xf32, #tpu.memory_space<vmem>>
    %dma_start3A_801 = tpu.memref_squeeze %dma_start3A_800 : memref<1x64x128xf32, #tpu.memory_space<vmem>> -> memref<64x128xf32, #tpu.memory_space<vmem>>
    tpu.enqueue_dma source(%dma_start3A_801 : memref<64x128xf32, #tpu.memory_space<vmem>>) target(%dma_start3A_797 : memref<64x128xf32, #tpu.memory_space<hbm>>) target_semaphore(%arg17 : memref<!tpu.dma_semaphore, #tpu.memory_space<semaphore_mem>>)
    %dma_wait3A_802 = arith.constant 7 : i32
    %dma_wait3A_803 = arith.constant 0 : i32
    %dma_wait3A_804 = arith.constant 0 : i32
    %dma_wait3A_805 = arith.constant 0 : i32
    %dma_wait3A_806 = tpu.memref_slice %arg6[%dma_wait3A_802, %dma_wait3A_804, %dma_wait3A_805] : memref<8x64x128xf32, #tpu.memory_space<vmem>> -> memref<1x64x128xf32, #tpu.memory_space<vmem>>
    %dma_wait3A_807 = tpu.memref_squeeze %dma_wait3A_806 : memref<1x64x128xf32, #tpu.memory_space<vmem>> -> memref<64x128xf32, #tpu.memory_space<vmem>>
    %dma_wait3A_808 = arith.constant 0 : i32
    %dma_wait3A_809 = arith.constant 0 : i32
    %dma_wait3A_810 = tpu.memref_slice %arg4[%dma_wait3A_803, %dma_wait3A_808, %dma_wait3A_809] : memref<26x16384x128xf32, #tpu.memory_space<hbm>> -> memref<1x16384x128xf32, #tpu.memory_space<hbm>>
    %dma_wait3A_811 = tpu.memref_squeeze %dma_wait3A_810 : memref<1x16384x128xf32, #tpu.memory_space<hbm>> -> memref<16384x128xf32, #tpu.memory_space<hbm>>
    %dma_wait3A_812 = arith.constant 0 : i32
    %dma_wait3A_813 = arith.constant 0 : i32
    %dma_wait3A_814 = tpu.memref_slice %dma_wait3A_811[%dma_wait3A_812, %dma_wait3A_813] : memref<16384x128xf32, #tpu.memory_space<hbm>> -> memref<64x128xf32, #tpu.memory_space<hbm>>
    %dma_wait3A_815 = arith.constant 0 : i32
    %dma_wait3A_816 = arith.constant 0 : i32
    %dma_wait3A_817 = tpu.memref_slice %arg4[%dma_wait3A_803, %dma_wait3A_815, %dma_wait3A_816] : memref<26x16384x128xf32, #tpu.memory_space<hbm>> -> memref<1x16384x128xf32, #tpu.memory_space<hbm>>
    %dma_wait3A_818 = tpu.memref_squeeze %dma_wait3A_817 : memref<1x16384x128xf32, #tpu.memory_space<hbm>> -> memref<16384x128xf32, #tpu.memory_space<hbm>>
    %dma_wait3A_819 = arith.constant 0 : i32
    %dma_wait3A_820 = arith.constant 0 : i32
    %dma_wait3A_821 = tpu.memref_slice %dma_wait3A_818[%dma_wait3A_819, %dma_wait3A_820] : memref<16384x128xf32, #tpu.memory_space<hbm>> -> memref<64x128xf32, #tpu.memory_space<hbm>>
    %dma_wait3A_822 = arith.constant 0 : i32
    %dma_wait3A_823 = arith.constant 0 : i32
    %dma_wait3A_824 = tpu.memref_slice %arg6[%dma_wait3A_802, %dma_wait3A_822, %dma_wait3A_823] : memref<8x64x128xf32, #tpu.memory_space<vmem>> -> memref<1x64x128xf32, #tpu.memory_space<vmem>>
    %dma_wait3A_825 = tpu.memref_squeeze %dma_wait3A_824 : memref<1x64x128xf32, #tpu.memory_space<vmem>> -> memref<64x128xf32, #tpu.memory_space<vmem>>
    tpu.wait_dma2 semaphore(%arg22 : memref<!tpu.dma_semaphore, #tpu.memory_space<semaphore_mem>>) src(%dma_wait3A_825 : memref<64x128xf32, #tpu.memory_space<vmem>>) dst(%dma_wait3A_821 : memref<64x128xf32, #tpu.memory_space<hbm>>)
    %dma_start3A_826 = arith.constant 25 : i32
    %dma_start3A_827 = arith.constant 7 : i32
    %dma_start3A_828 = arith.constant 0 : i32
    %dma_start3A_829 = arith.constant 0 : i32
    %dma_start3A_830 = tpu.memref_slice %arg6[%dma_start3A_827, %dma_start3A_828, %dma_start3A_829] : memref<8x64x128xf32, #tpu.memory_space<vmem>> -> memref<1x64x128xf32, #tpu.memory_space<vmem>>
    %dma_start3A_831 = tpu.memref_squeeze %dma_start3A_830 : memref<1x64x128xf32, #tpu.memory_space<vmem>> -> memref<64x128xf32, #tpu.memory_space<vmem>>
    %dma_start3A_832 = arith.constant 0 : i32
    %dma_start3A_833 = tpu.memref_slice %arg5[%dma_start3A_826, %dma_start3A_832] : memref<26x512xi32, #tpu.memory_space<vmem>> -> memref<1x512xi32, #tpu.memory_space<vmem>>
    %dma_start3A_834 = tpu.memref_squeeze %dma_start3A_833 : memref<1x512xi32, #tpu.memory_space<vmem>> -> memref<512xi32, #tpu.memory_space<vmem>>
    %dma_start3A_835 = arith.constant 448 : i32
    %dma_start3A_836 = tpu.memref_slice %dma_start3A_834[%dma_start3A_835] : memref<512xi32, #tpu.memory_space<vmem>> -> memref<64xi32, #tpu.memory_space<vmem>>
    %dma_start3A_837 = arith.constant 0 : i32
    %dma_start3A_838 = arith.constant 0 : i32
    %dma_start3A_839 = tpu.memref_slice %arg3[%dma_start3A_837, %dma_start3A_838] : memref<100000x128xf32, #tpu.memory_space<hbm>> -> memref<100000x128xf32, #tpu.memory_space<hbm>>
    tpu.enqueue_indirect_dma source(%dma_start3A_839 : memref<100000x128xf32, #tpu.memory_space<hbm>>) target(%dma_start3A_831 : memref<64x128xf32, #tpu.memory_space<vmem>>) offsets(%dma_start3A_836 : memref<64xi32, #tpu.memory_space<vmem>>) semaphore(%arg14 : memref<!tpu.dma_semaphore, #tpu.memory_space<semaphore_mem>>)
    %dma_wait3A_840 = arith.constant 0 : i32
    %dma_wait3A_841 = arith.constant 3 : i32
    %dma_wait3A_842 = arith.constant 0 : i32
    %dma_wait3A_843 = arith.constant 0 : i32
    %dma_wait3A_844 = tpu.memref_slice %arg6[%dma_wait3A_841, %dma_wait3A_842, %dma_wait3A_843] : memref<8x64x128xf32, #tpu.memory_space<vmem>> -> memref<1x64x128xf32, #tpu.memory_space<vmem>>
    %dma_wait3A_845 = tpu.memref_squeeze %dma_wait3A_844 : memref<1x64x128xf32, #tpu.memory_space<vmem>> -> memref<64x128xf32, #tpu.memory_space<vmem>>
    %dma_wait3A_846 = arith.constant 0 : i32
    %dma_wait3A_847 = tpu.memref_slice %arg5[%dma_wait3A_840, %dma_wait3A_846] : memref<26x512xi32, #tpu.memory_space<vmem>> -> memref<1x512xi32, #tpu.memory_space<vmem>>
    %dma_wait3A_848 = tpu.memref_squeeze %dma_wait3A_847 : memref<1x512xi32, #tpu.memory_space<vmem>> -> memref<512xi32, #tpu.memory_space<vmem>>
    %dma_wait3A_849 = arith.constant 0 : i32
    %dma_wait3A_850 = tpu.memref_slice %dma_wait3A_848[%dma_wait3A_849] : memref<512xi32, #tpu.memory_space<vmem>> -> memref<64xi32, #tpu.memory_space<vmem>>
    %dma_wait3A_851 = arith.constant 0 : i32
    %dma_wait3A_852 = arith.constant 0 : i32
    %dma_wait3A_853 = tpu.memref_slice %arg3[%dma_wait3A_851, %dma_wait3A_852] : memref<100000x128xf32, #tpu.memory_space<hbm>> -> memref<100000x128xf32, #tpu.memory_space<hbm>>
    tpu.wait_indirect_dma semaphore(%arg10 : memref<!tpu.dma_semaphore, #tpu.memory_space<semaphore_mem>>) src(%dma_wait3A_853 : memref<100000x128xf32, #tpu.memory_space<hbm>>) dst(%dma_wait3A_845 : memref<64x128xf32, #tpu.memory_space<vmem>>)
    %add3A_854 = arith.constant 192 : i32
    %add3A_855 = arith.addi %mul3A_2, %add3A_854 : i32
    %dma_start3A_856 = arith.constant 3 : i32
    %dma_start3A_857 = arith.constant 25 : i32
    %dma_start3A_858 = arith.constant 0 : i32
    %dma_start3A_859 = arith.constant 0 : i32
    %dma_start3A_860 = tpu.memref_slice %arg6[%dma_start3A_856, %dma_start3A_858, %dma_start3A_859] : memref<8x64x128xf32, #tpu.memory_space<vmem>> -> memref<1x64x128xf32, #tpu.memory_space<vmem>>
    %dma_start3A_861 = tpu.memref_squeeze %dma_start3A_860 : memref<1x64x128xf32, #tpu.memory_space<vmem>> -> memref<64x128xf32, #tpu.memory_space<vmem>>
    %dma_start3A_862 = arith.constant 0 : i32
    %dma_start3A_863 = arith.constant 0 : i32
    %dma_start3A_864 = tpu.memref_slice %arg4[%dma_start3A_857, %dma_start3A_862, %dma_start3A_863] : memref<26x16384x128xf32, #tpu.memory_space<hbm>> -> memref<1x16384x128xf32, #tpu.memory_space<hbm>>
    %dma_start3A_865 = tpu.memref_squeeze %dma_start3A_864 : memref<1x16384x128xf32, #tpu.memory_space<hbm>> -> memref<16384x128xf32, #tpu.memory_space<hbm>>
    %dma_start3A_866 = arith.constant 0 : i32
    %dma_start3A_867 = tpu.memref_slice %dma_start3A_865[%add3A_855, %dma_start3A_866] : memref<16384x128xf32, #tpu.memory_space<hbm>> -> memref<64x128xf32, #tpu.memory_space<hbm>>
    %dma_start3A_868 = arith.constant 0 : i32
    %dma_start3A_869 = arith.constant 0 : i32
    %dma_start3A_870 = tpu.memref_slice %arg4[%dma_start3A_857, %dma_start3A_868, %dma_start3A_869] : memref<26x16384x128xf32, #tpu.memory_space<hbm>> -> memref<1x16384x128xf32, #tpu.memory_space<hbm>>
    %dma_start3A_871 = tpu.memref_squeeze %dma_start3A_870 : memref<1x16384x128xf32, #tpu.memory_space<hbm>> -> memref<16384x128xf32, #tpu.memory_space<hbm>>
    %dma_start3A_872 = arith.constant 0 : i32
    %dma_start3A_873 = tpu.memref_slice %dma_start3A_871[%add3A_855, %dma_start3A_872] : memref<16384x128xf32, #tpu.memory_space<hbm>> -> memref<64x128xf32, #tpu.memory_space<hbm>>
    %dma_start3A_874 = arith.constant 0 : i32
    %dma_start3A_875 = arith.constant 0 : i32
    %dma_start3A_876 = tpu.memref_slice %arg6[%dma_start3A_856, %dma_start3A_874, %dma_start3A_875] : memref<8x64x128xf32, #tpu.memory_space<vmem>> -> memref<1x64x128xf32, #tpu.memory_space<vmem>>
    %dma_start3A_877 = tpu.memref_squeeze %dma_start3A_876 : memref<1x64x128xf32, #tpu.memory_space<vmem>> -> memref<64x128xf32, #tpu.memory_space<vmem>>
    tpu.enqueue_dma source(%dma_start3A_877 : memref<64x128xf32, #tpu.memory_space<vmem>>) target(%dma_start3A_873 : memref<64x128xf32, #tpu.memory_space<hbm>>) target_semaphore(%arg18 : memref<!tpu.dma_semaphore, #tpu.memory_space<semaphore_mem>>)
    %dma_wait3A_878 = arith.constant 0 : i32
    %dma_wait3A_879 = arith.constant 0 : i32
    %dma_wait3A_880 = arith.constant 0 : i32
    %dma_wait3A_881 = arith.constant 0 : i32
    %dma_wait3A_882 = tpu.memref_slice %arg6[%dma_wait3A_878, %dma_wait3A_880, %dma_wait3A_881] : memref<8x64x128xf32, #tpu.memory_space<vmem>> -> memref<1x64x128xf32, #tpu.memory_space<vmem>>
    %dma_wait3A_883 = tpu.memref_squeeze %dma_wait3A_882 : memref<1x64x128xf32, #tpu.memory_space<vmem>> -> memref<64x128xf32, #tpu.memory_space<vmem>>
    %dma_wait3A_884 = arith.constant 0 : i32
    %dma_wait3A_885 = arith.constant 0 : i32
    %dma_wait3A_886 = tpu.memref_slice %arg4[%dma_wait3A_879, %dma_wait3A_884, %dma_wait3A_885] : memref<26x16384x128xf32, #tpu.memory_space<hbm>> -> memref<1x16384x128xf32, #tpu.memory_space<hbm>>
    %dma_wait3A_887 = tpu.memref_squeeze %dma_wait3A_886 : memref<1x16384x128xf32, #tpu.memory_space<hbm>> -> memref<16384x128xf32, #tpu.memory_space<hbm>>
    %dma_wait3A_888 = arith.constant 0 : i32
    %dma_wait3A_889 = arith.constant 0 : i32
    %dma_wait3A_890 = tpu.memref_slice %dma_wait3A_887[%dma_wait3A_888, %dma_wait3A_889] : memref<16384x128xf32, #tpu.memory_space<hbm>> -> memref<64x128xf32, #tpu.memory_space<hbm>>
    %dma_wait3A_891 = arith.constant 0 : i32
    %dma_wait3A_892 = arith.constant 0 : i32
    %dma_wait3A_893 = tpu.memref_slice %arg4[%dma_wait3A_879, %dma_wait3A_891, %dma_wait3A_892] : memref<26x16384x128xf32, #tpu.memory_space<hbm>> -> memref<1x16384x128xf32, #tpu.memory_space<hbm>>
    %dma_wait3A_894 = tpu.memref_squeeze %dma_wait3A_893 : memref<1x16384x128xf32, #tpu.memory_space<hbm>> -> memref<16384x128xf32, #tpu.memory_space<hbm>>
    %dma_wait3A_895 = arith.constant 0 : i32
    %dma_wait3A_896 = arith.constant 0 : i32
    %dma_wait3A_897 = tpu.memref_slice %dma_wait3A_894[%dma_wait3A_895, %dma_wait3A_896] : memref<16384x128xf32, #tpu.memory_space<hbm>> -> memref<64x128xf32, #tpu.memory_space<hbm>>
    %dma_wait3A_898 = arith.constant 0 : i32
    %dma_wait3A_899 = arith.constant 0 : i32
    %dma_wait3A_900 = tpu.memref_slice %arg6[%dma_wait3A_878, %dma_wait3A_898, %dma_wait3A_899] : memref<8x64x128xf32, #tpu.memory_space<vmem>> -> memref<1x64x128xf32, #tpu.memory_space<vmem>>
    %dma_wait3A_901 = tpu.memref_squeeze %dma_wait3A_900 : memref<1x64x128xf32, #tpu.memory_space<vmem>> -> memref<64x128xf32, #tpu.memory_space<vmem>>
    tpu.wait_dma2 semaphore(%arg15 : memref<!tpu.dma_semaphore, #tpu.memory_space<semaphore_mem>>) src(%dma_wait3A_901 : memref<64x128xf32, #tpu.memory_space<vmem>>) dst(%dma_wait3A_897 : memref<64x128xf32, #tpu.memory_space<hbm>>)
    %dma_wait3A_902 = arith.constant 0 : i32
    %dma_wait3A_903 = arith.constant 4 : i32
    %dma_wait3A_904 = arith.constant 0 : i32
    %dma_wait3A_905 = arith.constant 0 : i32
    %dma_wait3A_906 = tpu.memref_slice %arg6[%dma_wait3A_903, %dma_wait3A_904, %dma_wait3A_905] : memref<8x64x128xf32, #tpu.memory_space<vmem>> -> memref<1x64x128xf32, #tpu.memory_space<vmem>>
    %dma_wait3A_907 = tpu.memref_squeeze %dma_wait3A_906 : memref<1x64x128xf32, #tpu.memory_space<vmem>> -> memref<64x128xf32, #tpu.memory_space<vmem>>
    %dma_wait3A_908 = arith.constant 0 : i32
    %dma_wait3A_909 = tpu.memref_slice %arg5[%dma_wait3A_902, %dma_wait3A_908] : memref<26x512xi32, #tpu.memory_space<vmem>> -> memref<1x512xi32, #tpu.memory_space<vmem>>
    %dma_wait3A_910 = tpu.memref_squeeze %dma_wait3A_909 : memref<1x512xi32, #tpu.memory_space<vmem>> -> memref<512xi32, #tpu.memory_space<vmem>>
    %dma_wait3A_911 = arith.constant 0 : i32
    %dma_wait3A_912 = tpu.memref_slice %dma_wait3A_910[%dma_wait3A_911] : memref<512xi32, #tpu.memory_space<vmem>> -> memref<64xi32, #tpu.memory_space<vmem>>
    %dma_wait3A_913 = arith.constant 0 : i32
    %dma_wait3A_914 = arith.constant 0 : i32
    %dma_wait3A_915 = tpu.memref_slice %arg3[%dma_wait3A_913, %dma_wait3A_914] : memref<100000x128xf32, #tpu.memory_space<hbm>> -> memref<100000x128xf32, #tpu.memory_space<hbm>>
    tpu.wait_indirect_dma semaphore(%arg11 : memref<!tpu.dma_semaphore, #tpu.memory_space<semaphore_mem>>) src(%dma_wait3A_915 : memref<100000x128xf32, #tpu.memory_space<hbm>>) dst(%dma_wait3A_907 : memref<64x128xf32, #tpu.memory_space<vmem>>)
    %add3A_916 = arith.constant 256 : i32
    %add3A_917 = arith.addi %mul3A_2, %add3A_916 : i32
    %dma_start3A_918 = arith.constant 4 : i32
    %dma_start3A_919 = arith.constant 25 : i32
    %dma_start3A_920 = arith.constant 0 : i32
    %dma_start3A_921 = arith.constant 0 : i32
    %dma_start3A_922 = tpu.memref_slice %arg6[%dma_start3A_918, %dma_start3A_920, %dma_start3A_921] : memref<8x64x128xf32, #tpu.memory_space<vmem>> -> memref<1x64x128xf32, #tpu.memory_space<vmem>>
    %dma_start3A_923 = tpu.memref_squeeze %dma_start3A_922 : memref<1x64x128xf32, #tpu.memory_space<vmem>> -> memref<64x128xf32, #tpu.memory_space<vmem>>
    %dma_start3A_924 = arith.constant 0 : i32
    %dma_start3A_925 = arith.constant 0 : i32
    %dma_start3A_926 = tpu.memref_slice %arg4[%dma_start3A_919, %dma_start3A_924, %dma_start3A_925] : memref<26x16384x128xf32, #tpu.memory_space<hbm>> -> memref<1x16384x128xf32, #tpu.memory_space<hbm>>
    %dma_start3A_927 = tpu.memref_squeeze %dma_start3A_926 : memref<1x16384x128xf32, #tpu.memory_space<hbm>> -> memref<16384x128xf32, #tpu.memory_space<hbm>>
    %dma_start3A_928 = arith.constant 0 : i32
    %dma_start3A_929 = tpu.memref_slice %dma_start3A_927[%add3A_917, %dma_start3A_928] : memref<16384x128xf32, #tpu.memory_space<hbm>> -> memref<64x128xf32, #tpu.memory_space<hbm>>
    %dma_start3A_930 = arith.constant 0 : i32
    %dma_start3A_931 = arith.constant 0 : i32
    %dma_start3A_932 = tpu.memref_slice %arg4[%dma_start3A_919, %dma_start3A_930, %dma_start3A_931] : memref<26x16384x128xf32, #tpu.memory_space<hbm>> -> memref<1x16384x128xf32, #tpu.memory_space<hbm>>
    %dma_start3A_933 = tpu.memref_squeeze %dma_start3A_932 : memref<1x16384x128xf32, #tpu.memory_space<hbm>> -> memref<16384x128xf32, #tpu.memory_space<hbm>>
    %dma_start3A_934 = arith.constant 0 : i32
    %dma_start3A_935 = tpu.memref_slice %dma_start3A_933[%add3A_917, %dma_start3A_934] : memref<16384x128xf32, #tpu.memory_space<hbm>> -> memref<64x128xf32, #tpu.memory_space<hbm>>
    %dma_start3A_936 = arith.constant 0 : i32
    %dma_start3A_937 = arith.constant 0 : i32
    %dma_start3A_938 = tpu.memref_slice %arg6[%dma_start3A_918, %dma_start3A_936, %dma_start3A_937] : memref<8x64x128xf32, #tpu.memory_space<vmem>> -> memref<1x64x128xf32, #tpu.memory_space<vmem>>
    %dma_start3A_939 = tpu.memref_squeeze %dma_start3A_938 : memref<1x64x128xf32, #tpu.memory_space<vmem>> -> memref<64x128xf32, #tpu.memory_space<vmem>>
    tpu.enqueue_dma source(%dma_start3A_939 : memref<64x128xf32, #tpu.memory_space<vmem>>) target(%dma_start3A_935 : memref<64x128xf32, #tpu.memory_space<hbm>>) target_semaphore(%arg19 : memref<!tpu.dma_semaphore, #tpu.memory_space<semaphore_mem>>)
    %dma_wait3A_940 = arith.constant 1 : i32
    %dma_wait3A_941 = arith.constant 0 : i32
    %dma_wait3A_942 = arith.constant 0 : i32
    %dma_wait3A_943 = arith.constant 0 : i32
    %dma_wait3A_944 = tpu.memref_slice %arg6[%dma_wait3A_940, %dma_wait3A_942, %dma_wait3A_943] : memref<8x64x128xf32, #tpu.memory_space<vmem>> -> memref<1x64x128xf32, #tpu.memory_space<vmem>>
    %dma_wait3A_945 = tpu.memref_squeeze %dma_wait3A_944 : memref<1x64x128xf32, #tpu.memory_space<vmem>> -> memref<64x128xf32, #tpu.memory_space<vmem>>
    %dma_wait3A_946 = arith.constant 0 : i32
    %dma_wait3A_947 = arith.constant 0 : i32
    %dma_wait3A_948 = tpu.memref_slice %arg4[%dma_wait3A_941, %dma_wait3A_946, %dma_wait3A_947] : memref<26x16384x128xf32, #tpu.memory_space<hbm>> -> memref<1x16384x128xf32, #tpu.memory_space<hbm>>
    %dma_wait3A_949 = tpu.memref_squeeze %dma_wait3A_948 : memref<1x16384x128xf32, #tpu.memory_space<hbm>> -> memref<16384x128xf32, #tpu.memory_space<hbm>>
    %dma_wait3A_950 = arith.constant 0 : i32
    %dma_wait3A_951 = arith.constant 0 : i32
    %dma_wait3A_952 = tpu.memref_slice %dma_wait3A_949[%dma_wait3A_950, %dma_wait3A_951] : memref<16384x128xf32, #tpu.memory_space<hbm>> -> memref<64x128xf32, #tpu.memory_space<hbm>>
    %dma_wait3A_953 = arith.constant 0 : i32
    %dma_wait3A_954 = arith.constant 0 : i32
    %dma_wait3A_955 = tpu.memref_slice %arg4[%dma_wait3A_941, %dma_wait3A_953, %dma_wait3A_954] : memref<26x16384x128xf32, #tpu.memory_space<hbm>> -> memref<1x16384x128xf32, #tpu.memory_space<hbm>>
    %dma_wait3A_956 = tpu.memref_squeeze %dma_wait3A_955 : memref<1x16384x128xf32, #tpu.memory_space<hbm>> -> memref<16384x128xf32, #tpu.memory_space<hbm>>
    %dma_wait3A_957 = arith.constant 0 : i32
    %dma_wait3A_958 = arith.constant 0 : i32
    %dma_wait3A_959 = tpu.memref_slice %dma_wait3A_956[%dma_wait3A_957, %dma_wait3A_958] : memref<16384x128xf32, #tpu.memory_space<hbm>> -> memref<64x128xf32, #tpu.memory_space<hbm>>
    %dma_wait3A_960 = arith.constant 0 : i32
    %dma_wait3A_961 = arith.constant 0 : i32
    %dma_wait3A_962 = tpu.memref_slice %arg6[%dma_wait3A_940, %dma_wait3A_960, %dma_wait3A_961] : memref<8x64x128xf32, #tpu.memory_space<vmem>> -> memref<1x64x128xf32, #tpu.memory_space<vmem>>
    %dma_wait3A_963 = tpu.memref_squeeze %dma_wait3A_962 : memref<1x64x128xf32, #tpu.memory_space<vmem>> -> memref<64x128xf32, #tpu.memory_space<vmem>>
    tpu.wait_dma2 semaphore(%arg16 : memref<!tpu.dma_semaphore, #tpu.memory_space<semaphore_mem>>) src(%dma_wait3A_963 : memref<64x128xf32, #tpu.memory_space<vmem>>) dst(%dma_wait3A_959 : memref<64x128xf32, #tpu.memory_space<hbm>>)
    %dma_wait3A_964 = arith.constant 0 : i32
    %dma_wait3A_965 = arith.constant 5 : i32
    %dma_wait3A_966 = arith.constant 0 : i32
    %dma_wait3A_967 = arith.constant 0 : i32
    %dma_wait3A_968 = tpu.memref_slice %arg6[%dma_wait3A_965, %dma_wait3A_966, %dma_wait3A_967] : memref<8x64x128xf32, #tpu.memory_space<vmem>> -> memref<1x64x128xf32, #tpu.memory_space<vmem>>
    %dma_wait3A_969 = tpu.memref_squeeze %dma_wait3A_968 : memref<1x64x128xf32, #tpu.memory_space<vmem>> -> memref<64x128xf32, #tpu.memory_space<vmem>>
    %dma_wait3A_970 = arith.constant 0 : i32
    %dma_wait3A_971 = tpu.memref_slice %arg5[%dma_wait3A_964, %dma_wait3A_970] : memref<26x512xi32, #tpu.memory_space<vmem>> -> memref<1x512xi32, #tpu.memory_space<vmem>>
    %dma_wait3A_972 = tpu.memref_squeeze %dma_wait3A_971 : memref<1x512xi32, #tpu.memory_space<vmem>> -> memref<512xi32, #tpu.memory_space<vmem>>
    %dma_wait3A_973 = arith.constant 0 : i32
    %dma_wait3A_974 = tpu.memref_slice %dma_wait3A_972[%dma_wait3A_973] : memref<512xi32, #tpu.memory_space<vmem>> -> memref<64xi32, #tpu.memory_space<vmem>>
    %dma_wait3A_975 = arith.constant 0 : i32
    %dma_wait3A_976 = arith.constant 0 : i32
    %dma_wait3A_977 = tpu.memref_slice %arg3[%dma_wait3A_975, %dma_wait3A_976] : memref<100000x128xf32, #tpu.memory_space<hbm>> -> memref<100000x128xf32, #tpu.memory_space<hbm>>
    tpu.wait_indirect_dma semaphore(%arg12 : memref<!tpu.dma_semaphore, #tpu.memory_space<semaphore_mem>>) src(%dma_wait3A_977 : memref<100000x128xf32, #tpu.memory_space<hbm>>) dst(%dma_wait3A_969 : memref<64x128xf32, #tpu.memory_space<vmem>>)
    %add3A_978 = arith.constant 320 : i32
    %add3A_979 = arith.addi %mul3A_2, %add3A_978 : i32
    %dma_start3A_980 = arith.constant 5 : i32
    %dma_start3A_981 = arith.constant 25 : i32
    %dma_start3A_982 = arith.constant 0 : i32
    %dma_start3A_983 = arith.constant 0 : i32
    %dma_start3A_984 = tpu.memref_slice %arg6[%dma_start3A_980, %dma_start3A_982, %dma_start3A_983] : memref<8x64x128xf32, #tpu.memory_space<vmem>> -> memref<1x64x128xf32, #tpu.memory_space<vmem>>
    %dma_start3A_985 = tpu.memref_squeeze %dma_start3A_984 : memref<1x64x128xf32, #tpu.memory_space<vmem>> -> memref<64x128xf32, #tpu.memory_space<vmem>>
    %dma_start3A_986 = arith.constant 0 : i32
    %dma_start3A_987 = arith.constant 0 : i32
    %dma_start3A_988 = tpu.memref_slice %arg4[%dma_start3A_981, %dma_start3A_986, %dma_start3A_987] : memref<26x16384x128xf32, #tpu.memory_space<hbm>> -> memref<1x16384x128xf32, #tpu.memory_space<hbm>>
    %dma_start3A_989 = tpu.memref_squeeze %dma_start3A_988 : memref<1x16384x128xf32, #tpu.memory_space<hbm>> -> memref<16384x128xf32, #tpu.memory_space<hbm>>
    %dma_start3A_990 = arith.constant 0 : i32
    %dma_start3A_991 = tpu.memref_slice %dma_start3A_989[%add3A_979, %dma_start3A_990] : memref<16384x128xf32, #tpu.memory_space<hbm>> -> memref<64x128xf32, #tpu.memory_space<hbm>>
    %dma_start3A_992 = arith.constant 0 : i32
    %dma_start3A_993 = arith.constant 0 : i32
    %dma_start3A_994 = tpu.memref_slice %arg4[%dma_start3A_981, %dma_start3A_992, %dma_start3A_993] : memref<26x16384x128xf32, #tpu.memory_space<hbm>> -> memref<1x16384x128xf32, #tpu.memory_space<hbm>>
    %dma_start3A_995 = tpu.memref_squeeze %dma_start3A_994 : memref<1x16384x128xf32, #tpu.memory_space<hbm>> -> memref<16384x128xf32, #tpu.memory_space<hbm>>
    %dma_start3A_996 = arith.constant 0 : i32
    %dma_start3A_997 = tpu.memref_slice %dma_start3A_995[%add3A_979, %dma_start3A_996] : memref<16384x128xf32, #tpu.memory_space<hbm>> -> memref<64x128xf32, #tpu.memory_space<hbm>>
    %dma_start3A_998 = arith.constant 0 : i32
    %dma_start3A_999 = arith.constant 0 : i32
    %dma_start3A_1000 = tpu.memref_slice %arg6[%dma_start3A_980, %dma_start3A_998, %dma_start3A_999] : memref<8x64x128xf32, #tpu.memory_space<vmem>> -> memref<1x64x128xf32, #tpu.memory_space<vmem>>
    %dma_start3A_1001 = tpu.memref_squeeze %dma_start3A_1000 : memref<1x64x128xf32, #tpu.memory_space<vmem>> -> memref<64x128xf32, #tpu.memory_space<vmem>>
    tpu.enqueue_dma source(%dma_start3A_1001 : memref<64x128xf32, #tpu.memory_space<vmem>>) target(%dma_start3A_997 : memref<64x128xf32, #tpu.memory_space<hbm>>) target_semaphore(%arg20 : memref<!tpu.dma_semaphore, #tpu.memory_space<semaphore_mem>>)
    %dma_wait3A_1002 = arith.constant 2 : i32
    %dma_wait3A_1003 = arith.constant 0 : i32
    %dma_wait3A_1004 = arith.constant 0 : i32
    %dma_wait3A_1005 = arith.constant 0 : i32
    %dma_wait3A_1006 = tpu.memref_slice %arg6[%dma_wait3A_1002, %dma_wait3A_1004, %dma_wait3A_1005] : memref<8x64x128xf32, #tpu.memory_space<vmem>> -> memref<1x64x128xf32, #tpu.memory_space<vmem>>
    %dma_wait3A_1007 = tpu.memref_squeeze %dma_wait3A_1006 : memref<1x64x128xf32, #tpu.memory_space<vmem>> -> memref<64x128xf32, #tpu.memory_space<vmem>>
    %dma_wait3A_1008 = arith.constant 0 : i32
    %dma_wait3A_1009 = arith.constant 0 : i32
    %dma_wait3A_1010 = tpu.memref_slice %arg4[%dma_wait3A_1003, %dma_wait3A_1008, %dma_wait3A_1009] : memref<26x16384x128xf32, #tpu.memory_space<hbm>> -> memref<1x16384x128xf32, #tpu.memory_space<hbm>>
    %dma_wait3A_1011 = tpu.memref_squeeze %dma_wait3A_1010 : memref<1x16384x128xf32, #tpu.memory_space<hbm>> -> memref<16384x128xf32, #tpu.memory_space<hbm>>
    %dma_wait3A_1012 = arith.constant 0 : i32
    %dma_wait3A_1013 = arith.constant 0 : i32
    %dma_wait3A_1014 = tpu.memref_slice %dma_wait3A_1011[%dma_wait3A_1012, %dma_wait3A_1013] : memref<16384x128xf32, #tpu.memory_space<hbm>> -> memref<64x128xf32, #tpu.memory_space<hbm>>
    %dma_wait3A_1015 = arith.constant 0 : i32
    %dma_wait3A_1016 = arith.constant 0 : i32
    %dma_wait3A_1017 = tpu.memref_slice %arg4[%dma_wait3A_1003, %dma_wait3A_1015, %dma_wait3A_1016] : memref<26x16384x128xf32, #tpu.memory_space<hbm>> -> memref<1x16384x128xf32, #tpu.memory_space<hbm>>
    %dma_wait3A_1018 = tpu.memref_squeeze %dma_wait3A_1017 : memref<1x16384x128xf32, #tpu.memory_space<hbm>> -> memref<16384x128xf32, #tpu.memory_space<hbm>>
    %dma_wait3A_1019 = arith.constant 0 : i32
    %dma_wait3A_1020 = arith.constant 0 : i32
    %dma_wait3A_1021 = tpu.memref_slice %dma_wait3A_1018[%dma_wait3A_1019, %dma_wait3A_1020] : memref<16384x128xf32, #tpu.memory_space<hbm>> -> memref<64x128xf32, #tpu.memory_space<hbm>>
    %dma_wait3A_1022 = arith.constant 0 : i32
    %dma_wait3A_1023 = arith.constant 0 : i32
    %dma_wait3A_1024 = tpu.memref_slice %arg6[%dma_wait3A_1002, %dma_wait3A_1022, %dma_wait3A_1023] : memref<8x64x128xf32, #tpu.memory_space<vmem>> -> memref<1x64x128xf32, #tpu.memory_space<vmem>>
    %dma_wait3A_1025 = tpu.memref_squeeze %dma_wait3A_1024 : memref<1x64x128xf32, #tpu.memory_space<vmem>> -> memref<64x128xf32, #tpu.memory_space<vmem>>
    tpu.wait_dma2 semaphore(%arg17 : memref<!tpu.dma_semaphore, #tpu.memory_space<semaphore_mem>>) src(%dma_wait3A_1025 : memref<64x128xf32, #tpu.memory_space<vmem>>) dst(%dma_wait3A_1021 : memref<64x128xf32, #tpu.memory_space<hbm>>)
    %dma_wait3A_1026 = arith.constant 0 : i32
    %dma_wait3A_1027 = arith.constant 6 : i32
    %dma_wait3A_1028 = arith.constant 0 : i32
    %dma_wait3A_1029 = arith.constant 0 : i32
    %dma_wait3A_1030 = tpu.memref_slice %arg6[%dma_wait3A_1027, %dma_wait3A_1028, %dma_wait3A_1029] : memref<8x64x128xf32, #tpu.memory_space<vmem>> -> memref<1x64x128xf32, #tpu.memory_space<vmem>>
    %dma_wait3A_1031 = tpu.memref_squeeze %dma_wait3A_1030 : memref<1x64x128xf32, #tpu.memory_space<vmem>> -> memref<64x128xf32, #tpu.memory_space<vmem>>
    %dma_wait3A_1032 = arith.constant 0 : i32
    %dma_wait3A_1033 = tpu.memref_slice %arg5[%dma_wait3A_1026, %dma_wait3A_1032] : memref<26x512xi32, #tpu.memory_space<vmem>> -> memref<1x512xi32, #tpu.memory_space<vmem>>
    %dma_wait3A_1034 = tpu.memref_squeeze %dma_wait3A_1033 : memref<1x512xi32, #tpu.memory_space<vmem>> -> memref<512xi32, #tpu.memory_space<vmem>>
    %dma_wait3A_1035 = arith.constant 0 : i32
    %dma_wait3A_1036 = tpu.memref_slice %dma_wait3A_1034[%dma_wait3A_1035] : memref<512xi32, #tpu.memory_space<vmem>> -> memref<64xi32, #tpu.memory_space<vmem>>
    %dma_wait3A_1037 = arith.constant 0 : i32
    %dma_wait3A_1038 = arith.constant 0 : i32
    %dma_wait3A_1039 = tpu.memref_slice %arg3[%dma_wait3A_1037, %dma_wait3A_1038] : memref<100000x128xf32, #tpu.memory_space<hbm>> -> memref<100000x128xf32, #tpu.memory_space<hbm>>
    tpu.wait_indirect_dma semaphore(%arg13 : memref<!tpu.dma_semaphore, #tpu.memory_space<semaphore_mem>>) src(%dma_wait3A_1039 : memref<100000x128xf32, #tpu.memory_space<hbm>>) dst(%dma_wait3A_1031 : memref<64x128xf32, #tpu.memory_space<vmem>>)
    %add3A_1040 = arith.constant 384 : i32
    %add3A_1041 = arith.addi %mul3A_2, %add3A_1040 : i32
    %dma_start3A_1042 = arith.constant 6 : i32
    %dma_start3A_1043 = arith.constant 25 : i32
    %dma_start3A_1044 = arith.constant 0 : i32
    %dma_start3A_1045 = arith.constant 0 : i32
    %dma_start3A_1046 = tpu.memref_slice %arg6[%dma_start3A_1042, %dma_start3A_1044, %dma_start3A_1045] : memref<8x64x128xf32, #tpu.memory_space<vmem>> -> memref<1x64x128xf32, #tpu.memory_space<vmem>>
    %dma_start3A_1047 = tpu.memref_squeeze %dma_start3A_1046 : memref<1x64x128xf32, #tpu.memory_space<vmem>> -> memref<64x128xf32, #tpu.memory_space<vmem>>
    %dma_start3A_1048 = arith.constant 0 : i32
    %dma_start3A_1049 = arith.constant 0 : i32
    %dma_start3A_1050 = tpu.memref_slice %arg4[%dma_start3A_1043, %dma_start3A_1048, %dma_start3A_1049] : memref<26x16384x128xf32, #tpu.memory_space<hbm>> -> memref<1x16384x128xf32, #tpu.memory_space<hbm>>
    %dma_start3A_1051 = tpu.memref_squeeze %dma_start3A_1050 : memref<1x16384x128xf32, #tpu.memory_space<hbm>> -> memref<16384x128xf32, #tpu.memory_space<hbm>>
    %dma_start3A_1052 = arith.constant 0 : i32
    %dma_start3A_1053 = tpu.memref_slice %dma_start3A_1051[%add3A_1041, %dma_start3A_1052] : memref<16384x128xf32, #tpu.memory_space<hbm>> -> memref<64x128xf32, #tpu.memory_space<hbm>>
    %dma_start3A_1054 = arith.constant 0 : i32
    %dma_start3A_1055 = arith.constant 0 : i32
    %dma_start3A_1056 = tpu.memref_slice %arg4[%dma_start3A_1043, %dma_start3A_1054, %dma_start3A_1055] : memref<26x16384x128xf32, #tpu.memory_space<hbm>> -> memref<1x16384x128xf32, #tpu.memory_space<hbm>>
    %dma_start3A_1057 = tpu.memref_squeeze %dma_start3A_1056 : memref<1x16384x128xf32, #tpu.memory_space<hbm>> -> memref<16384x128xf32, #tpu.memory_space<hbm>>
    %dma_start3A_1058 = arith.constant 0 : i32
    %dma_start3A_1059 = tpu.memref_slice %dma_start3A_1057[%add3A_1041, %dma_start3A_1058] : memref<16384x128xf32, #tpu.memory_space<hbm>> -> memref<64x128xf32, #tpu.memory_space<hbm>>
    %dma_start3A_1060 = arith.constant 0 : i32
    %dma_start3A_1061 = arith.constant 0 : i32
    %dma_start3A_1062 = tpu.memref_slice %arg6[%dma_start3A_1042, %dma_start3A_1060, %dma_start3A_1061] : memref<8x64x128xf32, #tpu.memory_space<vmem>> -> memref<1x64x128xf32, #tpu.memory_space<vmem>>
    %dma_start3A_1063 = tpu.memref_squeeze %dma_start3A_1062 : memref<1x64x128xf32, #tpu.memory_space<vmem>> -> memref<64x128xf32, #tpu.memory_space<vmem>>
    tpu.enqueue_dma source(%dma_start3A_1063 : memref<64x128xf32, #tpu.memory_space<vmem>>) target(%dma_start3A_1059 : memref<64x128xf32, #tpu.memory_space<hbm>>) target_semaphore(%arg21 : memref<!tpu.dma_semaphore, #tpu.memory_space<semaphore_mem>>)
    %dma_wait3A_1064 = arith.constant 3 : i32
    %dma_wait3A_1065 = arith.constant 0 : i32
    %dma_wait3A_1066 = arith.constant 0 : i32
    %dma_wait3A_1067 = arith.constant 0 : i32
    %dma_wait3A_1068 = tpu.memref_slice %arg6[%dma_wait3A_1064, %dma_wait3A_1066, %dma_wait3A_1067] : memref<8x64x128xf32, #tpu.memory_space<vmem>> -> memref<1x64x128xf32, #tpu.memory_space<vmem>>
    %dma_wait3A_1069 = tpu.memref_squeeze %dma_wait3A_1068 : memref<1x64x128xf32, #tpu.memory_space<vmem>> -> memref<64x128xf32, #tpu.memory_space<vmem>>
    %dma_wait3A_1070 = arith.constant 0 : i32
    %dma_wait3A_1071 = arith.constant 0 : i32
    %dma_wait3A_1072 = tpu.memref_slice %arg4[%dma_wait3A_1065, %dma_wait3A_1070, %dma_wait3A_1071] : memref<26x16384x128xf32, #tpu.memory_space<hbm>> -> memref<1x16384x128xf32, #tpu.memory_space<hbm>>
    %dma_wait3A_1073 = tpu.memref_squeeze %dma_wait3A_1072 : memref<1x16384x128xf32, #tpu.memory_space<hbm>> -> memref<16384x128xf32, #tpu.memory_space<hbm>>
    %dma_wait3A_1074 = arith.constant 0 : i32
    %dma_wait3A_1075 = arith.constant 0 : i32
    %dma_wait3A_1076 = tpu.memref_slice %dma_wait3A_1073[%dma_wait3A_1074, %dma_wait3A_1075] : memref<16384x128xf32, #tpu.memory_space<hbm>> -> memref<64x128xf32, #tpu.memory_space<hbm>>
    %dma_wait3A_1077 = arith.constant 0 : i32
    %dma_wait3A_1078 = arith.constant 0 : i32
    %dma_wait3A_1079 = tpu.memref_slice %arg4[%dma_wait3A_1065, %dma_wait3A_1077, %dma_wait3A_1078] : memref<26x16384x128xf32, #tpu.memory_space<hbm>> -> memref<1x16384x128xf32, #tpu.memory_space<hbm>>
    %dma_wait3A_1080 = tpu.memref_squeeze %dma_wait3A_1079 : memref<1x16384x128xf32, #tpu.memory_space<hbm>> -> memref<16384x128xf32, #tpu.memory_space<hbm>>
    %dma_wait3A_1081 = arith.constant 0 : i32
    %dma_wait3A_1082 = arith.constant 0 : i32
    %dma_wait3A_1083 = tpu.memref_slice %dma_wait3A_1080[%dma_wait3A_1081, %dma_wait3A_1082] : memref<16384x128xf32, #tpu.memory_space<hbm>> -> memref<64x128xf32, #tpu.memory_space<hbm>>
    %dma_wait3A_1084 = arith.constant 0 : i32
    %dma_wait3A_1085 = arith.constant 0 : i32
    %dma_wait3A_1086 = tpu.memref_slice %arg6[%dma_wait3A_1064, %dma_wait3A_1084, %dma_wait3A_1085] : memref<8x64x128xf32, #tpu.memory_space<vmem>> -> memref<1x64x128xf32, #tpu.memory_space<vmem>>
    %dma_wait3A_1087 = tpu.memref_squeeze %dma_wait3A_1086 : memref<1x64x128xf32, #tpu.memory_space<vmem>> -> memref<64x128xf32, #tpu.memory_space<vmem>>
    tpu.wait_dma2 semaphore(%arg18 : memref<!tpu.dma_semaphore, #tpu.memory_space<semaphore_mem>>) src(%dma_wait3A_1087 : memref<64x128xf32, #tpu.memory_space<vmem>>) dst(%dma_wait3A_1083 : memref<64x128xf32, #tpu.memory_space<hbm>>)
    %dma_wait3A_1088 = arith.constant 0 : i32
    %dma_wait3A_1089 = arith.constant 7 : i32
    %dma_wait3A_1090 = arith.constant 0 : i32
    %dma_wait3A_1091 = arith.constant 0 : i32
    %dma_wait3A_1092 = tpu.memref_slice %arg6[%dma_wait3A_1089, %dma_wait3A_1090, %dma_wait3A_1091] : memref<8x64x128xf32, #tpu.memory_space<vmem>> -> memref<1x64x128xf32, #tpu.memory_space<vmem>>
    %dma_wait3A_1093 = tpu.memref_squeeze %dma_wait3A_1092 : memref<1x64x128xf32, #tpu.memory_space<vmem>> -> memref<64x128xf32, #tpu.memory_space<vmem>>
    %dma_wait3A_1094 = arith.constant 0 : i32
    %dma_wait3A_1095 = tpu.memref_slice %arg5[%dma_wait3A_1088, %dma_wait3A_1094] : memref<26x512xi32, #tpu.memory_space<vmem>> -> memref<1x512xi32, #tpu.memory_space<vmem>>
    %dma_wait3A_1096 = tpu.memref_squeeze %dma_wait3A_1095 : memref<1x512xi32, #tpu.memory_space<vmem>> -> memref<512xi32, #tpu.memory_space<vmem>>
    %dma_wait3A_1097 = arith.constant 0 : i32
    %dma_wait3A_1098 = tpu.memref_slice %dma_wait3A_1096[%dma_wait3A_1097] : memref<512xi32, #tpu.memory_space<vmem>> -> memref<64xi32, #tpu.memory_space<vmem>>
    %dma_wait3A_1099 = arith.constant 0 : i32
    %dma_wait3A_1100 = arith.constant 0 : i32
    %dma_wait3A_1101 = tpu.memref_slice %arg3[%dma_wait3A_1099, %dma_wait3A_1100] : memref<100000x128xf32, #tpu.memory_space<hbm>> -> memref<100000x128xf32, #tpu.memory_space<hbm>>
    tpu.wait_indirect_dma semaphore(%arg14 : memref<!tpu.dma_semaphore, #tpu.memory_space<semaphore_mem>>) src(%dma_wait3A_1101 : memref<100000x128xf32, #tpu.memory_space<hbm>>) dst(%dma_wait3A_1093 : memref<64x128xf32, #tpu.memory_space<vmem>>)
    %add3A_1102 = arith.constant 448 : i32
    %add3A_1103 = arith.addi %mul3A_2, %add3A_1102 : i32
    %dma_start3A_1104 = arith.constant 7 : i32
    %dma_start3A_1105 = arith.constant 25 : i32
    %dma_start3A_1106 = arith.constant 0 : i32
    %dma_start3A_1107 = arith.constant 0 : i32
    %dma_start3A_1108 = tpu.memref_slice %arg6[%dma_start3A_1104, %dma_start3A_1106, %dma_start3A_1107] : memref<8x64x128xf32, #tpu.memory_space<vmem>> -> memref<1x64x128xf32, #tpu.memory_space<vmem>>
    %dma_start3A_1109 = tpu.memref_squeeze %dma_start3A_1108 : memref<1x64x128xf32, #tpu.memory_space<vmem>> -> memref<64x128xf32, #tpu.memory_space<vmem>>
    %dma_start3A_1110 = arith.constant 0 : i32
    %dma_start3A_1111 = arith.constant 0 : i32
    %dma_start3A_1112 = tpu.memref_slice %arg4[%dma_start3A_1105, %dma_start3A_1110, %dma_start3A_1111] : memref<26x16384x128xf32, #tpu.memory_space<hbm>> -> memref<1x16384x128xf32, #tpu.memory_space<hbm>>
    %dma_start3A_1113 = tpu.memref_squeeze %dma_start3A_1112 : memref<1x16384x128xf32, #tpu.memory_space<hbm>> -> memref<16384x128xf32, #tpu.memory_space<hbm>>
    %dma_start3A_1114 = arith.constant 0 : i32
    %dma_start3A_1115 = tpu.memref_slice %dma_start3A_1113[%add3A_1103, %dma_start3A_1114] : memref<16384x128xf32, #tpu.memory_space<hbm>> -> memref<64x128xf32, #tpu.memory_space<hbm>>
    %dma_start3A_1116 = arith.constant 0 : i32
    %dma_start3A_1117 = arith.constant 0 : i32
    %dma_start3A_1118 = tpu.memref_slice %arg4[%dma_start3A_1105, %dma_start3A_1116, %dma_start3A_1117] : memref<26x16384x128xf32, #tpu.memory_space<hbm>> -> memref<1x16384x128xf32, #tpu.memory_space<hbm>>
    %dma_start3A_1119 = tpu.memref_squeeze %dma_start3A_1118 : memref<1x16384x128xf32, #tpu.memory_space<hbm>> -> memref<16384x128xf32, #tpu.memory_space<hbm>>
    %dma_start3A_1120 = arith.constant 0 : i32
    %dma_start3A_1121 = tpu.memref_slice %dma_start3A_1119[%add3A_1103, %dma_start3A_1120] : memref<16384x128xf32, #tpu.memory_space<hbm>> -> memref<64x128xf32, #tpu.memory_space<hbm>>
    %dma_start3A_1122 = arith.constant 0 : i32
    %dma_start3A_1123 = arith.constant 0 : i32
    %dma_start3A_1124 = tpu.memref_slice %arg6[%dma_start3A_1104, %dma_start3A_1122, %dma_start3A_1123] : memref<8x64x128xf32, #tpu.memory_space<vmem>> -> memref<1x64x128xf32, #tpu.memory_space<vmem>>
    %dma_start3A_1125 = tpu.memref_squeeze %dma_start3A_1124 : memref<1x64x128xf32, #tpu.memory_space<vmem>> -> memref<64x128xf32, #tpu.memory_space<vmem>>
    tpu.enqueue_dma source(%dma_start3A_1125 : memref<64x128xf32, #tpu.memory_space<vmem>>) target(%dma_start3A_1121 : memref<64x128xf32, #tpu.memory_space<hbm>>) target_semaphore(%arg22 : memref<!tpu.dma_semaphore, #tpu.memory_space<semaphore_mem>>)
    %dma_wait3A_1126 = arith.constant 4 : i32
    %dma_wait3A_1127 = arith.constant 0 : i32
    %dma_wait3A_1128 = arith.constant 0 : i32
    %dma_wait3A_1129 = arith.constant 0 : i32
    %dma_wait3A_1130 = tpu.memref_slice %arg6[%dma_wait3A_1126, %dma_wait3A_1128, %dma_wait3A_1129] : memref<8x64x128xf32, #tpu.memory_space<vmem>> -> memref<1x64x128xf32, #tpu.memory_space<vmem>>
    %dma_wait3A_1131 = tpu.memref_squeeze %dma_wait3A_1130 : memref<1x64x128xf32, #tpu.memory_space<vmem>> -> memref<64x128xf32, #tpu.memory_space<vmem>>
    %dma_wait3A_1132 = arith.constant 0 : i32
    %dma_wait3A_1133 = arith.constant 0 : i32
    %dma_wait3A_1134 = tpu.memref_slice %arg4[%dma_wait3A_1127, %dma_wait3A_1132, %dma_wait3A_1133] : memref<26x16384x128xf32, #tpu.memory_space<hbm>> -> memref<1x16384x128xf32, #tpu.memory_space<hbm>>
    %dma_wait3A_1135 = tpu.memref_squeeze %dma_wait3A_1134 : memref<1x16384x128xf32, #tpu.memory_space<hbm>> -> memref<16384x128xf32, #tpu.memory_space<hbm>>
    %dma_wait3A_1136 = arith.constant 0 : i32
    %dma_wait3A_1137 = arith.constant 0 : i32
    %dma_wait3A_1138 = tpu.memref_slice %dma_wait3A_1135[%dma_wait3A_1136, %dma_wait3A_1137] : memref<16384x128xf32, #tpu.memory_space<hbm>> -> memref<64x128xf32, #tpu.memory_space<hbm>>
    %dma_wait3A_1139 = arith.constant 0 : i32
    %dma_wait3A_1140 = arith.constant 0 : i32
    %dma_wait3A_1141 = tpu.memref_slice %arg4[%dma_wait3A_1127, %dma_wait3A_1139, %dma_wait3A_1140] : memref<26x16384x128xf32, #tpu.memory_space<hbm>> -> memref<1x16384x128xf32, #tpu.memory_space<hbm>>
    %dma_wait3A_1142 = tpu.memref_squeeze %dma_wait3A_1141 : memref<1x16384x128xf32, #tpu.memory_space<hbm>> -> memref<16384x128xf32, #tpu.memory_space<hbm>>
    %dma_wait3A_1143 = arith.constant 0 : i32
    %dma_wait3A_1144 = arith.constant 0 : i32
    %dma_wait3A_1145 = tpu.memref_slice %dma_wait3A_1142[%dma_wait3A_1143, %dma_wait3A_1144] : memref<16384x128xf32, #tpu.memory_space<hbm>> -> memref<64x128xf32, #tpu.memory_space<hbm>>
    %dma_wait3A_1146 = arith.constant 0 : i32
    %dma_wait3A_1147 = arith.constant 0 : i32
    %dma_wait3A_1148 = tpu.memref_slice %arg6[%dma_wait3A_1126, %dma_wait3A_1146, %dma_wait3A_1147] : memref<8x64x128xf32, #tpu.memory_space<vmem>> -> memref<1x64x128xf32, #tpu.memory_space<vmem>>
    %dma_wait3A_1149 = tpu.memref_squeeze %dma_wait3A_1148 : memref<1x64x128xf32, #tpu.memory_space<vmem>> -> memref<64x128xf32, #tpu.memory_space<vmem>>
    tpu.wait_dma2 semaphore(%arg19 : memref<!tpu.dma_semaphore, #tpu.memory_space<semaphore_mem>>) src(%dma_wait3A_1149 : memref<64x128xf32, #tpu.memory_space<vmem>>) dst(%dma_wait3A_1145 : memref<64x128xf32, #tpu.memory_space<hbm>>)
    %dma_wait3A_1150 = arith.constant 5 : i32
    %dma_wait3A_1151 = arith.constant 0 : i32
    %dma_wait3A_1152 = arith.constant 0 : i32
    %dma_wait3A_1153 = arith.constant 0 : i32
    %dma_wait3A_1154 = tpu.memref_slice %arg6[%dma_wait3A_1150, %dma_wait3A_1152, %dma_wait3A_1153] : memref<8x64x128xf32, #tpu.memory_space<vmem>> -> memref<1x64x128xf32, #tpu.memory_space<vmem>>
    %dma_wait3A_1155 = tpu.memref_squeeze %dma_wait3A_1154 : memref<1x64x128xf32, #tpu.memory_space<vmem>> -> memref<64x128xf32, #tpu.memory_space<vmem>>
    %dma_wait3A_1156 = arith.constant 0 : i32
    %dma_wait3A_1157 = arith.constant 0 : i32
    %dma_wait3A_1158 = tpu.memref_slice %arg4[%dma_wait3A_1151, %dma_wait3A_1156, %dma_wait3A_1157] : memref<26x16384x128xf32, #tpu.memory_space<hbm>> -> memref<1x16384x128xf32, #tpu.memory_space<hbm>>
    %dma_wait3A_1159 = tpu.memref_squeeze %dma_wait3A_1158 : memref<1x16384x128xf32, #tpu.memory_space<hbm>> -> memref<16384x128xf32, #tpu.memory_space<hbm>>
    %dma_wait3A_1160 = arith.constant 0 : i32
    %dma_wait3A_1161 = arith.constant 0 : i32
    %dma_wait3A_1162 = tpu.memref_slice %dma_wait3A_1159[%dma_wait3A_1160, %dma_wait3A_1161] : memref<16384x128xf32, #tpu.memory_space<hbm>> -> memref<64x128xf32, #tpu.memory_space<hbm>>
    %dma_wait3A_1163 = arith.constant 0 : i32
    %dma_wait3A_1164 = arith.constant 0 : i32
    %dma_wait3A_1165 = tpu.memref_slice %arg4[%dma_wait3A_1151, %dma_wait3A_1163, %dma_wait3A_1164] : memref<26x16384x128xf32, #tpu.memory_space<hbm>> -> memref<1x16384x128xf32, #tpu.memory_space<hbm>>
    %dma_wait3A_1166 = tpu.memref_squeeze %dma_wait3A_1165 : memref<1x16384x128xf32, #tpu.memory_space<hbm>> -> memref<16384x128xf32, #tpu.memory_space<hbm>>
    %dma_wait3A_1167 = arith.constant 0 : i32
    %dma_wait3A_1168 = arith.constant 0 : i32
    %dma_wait3A_1169 = tpu.memref_slice %dma_wait3A_1166[%dma_wait3A_1167, %dma_wait3A_1168] : memref<16384x128xf32, #tpu.memory_space<hbm>> -> memref<64x128xf32, #tpu.memory_space<hbm>>
    %dma_wait3A_1170 = arith.constant 0 : i32
    %dma_wait3A_1171 = arith.constant 0 : i32
    %dma_wait3A_1172 = tpu.memref_slice %arg6[%dma_wait3A_1150, %dma_wait3A_1170, %dma_wait3A_1171] : memref<8x64x128xf32, #tpu.memory_space<vmem>> -> memref<1x64x128xf32, #tpu.memory_space<vmem>>
    %dma_wait3A_1173 = tpu.memref_squeeze %dma_wait3A_1172 : memref<1x64x128xf32, #tpu.memory_space<vmem>> -> memref<64x128xf32, #tpu.memory_space<vmem>>
    tpu.wait_dma2 semaphore(%arg20 : memref<!tpu.dma_semaphore, #tpu.memory_space<semaphore_mem>>) src(%dma_wait3A_1173 : memref<64x128xf32, #tpu.memory_space<vmem>>) dst(%dma_wait3A_1169 : memref<64x128xf32, #tpu.memory_space<hbm>>)
    %dma_wait3A_1174 = arith.constant 6 : i32
    %dma_wait3A_1175 = arith.constant 0 : i32
    %dma_wait3A_1176 = arith.constant 0 : i32
    %dma_wait3A_1177 = arith.constant 0 : i32
    %dma_wait3A_1178 = tpu.memref_slice %arg6[%dma_wait3A_1174, %dma_wait3A_1176, %dma_wait3A_1177] : memref<8x64x128xf32, #tpu.memory_space<vmem>> -> memref<1x64x128xf32, #tpu.memory_space<vmem>>
    %dma_wait3A_1179 = tpu.memref_squeeze %dma_wait3A_1178 : memref<1x64x128xf32, #tpu.memory_space<vmem>> -> memref<64x128xf32, #tpu.memory_space<vmem>>
    %dma_wait3A_1180 = arith.constant 0 : i32
    %dma_wait3A_1181 = arith.constant 0 : i32
    %dma_wait3A_1182 = tpu.memref_slice %arg4[%dma_wait3A_1175, %dma_wait3A_1180, %dma_wait3A_1181] : memref<26x16384x128xf32, #tpu.memory_space<hbm>> -> memref<1x16384x128xf32, #tpu.memory_space<hbm>>
    %dma_wait3A_1183 = tpu.memref_squeeze %dma_wait3A_1182 : memref<1x16384x128xf32, #tpu.memory_space<hbm>> -> memref<16384x128xf32, #tpu.memory_space<hbm>>
    %dma_wait3A_1184 = arith.constant 0 : i32
    %dma_wait3A_1185 = arith.constant 0 : i32
    %dma_wait3A_1186 = tpu.memref_slice %dma_wait3A_1183[%dma_wait3A_1184, %dma_wait3A_1185] : memref<16384x128xf32, #tpu.memory_space<hbm>> -> memref<64x128xf32, #tpu.memory_space<hbm>>
    %dma_wait3A_1187 = arith.constant 0 : i32
    %dma_wait3A_1188 = arith.constant 0 : i32
    %dma_wait3A_1189 = tpu.memref_slice %arg4[%dma_wait3A_1175, %dma_wait3A_1187, %dma_wait3A_1188] : memref<26x16384x128xf32, #tpu.memory_space<hbm>> -> memref<1x16384x128xf32, #tpu.memory_space<hbm>>
    %dma_wait3A_1190 = tpu.memref_squeeze %dma_wait3A_1189 : memref<1x16384x128xf32, #tpu.memory_space<hbm>> -> memref<16384x128xf32, #tpu.memory_space<hbm>>
    %dma_wait3A_1191 = arith.constant 0 : i32
    %dma_wait3A_1192 = arith.constant 0 : i32
    %dma_wait3A_1193 = tpu.memref_slice %dma_wait3A_1190[%dma_wait3A_1191, %dma_wait3A_1192] : memref<16384x128xf32, #tpu.memory_space<hbm>> -> memref<64x128xf32, #tpu.memory_space<hbm>>
    %dma_wait3A_1194 = arith.constant 0 : i32
    %dma_wait3A_1195 = arith.constant 0 : i32
    %dma_wait3A_1196 = tpu.memref_slice %arg6[%dma_wait3A_1174, %dma_wait3A_1194, %dma_wait3A_1195] : memref<8x64x128xf32, #tpu.memory_space<vmem>> -> memref<1x64x128xf32, #tpu.memory_space<vmem>>
    %dma_wait3A_1197 = tpu.memref_squeeze %dma_wait3A_1196 : memref<1x64x128xf32, #tpu.memory_space<vmem>> -> memref<64x128xf32, #tpu.memory_space<vmem>>
    tpu.wait_dma2 semaphore(%arg21 : memref<!tpu.dma_semaphore, #tpu.memory_space<semaphore_mem>>) src(%dma_wait3A_1197 : memref<64x128xf32, #tpu.memory_space<vmem>>) dst(%dma_wait3A_1193 : memref<64x128xf32, #tpu.memory_space<hbm>>)
    %dma_wait3A_1198 = arith.constant 7 : i32
    %dma_wait3A_1199 = arith.constant 0 : i32
    %dma_wait3A_1200 = arith.constant 0 : i32
    %dma_wait3A_1201 = arith.constant 0 : i32
    %dma_wait3A_1202 = tpu.memref_slice %arg6[%dma_wait3A_1198, %dma_wait3A_1200, %dma_wait3A_1201] : memref<8x64x128xf32, #tpu.memory_space<vmem>> -> memref<1x64x128xf32, #tpu.memory_space<vmem>>
    %dma_wait3A_1203 = tpu.memref_squeeze %dma_wait3A_1202 : memref<1x64x128xf32, #tpu.memory_space<vmem>> -> memref<64x128xf32, #tpu.memory_space<vmem>>
    %dma_wait3A_1204 = arith.constant 0 : i32
    %dma_wait3A_1205 = arith.constant 0 : i32
    %dma_wait3A_1206 = tpu.memref_slice %arg4[%dma_wait3A_1199, %dma_wait3A_1204, %dma_wait3A_1205] : memref<26x16384x128xf32, #tpu.memory_space<hbm>> -> memref<1x16384x128xf32, #tpu.memory_space<hbm>>
    %dma_wait3A_1207 = tpu.memref_squeeze %dma_wait3A_1206 : memref<1x16384x128xf32, #tpu.memory_space<hbm>> -> memref<16384x128xf32, #tpu.memory_space<hbm>>
    %dma_wait3A_1208 = arith.constant 0 : i32
    %dma_wait3A_1209 = arith.constant 0 : i32
    %dma_wait3A_1210 = tpu.memref_slice %dma_wait3A_1207[%dma_wait3A_1208, %dma_wait3A_1209] : memref<16384x128xf32, #tpu.memory_space<hbm>> -> memref<64x128xf32, #tpu.memory_space<hbm>>
    %dma_wait3A_1211 = arith.constant 0 : i32
    %dma_wait3A_1212 = arith.constant 0 : i32
    %dma_wait3A_1213 = tpu.memref_slice %arg4[%dma_wait3A_1199, %dma_wait3A_1211, %dma_wait3A_1212] : memref<26x16384x128xf32, #tpu.memory_space<hbm>> -> memref<1x16384x128xf32, #tpu.memory_space<hbm>>
    %dma_wait3A_1214 = tpu.memref_squeeze %dma_wait3A_1213 : memref<1x16384x128xf32, #tpu.memory_space<hbm>> -> memref<16384x128xf32, #tpu.memory_space<hbm>>
    %dma_wait3A_1215 = arith.constant 0 : i32
    %dma_wait3A_1216 = arith.constant 0 : i32
    %dma_wait3A_1217 = tpu.memref_slice %dma_wait3A_1214[%dma_wait3A_1215, %dma_wait3A_1216] : memref<16384x128xf32, #tpu.memory_space<hbm>> -> memref<64x128xf32, #tpu.memory_space<hbm>>
    %dma_wait3A_1218 = arith.constant 0 : i32
    %dma_wait3A_1219 = arith.constant 0 : i32
    %dma_wait3A_1220 = tpu.memref_slice %arg6[%dma_wait3A_1198, %dma_wait3A_1218, %dma_wait3A_1219] : memref<8x64x128xf32, #tpu.memory_space<vmem>> -> memref<1x64x128xf32, #tpu.memory_space<vmem>>
    %dma_wait3A_1221 = tpu.memref_squeeze %dma_wait3A_1220 : memref<1x64x128xf32, #tpu.memory_space<vmem>> -> memref<64x128xf32, #tpu.memory_space<vmem>>
    tpu.wait_dma2 semaphore(%arg22 : memref<!tpu.dma_semaphore, #tpu.memory_space<semaphore_mem>>) src(%dma_wait3A_1221 : memref<64x128xf32, #tpu.memory_space<vmem>>) dst(%dma_wait3A_1217 : memref<64x128xf32, #tpu.memory_space<hbm>>)
    return
  }
}

</mosaic_0001>

<sc_bundles>
// kernel: kernel.3.cloned.1.call-start
scs
__scs_entry_jumppad:
0x0: {  	(pc) =	sbr.rel $0x88, $3  }
0x1: {  	(tag) =	ssettag $0x0;
	lr =	simm.s32 $0x1  }
0x2: {  	[smem:$0x3F9F] =	sst lr;
	_ =	strace $0xD0000000  }
0x3: {  	_ = 	snop  }
0x4: {  	_ = 	snop  }
0x5: {  	_ = 	snop  }
0x6: {  	_ = 	snop  }
0x7: {  	_ = 	snop  }
__scs_overlays_trampoline_lowered:
0x8: {  	[smem:$0x3FAE] =	sst s0  }
0x9: {  	[smem:$0x3FAF] =	sst s1  }
0xa: {  	[smem:$0x3FB0] =	sst s2  }
0xb: {  	[smem:$0x3FB1] =	sst s3  }
0xc: {  	[smem:$0x3FB2] =	sst s4  }
0xd: {  	[smem:$0x3FB3] =	sst s5  }
0xe: {  	[smem:$0x3FB4] =	sst s6  }
0xf: {  	[smem:$0x3FB5] =	sst s7  }
0x10: {  	[smem:$0x3FB6] =	sst s8  }
0x11: {  	[smem:$0x3FB7] =	sst s9;
	s0 =	simm.s32 @!p0 $0x0  }
0x12: {  	s1 =	sld [smem:$0x3F9D];
	s0 =	simm.s32 @p0 $0x1  }
0x13: {  	[smem:$0x3FB8] =	sst s0;
	s0 =	simm.s32 @!p1 $0x0  }
0x14: {  	s2 =	sld [smem:$0x3F9C];
	s0 =	simm.s32 @p1 $0x1  }
0x15: {  	[smem:$0x3FB9] =	sst s0;
	s0 =	simm.s32 @!p2 $0x0  }
0x16: {  	s3 =	sld [smem:$0x3FDB];
	s0 =	simm.s32 @p2 $0x1  }
0x17: {  	s4 =	simm.s32 $0x1BF5;
	[smem:$0x3FBB] =	sst s0  }
0x18: {  	s0 =	sld [smem:$0x3F9E];
	_ =	swait.ge [sflag:s4], $0x0  }
0x19: {  	s7 =	sld [smem:$0x3F9F]  }
0x1a: {  	s8 =	sadd.s32 $0xFFFFE003, lr  }
0x1b: {  	s9 =	sadd.s32 $0xFFFFFEF7, lr;
	s5 =	simm.s32 $0xFFFFFFFF;
	p2 =	slt.u32 s8, $0xFFFFF086  }
0x1c: {  	p1 =	slt.u32 s9, $0xF7A;
	s5 =	simm.s32 @!p2 $0x0  }
0x1d: {  	s5 =	simm.s32 @p1 $0x1;
	p0 =	seq.s32 s7, s2  }
0x1e: {  	s7 =	smul.u32 @!p0 $0xF7A, s2;
	p2 =	seq.s32 @!p0 s5, $0x0  }
0x1f: {  	s9 =	smul.u32 $0xF7A, s1;
	s8 =	simm.s32 @!p0 $0x1BF5;
	p2 =	por !p2, p0  }
0x20: {  	[sflag:s8] =	ssyncset.s32 @!p0 $0xFFFFF086;
	s6 =	sadd.s32 @!p0 s3, s7;
	s7 =	simm.s32 @!p0 $0x108  }
0x21: {  	s3 =	sadd.s32 s3, s9;
	s6 =	sadd.s32 @!p0 $0x88, s6;
	s7 =	simm.s32 @p2 $0x1082  }
0x22: {  	[simem:s7], [sflag:s8] =	dma.local @!p0 [hbm:s6], $0xF7A  }
0x23: {  	s9 =	sor.u32 $0xD0000000, s2;
	s6 =	simm.s32 $0x108;
	_ =	swait.ge @!p0 [sflag:s8], $0x0  }
0x24: {  	s3 =	sadd.s32 $0x88, s3;
	s6 =	simm.s32 @!p1 $0x1082;
	[sflag:s4] =	ssyncset.s32 $0xFFFFF086  }
0x25: {  	[simem:s6], [sflag:s4] =	dma.local [hbm:s3], $0xF7A  }
0x26: {  	[smem:$0x3F9F] =	sst s1;
	(tag) =	ssettag s2;
	_ =	strace s9  }
0x27: {  	s1 =	sld [smem:$0x3FAF]  }
0x28: {  	s2 =	sld [smem:$0x3FB0]  }
0x29: {  	s4 =	sld [smem:$0x3FB2]  }
0x2a: {  	p0 =	seq.s32 s5, $0x0;
	s5 =	sld [smem:$0x3FB3]  }
0x2b: {  	s6 =	sld [smem:$0x3FB4]  }
0x2c: {  	s7 =	sld [smem:$0x3FB5]  }
0x2d: {  	s3 =	simm.s32 $0x108;
	s8 =	sld [smem:$0x3FB6]  }
0x2e: {  	s3 =	simm.s32 @!p0 $0x1082;
	s9 =	sld [smem:$0x3FB7]  }
0x2f: {  	lr =	sadd.s32 s0, s3;
	s0 =	sld [smem:$0x3FAE]  }
0x30: {  	s3 =	sld [smem:$0x3FB1]  }
0x31: {  	[smem:$0x3FBA] =	sst s10  }
0x32: {  	s10 =	sld [smem:$0x3FB8];
	_ =	sdelay $0x3  }
0x33: {  	p0 =	seq.s32 s10, $0x1;
	s10 =	sld [smem:$0x3FBA];
	_ =	sdelay $0x3  }
0x34: {  	[smem:$0x3FBA] =	sst s10  }
0x35: {  	s10 =	sld [smem:$0x3FB9];
	_ =	sdelay $0x3  }
0x36: {  	p1 =	seq.s32 s10, $0x1;
	s10 =	sld [smem:$0x3FBA];
	_ =	sdelay $0x3  }
0x37: {  	[smem:$0x3FBA] =	sst s10  }
0x38: {  	s10 =	sld [smem:$0x3FBB]  }
0x39: {  	_ = 	snop;
	(pc) =	sbr.ind lr, $3  }
0x3a: {  	_ = 	snop  }
0x3b: {  	_ = 	snop  }
0x3c: {  	p2 =	seq.s32 s10, $0x1;
	s10 =	sld [smem:$0x3FBA]  }
0x3d: {  	_ =	shalt  }
0x3e: {  	_ =	shalt  }
0x3f: {  	_ =	shalt  }
0x40: {  	_ =	shalt  }
0x41: {  	_ =	shalt  }
0x42: {  	_ =	shalt  }
0x43: {  	_ =	shalt  }
0x44: {  	_ =	shalt  }
0x45: {  	_ =	shalt  }
0x46: {  	_ =	shalt  }
0x47: {  	_ =	shalt  }
0x48: {  	_ =	shalt  }
0x49: {  	_ =	shalt  }
0x4a: {  	_ =	shalt  }
0x4b: {  	_ =	shalt  }
0x4c: {  	_ =	shalt  }
0x4d: {  	_ =	shalt  }
0x4e: {  	_ =	shalt  }
0x4f: {  	_ =	shalt  }
0x50: {  	_ =	shalt  }
0x51: {  	_ =	shalt  }
0x52: {  	_ =	shalt  }
0x53: {  	_ =	shalt  }
0x54: {  	_ =	shalt  }
0x55: {  	_ =	shalt  }
0x56: {  	_ =	shalt  }
0x57: {  	_ =	shalt  }
0x58: {  	_ =	shalt  }
0x59: {  	_ =	shalt  }
0x5a: {  	_ =	shalt  }
0x5b: {  	_ =	shalt  }
0x5c: {  	_ =	shalt  }
0x5d: {  	_ =	shalt  }
0x5e: {  	_ =	shalt  }
0x5f: {  	_ =	shalt  }
0x60: {  	_ =	shalt  }
0x61: {  	_ =	shalt  }
0x62: {  	_ =	shalt  }
0x63: {  	_ =	shalt  }
0x64: {  	_ =	shalt  }
0x65: {  	_ =	shalt  }
0x66: {  	_ =	shalt  }
0x67: {  	_ =	shalt  }
0x68: {  	_ =	shalt  }
0x69: {  	_ =	shalt  }
0x6a: {  	_ =	shalt  }
0x6b: {  	_ =	shalt  }
0x6c: {  	_ =	shalt  }
0x6d: {  	_ =	shalt  }
0x6e: {  	_ =	shalt  }
0x6f: {  	_ =	shalt  }
0x70: {  	_ =	shalt  }
0x71: {  	_ =	shalt  }
0x72: {  	_ =	shalt  }
0x73: {  	_ =	shalt  }
0x74: {  	_ =	shalt  }
0x75: {  	_ =	shalt  }
0x76: {  	_ =	shalt  }
0x77: {  	_ =	shalt  }
0x78: {  	_ =	shalt  }
0x79: {  	_ =	shalt  }
0x7a: {  	_ =	shalt  }
0x7b: {  	_ =	shalt  }
0x7c: {  	_ =	shalt  }
0x7d: {  	_ =	shalt  }
0x7e: {  	_ =	shalt  }
0x7f: {  	_ =	shalt  }
0x80: {  	_ =	shalt  }
0x81: {  	_ =	shalt  }
0x82: {  	_ =	shalt  }
0x83: {  	_ =	shalt  }
0x84: {  	_ =	shalt  }
0x85: {  	_ =	shalt  }
0x86: {  	_ =	shalt  }
0x87: {  	_ =	shalt  }
.Lfunc_end0:
.L_simem_size_0:
called_computation_lowered:
.L_overlay_start_0:
0x88: {  	s2 =	sld [smem:$0x3FD9]  }
0x89: {  	s3 =	sld [smem:$0x3FFE];
	_ =	sdelay $0x1  }
0x8a: {  	s1 =	srdreg.scid  }
0x8b: {  	s0 =	sand.u32 $0x1, s1  }
0x8c: {  	s18 =	sshll.u32 s0, $0xA;
	s2 =	sadd.s32 s3, s2  }
0x8d: {  	s2 =	sadd.s32 s2, s18  }
0x8e: {  	[smem:$0x3FC6] =	sst s2  }
0x8f: {  	_ = 	snop  }
0x90: {  	s2 =	sld [smem:$0x3FC9]  }
0x91: {  	s19 =	sld [smem:$0x3FC8]  }
0x92: {  	s4 =	sld [smem:$0x3FD0];
	(tm) =	ssettm $0x1  }
0x93: {  	s5 =	sld [smem:$0x3FFB];
	_ =	sdelay $0x3  }
0x94: {  	_ =	strace s5  }
0x95: {  	s5 =	sld [smem:$0x3FFC];
	_ =	sdelay $0x3  }
0x96: {  	_ =	strace s5  }
0x97: {  	s5 =	sld [smem:$0x3FFD];
	_ =	sdelay $0x3  }
0x98: {  	_ =	strace s5  }
0x99: {  	_ =	strace $0x8FFFFFFF  }
0x9a: {  	s20 =	sld [smem:$0x3FDB];
	_ =	sdelay $0x1  }
0x9b: {  	s6 =	simm.s32 $_scs_section_size  }
0x9c: {  	s7 =	simm.s32 $_size__tile_overlayer_lowered;
	s8 =	simm.s32 $_tile_overlayer_lowered  }
0x9d: {  	s23 =	simm.s32 $0x1BFF;
	s22 =	sshll.u32 s8, $0x1;
	s5 =	sadd.s32 s6, s20  }
0x9e: {  	s9 =	simm.s32 $0x0;
	s21 =	sshll.u32 s7, $0x1;
	s7 =	sadd.s32 s22, s5  }
0x9f: {  	[timem:s9], [sflag:s23] =	dma.local [hbm:s7], s21  }
0xa0: {  	_ =	swait.ge [sflag:s23], s21  }
0xa1: {  	s6 =	ssub.s32 $0x0, s21;
	[sflag:s23] =	ssyncset.done $0x0  }
0xa2: {  	[sflag:s23] =	ssyncadd.s32 s6;
	_ =	sdelay $0x1  }
0xa3: {  	s24 =	simm.s32 $0x1B8B  }
0xa4: {  	_ =	swait.ge [sflag:s24], $0x1  }
0xa5: {  	[sflag:s24] =	ssyncset.done $0x0  }
0xa6: {  	s25 =	simm.s32 $0x1B8E;
	[sflag:s24] =	ssyncadd.s32 $0xFFFFFFFF  }
0xa7: {  	s26 =	simm.s32 $execute0_lowered;
	[smem:$0x3FD2] =	sst s25  }
0xa8: {  	s6 =	sshll.u32 s26, $0x1;
	_ =	strace $0x80000046;
	[dreg:$0x1] =	wrdreg $0xFFFFFFFF  }
0xa9: {  	s28 =	simm.s32 $_size_execute0_lowered;
	s5 =	sadd.s32 s5, s6;
	[dreg:$0x0] =	wrdreg $0x0  }
0xaa: {  	s6 =	sshll.u32 s28, $0x1;
	[dreg:$0x2] =	wrdreg s5  }
0xab: {  	[dreg:$0x3] =	wrdreg s6  }
0xac: {  	[dreg:$0x4] =	wrdreg $0xC0  }
0xad: {  	_ =	task [dreg:s9], $0x5FFFF  }
0xae: {  	[dreg:$0x1] =	wrdreg $0xFFFFFFFF  }
0xaf: {  	[dreg:$0x0] =	wrdreg $0x60  }
0xb0: {  	[dreg:$0x2] =	wrdreg s2  }
0xb1: {  	[dreg:$0x3] =	wrdreg s19  }
0xb2: {  	[dreg:$0x4] =	wrdreg s4  }
0xb3: {  	[dreg:$0x5] =	wrdreg $0x9  }
0xb4: {  	_ =	task.clear_ibuf [dreg:s9], $0x6FFFF;
	_ =	strace $0x90000046  }
0xb5: {  	s29 =	simm.s32 $0x9;
	_ =	strace $0x80000048  }
0xb6: {  	_ =	swait.ge [sflag:s29], $0x1  }
0xb7: {  	[sflag:s29] =	ssyncadd.s32 $0xFFFFFFFF  }
0xb8: {  	_ =	strace $0x90000048  }
0xb9: {  	_ =	sfence  }
0xba: {  	s30 =	sld [smem:$0x0];
	_ =	sdelay $0x2  }
0xbb: {  	s31 =	sshll.u32 s1, $0xD;
	s1 =	sshrl.u32 s1, $0x2  }
0xbc: {  	s3 =	sand.u32 $0x4000, s31;
	s1 =	sadd.s32 s1, s30  }
0xbd: {  	s0 =	sor.u32 s3, s0;
	s1 =	sshll.u32 s1, $0x11  }
0xbe: {  	s0 =	sor.u32 s1, s0  }
0xbf: {  	s0 =	sadd.s32 $0x8F2B, s0  }
0xc0: {  	[sflag:s0] =	ssyncadd.remote.s32 $0x1  }
0xc1: {  	_ =	sfence.sel $0xFFFF  }
0xc2: {  	[dreg:$0x0] =	wrdreg $0xFFFFFFFF;
	(pc) =	sbr.abs _section_cstart, $3  }
0xc3: {  	[dreg:$0x1] =	wrdreg $0xFFFFFFFF  }
0xc4: {  	_ =	task.clear_ibuf [dreg:s9], $0x2FFFF;
	_ =	strace $0x9FFFFFFF  }
0xc5: {  	(tm) =	ssettm $0x7FFFFFFF  }
tec
execute0_lowered:
.L_overlay_start_1:
0x0: {  	(tag) =	ssettag $0x1  }
0x1: {  	s0 =	rddreg [dreg:$0x0]  }
0x2: {  	s2 =	rddreg [dreg:$0x1];
	s1 =	srdreg.scid  }
0x3: {  	s4 =	rddreg [dreg:$0x2];
	s3 =	stileid.u32;
	s1 =	sand.u32 $0x1, s1  }
0x4: {  	s5 =	sshll.u32 s3, $0xA;
	s3 =	simm.s32 $0x0;
	s29 =	sadd.s32 $0x640000, s4  }
0x5: {  	s31 =	sadd.s32 $0x40000, s4;
	s6 =	sshll.u32 s1, $0x9;
	[smem:$0x7FF] =	sst s3  }
0x6: {  	s5 =	sor.u32 s6, s5;
	_ =	strace $0x80000047;
	[dreg:$0x15] =	wrdreg s29  }
0x7: {  	[dreg:$0x17] =	wrdreg s31;
	s0 =	sadd.s32 s0, s5  }
0x8: {  	s7 =	sshll.u32 s5, $0x4;
	[dreg:$0xc] =	wrdreg s0  }
0x9: {  	s15 =	sadd.s32 s4, s7;
	[dreg:$0x4] =	wrdreg s7  }
0xa: {  	s28 =	simm.s32 $0x40;
	s14 =	sor.u32 $0x400, s7;
	[dreg:$0xd] =	wrdreg s15  }
0xb: {  	s8 =	simm.s32 $0x3;
	s17 =	sor.u32 $0x800, s7;
	[dreg:$0x5] =	wrdreg s14  }
0xc: {  	s9 =	simm.s32 $0xF;
	s18 =	sor.u32 $0xC00, s7;
	[dreg:$0x6] =	wrdreg s17  }
0xd: {  	s10 =	simm.s32 $0x10;
	s19 =	sor.u32 $0x1000, s7;
	[dreg:$0x7] =	wrdreg s18  }
0xe: {  	s1 =	ssub.s32 $0x2, s1;
	s22 =	sor.u32 $0x1400, s7;
	[dreg:$0x8] =	wrdreg s19  }
0xf: {  	s13 =	sshrl.u32 s1, $0x1;
	s23 =	sor.u32 $0x1800, s7;
	[dreg:$0x9] =	wrdreg s22  }
0x10: {  	s1 =	ssub.s32 s1, s13;
	s24 =	sor.u32 $0x1C00, s7;
	[dreg:$0xa] =	wrdreg s23  }
0x11: {  	s6 =	simm.s32 $0x2;
	s30 =	smax.u32 s1, $0x1;
	[dreg:$0xb] =	wrdreg s24  }
0x12: {  	s13 =	simm.s32 $0x4;
	s16 =	sadd.s32 s4, s14;
	[dreg:$0x16] =	wrdreg s30  }
0x13: {  	s5 =	simm.s32 $0xE;
	s0 =	sadd.s32 s4, s17;
	[dreg:$0xe] =	wrdreg s16  }
0x14: {  	s20 =	sadd.s32 s4, s18;
	s21 =	sadd.s32 s4, s19;
	[dreg:$0xf] =	wrdreg s0  }
0x15: {  	s25 =	sadd.s32 s4, s23;
	s26 =	sadd.s32 s4, s24;
	[dreg:$0x10] =	wrdreg s20  }
0x16: {  	s14 =	simm.s32 $0x9;
	s18 =	simm.s32 $0x5;
	[dreg:$0x11] =	wrdreg s21  }
0x17: {  	s19 =	simm.s32 $0xA;
	s23 =	simm.s32 $0x8;
	[dreg:$0x13] =	wrdreg s25  }
0x18: {  	s0 =	sadd.s32 s4, s22;
	[dreg:$0x14] =	wrdreg s26;
	s20 =	simm.s32 $0x6  }
0x19: {  	s22 =	simm.s32 $0xB;
	s26 =	simm.s32 $0x7;
	s21 =	simm.s32 $0xC  }
0x1a: {  	s4 =	simm.s32 $0xD;
	[dreg:$0x12] =	wrdreg s0;
	s0 =	simm.s32 $0x0  }
.LBB2_1:
0x1b: {  	[dreg:$0x18] =	wrdreg s0  }
0x1c: {  	s11 =	rddreg [dreg:$0xc]  }
0x1d: {  	s15 =	simm.s32 $0x1000;
	s16 =	simm.s32 $0x20000;
	s30 =	simm.s32 $0x11  }
0x1e: {  	[tilespmem:s3], [sflag:$0x11] =	stream.strided.gather [hbm4b:s11+s15], $0x4000, s16, s15, $0x38;
	[tilespmem:$0x14000] =	vst v63  }
0x1f: {  	_ =	swait.ge [sflag:s30], $0x4000  }
0x20: {  	[sflag:s30] =	ssyncset.done $0x0  }
0x21: {  	s17 =	simm.s32 $0x4000;
	[sflag:s30] =	ssyncadd.s32 $0xFFFFC000  }
0x22: {  	[tilespmem:s17], [sflag:$0x1] =	stream.indirect.gather [hbm4b:s2+s28], $0x80, s3, s28, $0xb8;
	[tilespmem:$0x14000] =	vst v63  }
0x23: {  	s30 =	simm.s32 $0x6000  }
0x24: {  	[tilespmem:s30], [sflag:$0x2] =	stream.indirect.gather [hbm4b:s2+s28], $0x80, s28, s28, $0xb8;
	[tilespmem:$0x14000] =	vst v63  }
0x25: {  	s31 =	simm.s32 $0x400;
	s1 =	simm.s32 $0x8000  }
0x26: {  	[tilespmem:s1], [sflag:$0x3] =	stream.indirect.gather [hbm4b:s2+s28], $0x80, s31, s28, $0xb8;
	[tilespmem:$0x14000] =	vst v63  }
0x27: {  	s0 =	simm.s32 $0x440;
	s25 =	simm.s32 $0xA000  }
0x28: {  	[tilespmem:s25], [sflag:$0x4] =	stream.indirect.gather [hbm4b:s2+s28], $0x80, s0, s28, $0xb8;
	[tilespmem:$0x14000] =	vst v63  }
0x29: {  	s7 =	simm.s32 $0x800;
	s24 =	simm.s32 $0xC000;
	s0 =	simm.s32 $0x1  }
0x2a: {  	[tilespmem:s24], [sflag:$0x5] =	stream.indirect.gather [hbm4b:s2+s28], $0x80, s7, s28, $0xb8;
	[tilespmem:$0x14000] =	vst v63  }
0x2b: {  	_ =	swait.ge [sflag:s0], $0x2000  }
0x2c: {  	[sflag:s0] =	ssyncset.done $0x0  }
0x2d: {  	s11 =	rddreg [dreg:$0xd];
	[sflag:s0] =	ssyncadd.s32 $0xFFFFE000  }
0x2e: {  	[hbm4b:s11+s3] =	stream.linear.scatter [tilespmem:s17], [sflag:$0x9], $0x2000, $0x38;
	[tilespmem:$0x14000] =	vst v63  }
0x2f: {  	s31 =	simm.s32 $0xE000;
	s7 =	simm.s32 $0x840  }
0x30: {  	[tilespmem:s31], [sflag:$0x6] =	stream.indirect.gather [hbm4b:s2+s28], $0x80, s7, s28, $0xb8;
	[tilespmem:$0x14000] =	vst v63  }
0x31: {  	_ =	swait.ge [sflag:s6], $0x2000  }
0x32: {  	[sflag:s6] =	ssyncset.done $0x0  }
0x33: {  	s12 =	rddreg [dreg:$0xe];
	[sflag:s6] =	ssyncadd.s32 $0xFFFFE000  }
0x34: {  	[hbm4b:s12+s3] =	stream.linear.scatter [tilespmem:s30], [sflag:$0xA], $0x2000, $0x38;
	[tilespmem:$0x14000] =	vst v63  }
0x35: {  	s15 =	simm.s32 $0xC00;
	s12 =	simm.s32 $0x10000  }
0x36: {  	[tilespmem:s12], [sflag:$0x7] =	stream.indirect.gather [hbm4b:s2+s28], $0x80, s15, s28, $0xb8;
	[tilespmem:$0x14000] =	vst v63  }
0x37: {  	_ =	swait.ge [sflag:s8], $0x2000  }
0x38: {  	[sflag:s8] =	ssyncset.done $0x0  }
0x39: {  	s16 =	rddreg [dreg:$0xf];
	[sflag:s8] =	ssyncadd.s32 $0xFFFFE000  }
0x3a: {  	[hbm4b:s16+s3] =	stream.linear.scatter [tilespmem:s1], [sflag:$0xB], $0x2000, $0x38;
	[tilespmem:$0x14000] =	vst v63  }
0x3b: {  	s29 =	simm.s32 $0xC40;
	s11 =	simm.s32 $0x12000  }
0x3c: {  	[tilespmem:s11], [sflag:$0x8] =	stream.indirect.gather [hbm4b:s2+s28], $0x80, s29, s28, $0xb8;
	[tilespmem:$0x14000] =	vst v63  }
0x3d: {  	_ =	swait.ge [sflag:s13], $0x2000  }
0x3e: {  	[sflag:s13] =	ssyncset.done $0x0  }
0x3f: {  	s7 =	rddreg [dreg:$0x10];
	[sflag:s13] =	ssyncadd.s32 $0xFFFFE000  }
0x40: {  	[hbm4b:s7+s3] =	stream.linear.scatter [tilespmem:s25], [sflag:$0xC], $0x2000, $0x38;
	[tilespmem:$0x14000] =	vst v63  }
0x41: {  	_ =	swait.ge [sflag:s14], $0x2000  }
0x42: {  	[sflag:s14] =	ssyncset.done $0x0  }
0x43: {  	s15 =	simm.s32 $0x80;
	[sflag:s14] =	ssyncadd.s32 $0xFFFFE000  }
0x44: {  	[tilespmem:s17], [sflag:$0x1] =	stream.indirect.gather [hbm4b:s2+s28], $0x80, s15, s28, $0xb8;
	[tilespmem:$0x14000] =	vst v63  }
0x45: {  	_ =	swait.ge [sflag:s18], $0x2000  }
0x46: {  	[sflag:s18] =	ssyncset.done $0x0  }
0x47: {  	s16 =	rddreg [dreg:$0x11];
	[sflag:s18] =	ssyncadd.s32 $0xFFFFE000  }
0x48: {  	[hbm4b:s16+s3] =	stream.linear.scatter [tilespmem:s24], [sflag:$0xD], $0x2000, $0x38;
	[tilespmem:$0x14000] =	vst v63  }
0x49: {  	_ =	swait.ge [sflag:s19], $0x2000  }
0x4a: {  	[sflag:s19] =	ssyncset.done $0x0  }
0x4b: {  	s29 =	simm.s32 $0xC0;
	[sflag:s19] =	ssyncadd.s32 $0xFFFFE000  }
0x4c: {  	[tilespmem:s30], [sflag:$0x2] =	stream.indirect.gather [hbm4b:s2+s28], $0x80, s29, s28, $0xb8;
	[tilespmem:$0x14000] =	vst v63  }
0x4d: {  	_ =	swait.ge [sflag:s20], $0x2000  }
0x4e: {  	[sflag:s20] =	ssyncset.done $0x0  }
0x4f: {  	s7 =	rddreg [dreg:$0x12];
	[sflag:s20] =	ssyncadd.s32 $0xFFFFE000  }
0x50: {  	[hbm4b:s7+s3] =	stream.linear.scatter [tilespmem:s31], [sflag:$0xE], $0x2000, $0x38;
	[tilespmem:$0x14000] =	vst v63  }
0x51: {  	_ =	swait.ge [sflag:s22], $0x2000  }
0x52: {  	[sflag:s22] =	ssyncset.done $0x0  }
0x53: {  	s15 =	simm.s32 $0x480;
	[sflag:s22] =	ssyncadd.s32 $0xFFFFE000  }
0x54: {  	[tilespmem:s1], [sflag:$0x3] =	stream.indirect.gather [hbm4b:s2+s28], $0x80, s15, s28, $0xb8;
	[tilespmem:$0x14000] =	vst v63  }
0x55: {  	_ =	swait.ge [sflag:s26], $0x2000  }
0x56: {  	[sflag:s26] =	ssyncset.done $0x0  }
0x57: {  	s16 =	rddreg [dreg:$0x13];
	[sflag:s26] =	ssyncadd.s32 $0xFFFFE000  }
0x58: {  	[hbm4b:s16+s3] =	stream.linear.scatter [tilespmem:s12], [sflag:$0xF], $0x2000, $0x38;
	[tilespmem:$0x14000] =	vst v63  }
0x59: {  	_ =	swait.ge [sflag:s21], $0x2000  }
0x5a: {  	[sflag:s21] =	ssyncset.done $0x0  }
0x5b: {  	s29 =	simm.s32 $0x4C0;
	[sflag:s21] =	ssyncadd.s32 $0xFFFFE000  }
0x5c: {  	[tilespmem:s25], [sflag:$0x4] =	stream.indirect.gather [hbm4b:s2+s28], $0x80, s29, s28, $0xb8;
	[tilespmem:$0x14000] =	vst v63  }
0x5d: {  	_ =	swait.ge [sflag:s23], $0x2000  }
0x5e: {  	s16 =	simm.s32 $0x200;
	[sflag:s23] =	ssyncset.done $0x0  }
0x5f: {  	s29 =	simm.s32 $0x80;
	s7 =	rddreg [dreg:$0x14];
	[sflag:s23] =	ssyncadd.s32 $0xFFFFE000  }
0x60: {  	[hbm4b:s7+s3] =	stream.linear.scatter [tilespmem:s11], [sflag:$0x10], $0x2000, $0x38;
	[tilespmem:$0x14000] =	vst v63  }
0x61: {  	s15 =	sand.u32 $0x3000, s16;
	s16 =	sand.u32 $0x380, s29;
	_ =	swait.ge [sflag:s4], $0x2000  }
0x62: {  	s15 =	sor.u32 s16, s15;
	[sflag:s4] =	ssyncset.done $0x0  }
0x63: {  	s16 =	sor.u32 $0x800, s15;
	[sflag:s4] =	ssyncadd.s32 $0xFFFFE000  }
0x64: {  	[tilespmem:s24], [sflag:$0x5] =	stream.indirect.gather [hbm4b:s2+s28], $0x80, s16, s28, $0xb8;
	[tilespmem:$0x14000] =	vst v63  }
0x65: {  	_ =	swait.ge [sflag:s0], $0x2000  }
0x66: {  	[sflag:s0] =	ssyncset.done $0x0;
	s29 =	rddreg [dreg:$0x17]  }
0x67: {  	[sflag:s0] =	ssyncadd.s32 $0xFFFFE000;
	s0 =	rddreg [dreg:$0x4]  }
0x68: {  	s16 =	sadd.s32 s0, s29  }
0x69: {  	[hbm4b:s16+s3] =	stream.linear.scatter [tilespmem:s17], [sflag:$0x9], $0x2000, $0x38;
	[tilespmem:$0x14000] =	vst v63  }
0x6a: {  	_ =	swait.ge [sflag:s5], $0x2000  }
0x6b: {  	[sflag:s5] =	ssyncset.done $0x0  }
0x6c: {  	s7 =	sor.u32 $0x840, s15;
	[sflag:s5] =	ssyncadd.s32 $0xFFFFE000  }
0x6d: {  	[tilespmem:s31], [sflag:$0x6] =	stream.indirect.gather [hbm4b:s2+s28], $0x80, s7, s28, $0xb8;
	[tilespmem:$0x14000] =	vst v63  }
0x6e: {  	_ =	swait.ge [sflag:s6], $0x2000  }
0x6f: {  	[sflag:s6] =	ssyncset.done $0x0;
	s0 =	rddreg [dreg:$0x5]  }
0x70: {  	[sflag:s6] =	ssyncadd.s32 $0xFFFFE000;
	s16 =	sadd.s32 s29, s0  }
0x71: {  	[hbm4b:s16+s3] =	stream.linear.scatter [tilespmem:s30], [sflag:$0xA], $0x2000, $0x38;
	[tilespmem:$0x14000] =	vst v63  }
0x72: {  	_ =	swait.ge [sflag:s9], $0x2000  }
0x73: {  	[sflag:s9] =	ssyncset.done $0x0  }
0x74: {  	s7 =	sor.u32 $0xC00, s15;
	[sflag:s9] =	ssyncadd.s32 $0xFFFFE000  }
0x75: {  	[tilespmem:s12], [sflag:$0x7] =	stream.indirect.gather [hbm4b:s2+s28], $0x80, s7, s28, $0xb8;
	[tilespmem:$0x14000] =	vst v63  }
0x76: {  	_ =	swait.ge [sflag:s8], $0x2000  }
0x77: {  	[sflag:s8] =	ssyncset.done $0x0;
	s0 =	rddreg [dreg:$0x6]  }
0x78: {  	[sflag:s8] =	ssyncadd.s32 $0xFFFFE000;
	s16 =	sadd.s32 s29, s0  }
0x79: {  	[hbm4b:s16+s3] =	stream.linear.scatter [tilespmem:s1], [sflag:$0xB], $0x2000, $0x38;
	[tilespmem:$0x14000] =	vst v63  }
0x7a: {  	_ =	swait.ge [sflag:s10], $0x2000  }
0x7b: {  	[sflag:s10] =	ssyncset.done $0x0  }
0x7c: {  	s15 =	sor.u32 $0xC40, s15;
	[sflag:s10] =	ssyncadd.s32 $0xFFFFE000  }
0x7d: {  	[tilespmem:s11], [sflag:$0x8] =	stream.indirect.gather [hbm4b:s2+s28], $0x80, s15, s28, $0xb8;
	[tilespmem:$0x14000] =	vst v63  }
0x7e: {  	_ =	swait.ge [sflag:s13], $0x2000  }
0x7f: {  	[sflag:s13] =	ssyncset.done $0x0;
	s7 =	rddreg [dreg:$0x7]  }
0x80: {  	[sflag:s13] =	ssyncadd.s32 $0xFFFFE000;
	s15 =	sadd.s32 s29, s7  }
0x81: {  	[hbm4b:s15+s3] =	stream.linear.scatter [tilespmem:s25], [sflag:$0xC], $0x2000, $0x38;
	[tilespmem:$0x14000] =	vst v63  }
0x82: {  	s16 =	simm.s32 $0x400;
	s11 =	simm.s32 $0x100;
	_ =	swait.ge [sflag:s14], $0x2000  }
0x83: {  	s0 =	sand.u32 $0x7000, s16;
	s15 =	sand.u32 $0x380, s11;
	[sflag:s14] =	ssyncset.done $0x0  }
0x84: {  	s11 =	sor.u32 s15, s0;
	[sflag:s14] =	ssyncadd.s32 $0xFFFFE000  }
0x85: {  	[tilespmem:s17], [sflag:$0x1] =	stream.indirect.gather [hbm4b:s2+s28], $0x80, s11, s28, $0xb8;
	[tilespmem:$0x14000] =	vst v63  }
0x86: {  	_ =	swait.ge [sflag:s18], $0x2000  }
0x87: {  	[sflag:s18] =	ssyncset.done $0x0;
	s7 =	rddreg [dreg:$0x8]  }
0x88: {  	[sflag:s18] =	ssyncadd.s32 $0xFFFFE000;
	s15 =	sadd.s32 s29, s7  }
0x89: {  	[hbm4b:s15+s3] =	stream.linear.scatter [tilespmem:s24], [sflag:$0xD], $0x2000, $0x38;
	[tilespmem:$0x14000] =	vst v63  }
0x8a: {  	_ =	swait.ge [sflag:s19], $0x2000  }
0x8b: {  	[sflag:s19] =	ssyncset.done $0x0  }
0x8c: {  	s16 =	sor.u32 $0x40, s11;
	[sflag:s19] =	ssyncadd.s32 $0xFFFFE000  }
0x8d: {  	[tilespmem:s30], [sflag:$0x2] =	stream.indirect.gather [hbm4b:s2+s28], $0x80, s16, s28, $0xb8;
	[tilespmem:$0x14000] =	vst v63  }
0x8e: {  	_ =	swait.ge [sflag:s20], $0x2000  }
0x8f: {  	[sflag:s20] =	ssyncset.done $0x0;
	s17 =	rddreg [dreg:$0x9]  }
0x90: {  	[sflag:s20] =	ssyncadd.s32 $0xFFFFE000;
	s15 =	sadd.s32 s29, s17  }
0x91: {  	[hbm4b:s15+s3] =	stream.linear.scatter [tilespmem:s31], [sflag:$0xE], $0x2000, $0x38;
	[tilespmem:$0x14000] =	vst v63  }
0x92: {  	_ =	swait.ge [sflag:s22], $0x2000  }
0x93: {  	[sflag:s22] =	ssyncset.done $0x0  }
0x94: {  	s24 =	sor.u32 $0x400, s11;
	[sflag:s22] =	ssyncadd.s32 $0xFFFFE000  }
0x95: {  	[tilespmem:s1], [sflag:$0x3] =	stream.indirect.gather [hbm4b:s2+s28], $0x80, s24, s28, $0xb8;
	[tilespmem:$0x14000] =	vst v63  }
0x96: {  	_ =	swait.ge [sflag:s26], $0x2000  }
0x97: {  	[sflag:s26] =	ssyncset.done $0x0;
	s30 =	rddreg [dreg:$0xa]  }
0x98: {  	[sflag:s26] =	ssyncadd.s32 $0xFFFFE000;
	s15 =	sadd.s32 s29, s30  }
0x99: {  	[hbm4b:s15+s3] =	stream.linear.scatter [tilespmem:s12], [sflag:$0xF], $0x2000, $0x38;
	[tilespmem:$0x14000] =	vst v63  }
0x9a: {  	_ =	swait.ge [sflag:s21], $0x2000  }
0x9b: {  	[sflag:s21] =	ssyncset.done $0x0  }
0x9c: {  	s11 =	sor.u32 $0x440, s11;
	[sflag:s21] =	ssyncadd.s32 $0xFFFFE000  }
0x9d: {  	[tilespmem:s25], [sflag:$0x4] =	stream.indirect.gather [hbm4b:s2+s28], $0x80, s11, s28, $0xb8;
	[tilespmem:$0x14000] =	vst v63  }
0x9e: {  	s16 =	sadd.s32 $0x40000, s29;
	_ =	swait.ge [sflag:s23], $0x2000  }
0x9f: {  	s15 =	simm.s32 $0x600;
	[sflag:s23] =	ssyncset.done $0x0;
	s31 =	rddreg [dreg:$0xb]  }
0xa0: {  	s11 =	simm.s32 $0x180;
	[sflag:s23] =	ssyncadd.s32 $0xFFFFE000;
	s17 =	sadd.s32 s29, s31  }
.LBB2_2:
0xa1: {  	s24 =	simm.s32 $0x12000;
	s29 =	sadd.s32 $0xFFFFFE00, s15;
	s30 =	sadd.s32 $0xFFFFFF80, s11  }
0xa2: {  	[hbm4b:s17+s3] =	stream.linear.scatter [tilespmem:s24], [sflag:$0x10], $0x2000, $0x38;
	[tilespmem:$0x14000] =	vst v63  }
0xa3: {  	s29 =	sand.u32 $0x3000, s29;
	s30 =	sand.u32 $0x380, s30;
	_ =	swait.ge [sflag:s4], $0x2000  }
0xa4: {  	s7 =	simm.s32 $0xC000;
	s29 =	sor.u32 s30, s29;
	[sflag:s4] =	ssyncset.done $0x0  }
0xa5: {  	s0 =	simm.s32 $0x1;
	s30 =	sor.u32 $0x800, s29;
	[sflag:s4] =	ssyncadd.s32 $0xFFFFE000  }
0xa6: {  	[tilespmem:s7], [sflag:$0x5] =	stream.indirect.gather [hbm4b:s2+s28], $0x80, s30, s28, $0xb8;
	[tilespmem:$0x14000] =	vst v63  }
0xa7: {  	_ =	swait.ge [sflag:s0], $0x2000  }
0xa8: {  	[sflag:s0] =	ssyncset.done $0x0;
	s30 =	rddreg [dreg:$0x4]  }
0xa9: {  	s31 =	simm.s32 $0x4000;
	[sflag:s0] =	ssyncadd.s32 $0xFFFFE000;
	s30 =	sadd.s32 s30, s16  }
0xaa: {  	[hbm4b:s30+s3] =	stream.linear.scatter [tilespmem:s31], [sflag:$0x9], $0x2000, $0x38;
	[tilespmem:$0x14000] =	vst v63  }
0xab: {  	_ =	swait.ge [sflag:s5], $0x2000  }
0xac: {  	[sflag:s5] =	ssyncset.done $0x0  }
0xad: {  	s12 =	simm.s32 $0xE000;
	s30 =	sor.u32 $0x840, s29;
	[sflag:s5] =	ssyncadd.s32 $0xFFFFE000  }
0xae: {  	[tilespmem:s12], [sflag:$0x6] =	stream.indirect.gather [hbm4b:s2+s28], $0x80, s30, s28, $0xb8;
	[tilespmem:$0x14000] =	vst v63  }
0xaf: {  	_ =	swait.ge [sflag:s6], $0x2000  }
0xb0: {  	[sflag:s6] =	ssyncset.done $0x0;
	s30 =	rddreg [dreg:$0x5]  }
0xb1: {  	s1 =	simm.s32 $0x6000;
	[sflag:s6] =	ssyncadd.s32 $0xFFFFE000;
	s30 =	sadd.s32 s16, s30  }
0xb2: {  	[hbm4b:s30+s3] =	stream.linear.scatter [tilespmem:s1], [sflag:$0xA], $0x2000, $0x38;
	[tilespmem:$0x14000] =	vst v63  }
0xb3: {  	_ =	swait.ge [sflag:s9], $0x2000  }
0xb4: {  	[sflag:s9] =	ssyncset.done $0x0  }
0xb5: {  	s0 =	simm.s32 $0x10000;
	s30 =	sor.u32 $0xC00, s29;
	[sflag:s9] =	ssyncadd.s32 $0xFFFFE000  }
0xb6: {  	[tilespmem:s0], [sflag:$0x7] =	stream.indirect.gather [hbm4b:s2+s28], $0x80, s30, s28, $0xb8;
	[tilespmem:$0x14000] =	vst v63  }
0xb7: {  	_ =	swait.ge [sflag:s8], $0x2000  }
0xb8: {  	[sflag:s8] =	ssyncset.done $0x0;
	s30 =	rddreg [dreg:$0x6]  }
0xb9: {  	s25 =	simm.s32 $0x8000;
	[sflag:s8] =	ssyncadd.s32 $0xFFFFE000;
	s30 =	sadd.s32 s16, s30  }
0xba: {  	[hbm4b:s30+s3] =	stream.linear.scatter [tilespmem:s25], [sflag:$0xB], $0x2000, $0x38;
	[tilespmem:$0x14000] =	vst v63  }
0xbb: {  	_ =	swait.ge [sflag:s10], $0x2000  }
0xbc: {  	[sflag:s10] =	ssyncset.done $0x0  }
0xbd: {  	s29 =	sor.u32 $0xC40, s29;
	[sflag:s10] =	ssyncadd.s32 $0xFFFFE000  }
0xbe: {  	[tilespmem:s24], [sflag:$0x8] =	stream.indirect.gather [hbm4b:s2+s28], $0x80, s29, s28, $0xb8;
	[tilespmem:$0x14000] =	vst v63  }
0xbf: {  	_ =	swait.ge [sflag:s13], $0x2000  }
0xc0: {  	[sflag:s13] =	ssyncset.done $0x0;
	s24 =	rddreg [dreg:$0x7]  }
0xc1: {  	[sflag:s13] =	ssyncadd.s32 $0xFFFFE000;
	s29 =	sadd.s32 s16, s24;
	s24 =	simm.s32 $0xA000  }
0xc2: {  	[hbm4b:s29+s3] =	stream.linear.scatter [tilespmem:s24], [sflag:$0xC], $0x2000, $0x38;
	[tilespmem:$0x14000] =	vst v63  }
0xc3: {  	s17 =	smov.u32 s11;
	_ =	swait.ge [sflag:s14], $0x2000  }
0xc4: {  	s17 =	sand.u32 $0x380, s17;
	s29 =	sand.u32 $0x7000, s15;
	[sflag:s14] =	ssyncset.done $0x0  }
0xc5: {  	s17 =	sor.u32 s17, s29;
	[sflag:s14] =	ssyncadd.s32 $0xFFFFE000  }
0xc6: {  	[tilespmem:s31], [sflag:$0x1] =	stream.indirect.gather [hbm4b:s2+s28], $0x80, s17, s28, $0xb8;
	[tilespmem:$0x14000] =	vst v63  }
0xc7: {  	_ =	swait.ge [sflag:s18], $0x2000  }
0xc8: {  	[sflag:s18] =	ssyncset.done $0x0;
	s29 =	rddreg [dreg:$0x8]  }
0xc9: {  	[sflag:s18] =	ssyncadd.s32 $0xFFFFE000;
	s29 =	sadd.s32 s16, s29  }
0xca: {  	[hbm4b:s29+s3] =	stream.linear.scatter [tilespmem:s7], [sflag:$0xD], $0x2000, $0x38;
	[tilespmem:$0x14000] =	vst v63  }
0xcb: {  	_ =	swait.ge [sflag:s19], $0x2000  }
0xcc: {  	[sflag:s19] =	ssyncset.done $0x0  }
0xcd: {  	s7 =	sor.u32 $0x40, s17;
	[sflag:s19] =	ssyncadd.s32 $0xFFFFE000  }
0xce: {  	[tilespmem:s1], [sflag:$0x2] =	stream.indirect.gather [hbm4b:s2+s28], $0x80, s7, s28, $0xb8;
	[tilespmem:$0x14000] =	vst v63  }
0xcf: {  	_ =	swait.ge [sflag:s20], $0x2000  }
0xd0: {  	[sflag:s20] =	ssyncset.done $0x0;
	s7 =	rddreg [dreg:$0x9]  }
0xd1: {  	[sflag:s20] =	ssyncadd.s32 $0xFFFFE000;
	s29 =	sadd.s32 s16, s7  }
0xd2: {  	[hbm4b:s29+s3] =	stream.linear.scatter [tilespmem:s12], [sflag:$0xE], $0x2000, $0x38;
	[tilespmem:$0x14000] =	vst v63  }
0xd3: {  	_ =	swait.ge [sflag:s22], $0x2000  }
0xd4: {  	[sflag:s22] =	ssyncset.done $0x0  }
0xd5: {  	s12 =	sor.u32 $0x400, s17;
	[sflag:s22] =	ssyncadd.s32 $0xFFFFE000  }
0xd6: {  	[tilespmem:s25], [sflag:$0x3] =	stream.indirect.gather [hbm4b:s2+s28], $0x80, s12, s28, $0xb8;
	[tilespmem:$0x14000] =	vst v63  }
0xd7: {  	_ =	swait.ge [sflag:s26], $0x2000  }
0xd8: {  	[sflag:s26] =	ssyncset.done $0x0;
	s25 =	rddreg [dreg:$0xa]  }
0xd9: {  	[sflag:s26] =	ssyncadd.s32 $0xFFFFE000;
	s29 =	sadd.s32 s16, s25  }
0xda: {  	[hbm4b:s29+s3] =	stream.linear.scatter [tilespmem:s0], [sflag:$0xF], $0x2000, $0x38;
	[tilespmem:$0x14000] =	vst v63  }
0xdb: {  	p0 =	sne.s32 s11, $0xC80;
	s11 =	sadd.s32 $0x80, s11;
	_ =	swait.ge [sflag:s21], $0x2000  }
0xdc: {  	s30 =	simm.s32 $0x4000;
	s15 =	sadd.s32 $0x200, s15;
	[sflag:s21] =	ssyncset.done $0x0  }
.Ltmp0:
0xdd: {  	s17 =	sor.u32 $0x440, s17;
	[sflag:s21] =	ssyncadd.s32 $0xFFFFE000;
	(pc) =	sbr.rel @p0 .LBB2_2-.Ltmp0, $4  }
0xde: {  	[tilespmem:s24], [sflag:$0x4] =	stream.indirect.gather [hbm4b:s2+s28], $0x80, s17, s28, $0xb8;
	[tilespmem:$0x14000] =	vst v63  }
0xdf: {  	s31 =	simm.s32 $0x6000;
	s1 =	simm.s32 $0x8000;
	_ =	swait.ge [sflag:s23], $0x2000  }
0xe0: {  	s25 =	simm.s32 $0xA000;
	[sflag:s23] =	ssyncset.done $0x0;
	s29 =	rddreg [dreg:$0xb]  }
0xe1: {  	[sflag:s23] =	ssyncadd.s32 $0xFFFFE000;
	s17 =	sadd.s32 s16, s29;
	s16 =	sadd.s32 $0x40000, s16  }
0xe2: {  	s16 =	simm.s32 $0x12000  }
0xe3: {  	[hbm4b:s17+s3] =	stream.linear.scatter [tilespmem:s16], [sflag:$0x10], $0x2000, $0x38;
	[tilespmem:$0x14000] =	vst v63  }
0xe4: {  	_ =	swait.ge [sflag:s4], $0x2000  }
0xe5: {  	s7 =	simm.s32 $0xC000;
	[sflag:s4] =	ssyncset.done $0x0  }
0xe6: {  	s0 =	simm.s32 $0x3880;
	s15 =	simm.s32 $0x1;
	[sflag:s4] =	ssyncadd.s32 $0xFFFFE000  }
0xe7: {  	[tilespmem:s7], [sflag:$0x5] =	stream.indirect.gather [hbm4b:s2+s28], $0x80, s0, s28, $0xb8;
	[tilespmem:$0x14000] =	vst v63  }
0xe8: {  	_ =	swait.ge [sflag:s15], $0x2000  }
0xe9: {  	[sflag:s15] =	ssyncset.done $0x0;
	s11 =	rddreg [dreg:$0x4]  }
0xea: {  	[sflag:s15] =	ssyncadd.s32 $0xFFFFE000;
	s15 =	rddreg [dreg:$0x15]  }
0xeb: {  	s11 =	sadd.s32 s11, s15  }
0xec: {  	[hbm4b:s11+s3] =	stream.linear.scatter [tilespmem:s30], [sflag:$0x9], $0x2000, $0x38;
	[tilespmem:$0x14000] =	vst v63  }
0xed: {  	_ =	swait.ge [sflag:s5], $0x2000  }
0xee: {  	[sflag:s5] =	ssyncset.done $0x0  }
0xef: {  	s12 =	simm.s32 $0xE000;
	s17 =	simm.s32 $0x38C0;
	[sflag:s5] =	ssyncadd.s32 $0xFFFFE000  }
0xf0: {  	[tilespmem:s12], [sflag:$0x6] =	stream.indirect.gather [hbm4b:s2+s28], $0x80, s17, s28, $0xb8;
	[tilespmem:$0x14000] =	vst v63  }
0xf1: {  	_ =	swait.ge [sflag:s6], $0x2000  }
0xf2: {  	[sflag:s6] =	ssyncset.done $0x0;
	s24 =	rddreg [dreg:$0x5]  }
0xf3: {  	[sflag:s6] =	ssyncadd.s32 $0xFFFFE000;
	s11 =	sadd.s32 s24, s15  }
0xf4: {  	[hbm4b:s11+s3] =	stream.linear.scatter [tilespmem:s31], [sflag:$0xA], $0x2000, $0x38;
	[tilespmem:$0x14000] =	vst v63  }
0xf5: {  	_ =	swait.ge [sflag:s9], $0x2000  }
0xf6: {  	[sflag:s9] =	ssyncset.done $0x0  }
0xf7: {  	s29 =	simm.s32 $0x3C80;
	s0 =	simm.s32 $0x10000;
	[sflag:s9] =	ssyncadd.s32 $0xFFFFE000  }
0xf8: {  	[tilespmem:s0], [sflag:$0x7] =	stream.indirect.gather [hbm4b:s2+s28], $0x80, s29, s28, $0xb8;
	[tilespmem:$0x14000] =	vst v63  }
0xf9: {  	_ =	swait.ge [sflag:s8], $0x2000  }
0xfa: {  	[sflag:s8] =	ssyncset.done $0x0;
	s30 =	rddreg [dreg:$0x6]  }
0xfb: {  	[sflag:s8] =	ssyncadd.s32 $0xFFFFE000;
	s11 =	sadd.s32 s30, s15  }
0xfc: {  	[hbm4b:s11+s3] =	stream.linear.scatter [tilespmem:s1], [sflag:$0xB], $0x2000, $0x38;
	[tilespmem:$0x14000] =	vst v63  }
0xfd: {  	_ =	swait.ge [sflag:s10], $0x2000  }
0xfe: {  	[sflag:s10] =	ssyncset.done $0x0  }
0xff: {  	s31 =	simm.s32 $0x3CC0;
	[sflag:s10] =	ssyncadd.s32 $0xFFFFE000  }
0x100: {  	[tilespmem:s16], [sflag:$0x8] =	stream.indirect.gather [hbm4b:s2+s28], $0x80, s31, s28, $0xb8;
	[tilespmem:$0x14000] =	vst v63  }
0x101: {  	_ =	swait.ge [sflag:s13], $0x2000  }
0x102: {  	[sflag:s13] =	ssyncset.done $0x0;
	s1 =	rddreg [dreg:$0x7]  }
0x103: {  	[sflag:s13] =	ssyncadd.s32 $0xFFFFE000;
	s11 =	sadd.s32 s1, s15  }
0x104: {  	[hbm4b:s11+s3] =	stream.linear.scatter [tilespmem:s25], [sflag:$0xC], $0x2000, $0x38;
	[tilespmem:$0x14000] =	vst v63  }
0x105: {  	_ =	swait.ge [sflag:s14], $0x2000  }
0x106: {  	[sflag:s14] =	ssyncset.done $0x0  }
0x107: {  	[sflag:s14] =	ssyncadd.s32 $0xFFFFE000  }
0x108: {  	_ =	swait.ge [sflag:s18], $0x2000  }
0x109: {  	[sflag:s18] =	ssyncset.done $0x0;
	s17 =	rddreg [dreg:$0x8]  }
0x10a: {  	[sflag:s18] =	ssyncadd.s32 $0xFFFFE000;
	s11 =	sadd.s32 s17, s15  }
0x10b: {  	[hbm4b:s11+s3] =	stream.linear.scatter [tilespmem:s7], [sflag:$0xD], $0x2000, $0x38;
	[tilespmem:$0x14000] =	vst v63  }
0x10c: {  	_ =	swait.ge [sflag:s19], $0x2000  }
0x10d: {  	[sflag:s19] =	ssyncset.done $0x0  }
0x10e: {  	[sflag:s19] =	ssyncadd.s32 $0xFFFFE000  }
0x10f: {  	_ =	swait.ge [sflag:s20], $0x2000  }
0x110: {  	[sflag:s20] =	ssyncset.done $0x0;
	s24 =	rddreg [dreg:$0x9]  }
0x111: {  	[sflag:s20] =	ssyncadd.s32 $0xFFFFE000;
	s11 =	sadd.s32 s24, s15  }
0x112: {  	[hbm4b:s11+s3] =	stream.linear.scatter [tilespmem:s12], [sflag:$0xE], $0x2000, $0x38;
	[tilespmem:$0x14000] =	vst v63  }
0x113: {  	_ =	swait.ge [sflag:s22], $0x2000  }
0x114: {  	[sflag:s22] =	ssyncset.done $0x0  }
0x115: {  	[sflag:s22] =	ssyncadd.s32 $0xFFFFE000  }
0x116: {  	_ =	swait.ge [sflag:s26], $0x2000  }
0x117: {  	[sflag:s26] =	ssyncset.done $0x0;
	s25 =	rddreg [dreg:$0xa]  }
0x118: {  	[sflag:s26] =	ssyncadd.s32 $0xFFFFE000;
	s11 =	sadd.s32 s25, s15  }
0x119: {  	[hbm4b:s11+s3] =	stream.linear.scatter [tilespmem:s0], [sflag:$0xF], $0x2000, $0x38;
	[tilespmem:$0x14000] =	vst v63  }
0x11a: {  	_ =	swait.ge [sflag:s21], $0x2000  }
0x11b: {  	[sflag:s21] =	ssyncset.done $0x0  }
0x11c: {  	[sflag:s21] =	ssyncadd.s32 $0xFFFFE000  }
0x11d: {  	_ =	swait.ge [sflag:s23], $0x2000  }
0x11e: {  	[sflag:s23] =	ssyncset.done $0x0;
	s29 =	rddreg [dreg:$0xb]  }
0x11f: {  	[sflag:s23] =	ssyncadd.s32 $0xFFFFE000;
	s11 =	sadd.s32 s29, s15  }
0x120: {  	[hbm4b:s11+s3] =	stream.linear.scatter [tilespmem:s16], [sflag:$0x10], $0x2000, $0x38;
	[tilespmem:$0x14000] =	vst v63  }
0x121: {  	_ =	swait.ge [sflag:s4], $0x2000  }
0x122: {  	[sflag:s4] =	ssyncset.done $0x0  }
0x123: {  	[sflag:s4] =	ssyncadd.s32 $0xFFFFE000  }
0x124: {  	_ =	swait.ge [sflag:s5], $0x2000  }
0x125: {  	[sflag:s5] =	ssyncset.done $0x0  }
0x126: {  	[sflag:s5] =	ssyncadd.s32 $0xFFFFE000  }
0x127: {  	_ =	swait.ge [sflag:s9], $0x2000  }
0x128: {  	[sflag:s9] =	ssyncset.done $0x0  }
0x129: {  	[sflag:s9] =	ssyncadd.s32 $0xFFFFE000  }
0x12a: {  	_ =	swait.ge [sflag:s10], $0x2000  }
0x12b: {  	s30 =	rddreg [dreg:$0x18]  }
0x12c: {  	s31 =	rddreg [dreg:$0x16];
	s0 =	sadd.s32 $0x1, s30  }
0x12d: {  	p0 =	sne.s32 s0, s31  }
.Ltmp1:
0x12e: {  	_ = 	snop;
	(pc) =	sbr.rel @p0 .LBB2_1-.Ltmp1, $3  }
0x12f: {  	_ =	sdelay $0x1  }
0x130: {  	[sflag:s10] =	ssyncset.done $0x0  }
0x131: {  	[sflag:s10] =	ssyncadd.s32 $0xFFFFE000  }
0x132: {  	_ =	sfence.sel $0x180000  }
0x133: {  	[bflag:$0x0] =	sbarrier.arrive $0xFFFF  }
0x134: {  	_ =	strace $0x90000047  }
0x135: {  	s0 =	stileid.u32;
	[bflag:$0x2] =	sbarrier.arrive $0xFFFF  }
0x136: {  	p0 =	sne.s32 s0, $0x0;
	s0 =	rddreg [dreg:$0x3]  }
0x137: {  	s0 =	sadd.s32 @!p0 $0x100000, s0  }
0x138: {  	[sflag:s0] =	ssyncadd.tile.s32 @!p0 $0x1;
	_ =	shalt  }
.Lfunc_end2:
_tile_overlayer_lowered:
.L_overlay_start_2:
0x139: {  	(tag) =	ssettag $0x2  }
0x13a: {  	s0 =	rddreg [dreg:$0x0];
	s2 =	stileid.u32  }
0x13b: {  	s1 =	rddreg [dreg:$0x1];
	p0 =	sne.s32 s2, $0x0  }
0x13c: {  	s3 =	rddreg [dreg:$0x2];
	[bflag:$0x3] =	sbarrier.arrive $0xFFFF;
	s2 =	simm.s32 @!p0 $0x1C11  }
0x13d: {  	[timem:s3], [sflag:s2] =	dma.local @!p0 [hbm:s0], s1  }
0x13e: {  	s0 =	simm.s32 @!p0 $0x11  }
0x13f: {  	_ =	swait.ge @!p0 [sflag:s0], s1  }
0x140: {  	s1 =	ssub.s32 @!p0 $0x0, s1;
	[sflag:s0] =	ssyncset.done @!p0 $0x0  }
0x141: {  	[sflag:s0] =	ssyncadd.s32 @!p0 s1  }
0x142: {  	[bflag:$0x3] =	sbarrier.arrive $0xFFFF  }
0x143: {  	_ =	shalt  }

</sc_bundles>
